<compile_context>
chip_gen: v7x
topology: tpu7x:2x2x1
jax: 0.10.2.dev20260603
libtpu: 0.0.44.dev20260713+nightly
codegen_flags: <defaults>
</compile_context>

<pallas_src>
import functools
import math

import jax
import jax.numpy as jnp
from jax import lax
from jax.experimental import pallas as pl
from jax.experimental.pallas import tpu as pltpu
from jax.experimental.pallas import tpu_sc as plsc

_NC = 2
_NS = 16
_NW = _NC * _NS
_LANES = 16
_GA = 104
_NBUF = 6
_LOOK = 4


def _sc_embed(idx_a, idx_b, token_table, pos_table, *,
              batch, seq, dim, scale):
  rpw = batch // _NW
  nu = 2 * rpw
  nq = (nu - _LOOK) // _NBUF
  tail = nu - nq * _NBUF
  gsz = (_GA, seq - _GA)
  goff = (0, _GA)
  mesh = plsc.VectorSubcoreMesh(
      core_axis_name="c", subcore_axis_name="s",
      num_cores=_NC, num_subcores=_NS)

  @functools.partial(
      pl.kernel,
      mesh=mesh,
      out_type=jax.ShapeDtypeStruct((batch, seq, dim), jnp.float32),
      scratch_types=(
          [pltpu.VMEM((rpw, gsz[0]), jnp.int32),
           pltpu.VMEM((rpw, gsz[1]), jnp.int32),
           pltpu.VMEM((_NBUF, _GA, dim), jnp.float32),
           pltpu.VMEM((seq, dim), jnp.float32)]
          + [pltpu.SemaphoreType.DMA] * (2 * _NBUF + 1)
      ),
  )
  def k(ia_hbm, ib_hbm, table_hbm, pos_hbm, out_hbm,
        ia_v, ib_v, rows_v, pos_v, *sems):
    sem_g = sems[:_NBUF]
    sem_w = sems[_NBUF:2 * _NBUF]
    sem_p = sems[2 * _NBUF]
    idx_v = (ia_v, ib_v)
    wid = lax.axis_index("s") * _NC + lax.axis_index("c")
    rbase = wid * rpw
    pltpu.sync_copy(ia_hbm.at[pl.ds(rbase, rpw)], ia_v)
    pltpu.sync_copy(ib_hbm.at[pl.ds(rbase, rpw)], ib_v)

    def gather(row_l, half, b):
      pltpu.async_copy(
          table_hbm.at[idx_v[half].at[row_l]],
          rows_v.at[b, pl.ds(0, gsz[half])], sem_g[b])

    def wait_gather(half, b):
      pltpu.make_async_copy(
          table_hbm.at[idx_v[half].at[0]],
          rows_v.at[b, pl.ds(0, gsz[half])], sem_g[b]).wait()

    def wait_write(half, b):
      pltpu.make_async_copy(
          rows_v.at[b, pl.ds(0, gsz[half])],
          out_hbm.at[0, pl.ds(goff[half], gsz[half])], sem_w[b]).wait()

    def fma_write(u_row, half, b):
      def fma(l, c, _b=b, _ph=goff[half]):
        for d in range(dim // _LANES):
          sl = pl.ds(d * _LANES, _LANES)
          rows_v[_b, l, sl] = rows_v[_b, l, sl] * scale + pos_v[_ph + l, sl]
        return c
      lax.fori_loop(0, gsz[half], fma, 0)
      pltpu.async_copy(
          rows_v.at[b, pl.ds(0, gsz[half])],
          out_hbm.at[u_row, pl.ds(goff[half], gsz[half])], sem_w[b])

    for u in range(_LOOK):
      gather(u // 2, u % 2, u)
    pltpu.async_copy(pos_hbm, pos_v, sem_p).wait()

    def step(q, carry):
      for b in range(_NBUF):
        u = q * _NBUF + b
        row_l = q * (_NBUF // 2) + b // 2
        half = b % 2
        wait_gather(half, b)

        bn = (b + _LOOK) % _NBUF
        if b < _NBUF - _LOOK:
          @pl.when(q > 0)
          def _():
            wait_write(half, bn)
        else:
          wait_write(half, bn)
        gather(row_l + _LOOK // 2, half, bn)

        fma_write(rbase + row_l, half, b)
      return carry

    lax.fori_loop(0, nq, step, 0)

    for t in range(tail):
      u = nq * _NBUF + t
      b = u % _NBUF
      wait_gather(u % 2, b)
      fma_write(rbase + u // 2, u % 2, b)

    for u in range(nu - _NBUF, nu):
      wait_write(u % 2, u % _NBUF)

  return k(idx_a, idx_b, token_table, pos_table)


def kernel(inputs, token_table, pos_table):
  batch, seq = inputs.shape
  vocab, dim = token_table.shape
  scale = float(math.sqrt(dim))
  return _sc_embed(inputs[:, :_GA], inputs[:, _GA:], token_table, pos_table,
                   batch=batch, seq=seq, dim=dim, scale=scale)

# --- scband reference (transcript-rebuilt; emitter-appended) ---
"""Pipeline reference for scband-positional-embedding-12025908428866 (READ-ONLY COPY).

The authoritative reference and input builder live on the scoring server;
editing this copy changes nothing except your own understanding.
"""

import jax, jax.numpy as jnp
import numpy as np

SEQ_LEN = 200
VOCAB = 100000
EMBED_DIM = 128
BATCH = 1024


def setup_inputs(seed: int = 0) -> dict:
    key = jax.random.key(seed)
    k1, k2, k3 = jax.random.split(key, 3)
    inputs = jax.random.randint(k1, (BATCH, SEQ_LEN), 0, VOCAB, dtype=jnp.int64 if jax.config.jax_enable_x64 else jnp.int32).astype(jnp.int32)
    token_table = jax.random.normal(k2, (VOCAB, EMBED_DIM), dtype=jnp.float32) * 0.02
    pos_table = jax.random.normal(k3, (SEQ_LEN, EMBED_DIM), dtype=jnp.float32) * 0.02
    return {"inputs": inputs, "token_table": token_table, "pos_table": pos_table}


def reference(inputs, token_table, pos_table):
    embed_dim = token_table.shape[1]
    embed_scale = jnp.sqrt(jnp.asarray(embed_dim, dtype=jnp.float32))
    # token embedding lookup (gather)
    embed_tokens = jnp.take(token_table, inputs, axis=0)
    embed_tokens = embed_tokens * embed_scale
    # position embedding: positions 0..L-1 broadcast over batch
    L = inputs.shape[1]
    embed_position = pos_table[:L]  # [L, D]
    return embed_tokens + embed_position[None, :, :]

if __name__ == "__main__":
    import jax
    _d = setup_inputs()
    print(jax.jit(kernel)(*tuple(_d.values())))

</pallas_src>

<mosaic_0001>
#map = affine_map<(d0, d1) -> (0, 0)>
#map1 = affine_map<(d0, d1) -> (0, 0, 0)>
module attributes {stable_mosaic.version = 14 : i64} {
  func.func @k(%arg0: i32, %arg1: i32, %arg2: memref<1024x104xi32, #tpu.memory_space<hbm>>, %arg3: memref<1024x96xi32, #tpu.memory_space<hbm>>, %arg4: memref<100000x128xf32, #tpu.memory_space<hbm>>, %arg5: memref<200x128xf32, #tpu.memory_space<hbm>>, %arg6: memref<1024x200x128xf32, #tpu.memory_space<hbm>>, %arg7: memref<32x104xi32, #tpu.memory_space<vmem>>, %arg8: memref<32x96xi32, #tpu.memory_space<vmem>>, %arg9: memref<6x104x128xf32, #tpu.memory_space<vmem>>, %arg10: memref<200x128xf32, #tpu.memory_space<vmem>>, %arg11: memref<!tpu.dma_semaphore, #tpu.memory_space<semaphore_mem>>, %arg12: memref<!tpu.dma_semaphore, #tpu.memory_space<semaphore_mem>>, %arg13: memref<!tpu.dma_semaphore, #tpu.memory_space<semaphore_mem>>, %arg14: memref<!tpu.dma_semaphore, #tpu.memory_space<semaphore_mem>>, %arg15: memref<!tpu.dma_semaphore, #tpu.memory_space<semaphore_mem>>, %arg16: memref<!tpu.dma_semaphore, #tpu.memory_space<semaphore_mem>>, %arg17: memref<!tpu.dma_semaphore, #tpu.memory_space<semaphore_mem>>, %arg18: memref<!tpu.dma_semaphore, #tpu.memory_space<semaphore_mem>>, %arg19: memref<!tpu.dma_semaphore, #tpu.memory_space<semaphore_mem>>, %arg20: memref<!tpu.dma_semaphore, #tpu.memory_space<semaphore_mem>>, %arg21: memref<!tpu.dma_semaphore, #tpu.memory_space<semaphore_mem>>, %arg22: memref<!tpu.dma_semaphore, #tpu.memory_space<semaphore_mem>>, %arg23: memref<!tpu.dma_semaphore, #tpu.memory_space<semaphore_mem>>) attributes {dimension_semantics = [#tpu.dimension_semantics<core_parallel>, #tpu.dimension_semantics<subcore_parallel>], iteration_bounds = array<i64: 2, 16>, scalar_prefetch = 0 : i64, scratch_operands = 17 : i64, tpu.core_type = #tpu.core_type<sc_vector_subcore>, window_params = [{transform_indices = #map}, {transform_indices = #map}, {transform_indices = #map}, {transform_indices = #map}, {transform_indices = #map1}]} {
    %mul3A = arith.constant 2 : i32
    %mul3A_0 = arith.muli %arg1, %mul3A : i32
    %add3A = arith.addi %mul3A_0, %arg0 : i32
    %mul3A_1 = arith.constant 32 : i32
    %mul3A_2 = arith.muli %add3A, %mul3A_1 : i32
    "tpu.region"() ({
      %run_scoped3A = tpu.sem_alloc : memref<!tpu.dma_semaphore, #tpu.memory_space<semaphore_mem>>
      %dma_start3A_310 = arith.constant 0 : i32
      %dma_start3A_311 = tpu.memref_slice %arg2[%mul3A_2, %dma_start3A_310] : memref<1024x104xi32, #tpu.memory_space<hbm>> -> memref<32x104xi32, #tpu.memory_space<hbm>>
      %dma_start3A_312 = arith.constant 0 : i32
      %dma_start3A_313 = tpu.memref_slice %arg2[%mul3A_2, %dma_start3A_312] : memref<1024x104xi32, #tpu.memory_space<hbm>> -> memref<32x104xi32, #tpu.memory_space<hbm>>
      tpu.enqueue_dma source(%dma_start3A_313 : memref<32x104xi32, #tpu.memory_space<hbm>>) target(%arg7 : memref<32x104xi32, #tpu.memory_space<vmem>>) target_semaphore(%run_scoped3A : memref<!tpu.dma_semaphore, #tpu.memory_space<semaphore_mem>>)
      %dma_wait3A_314 = arith.constant 0 : i32
      %dma_wait3A_315 = tpu.memref_slice %arg2[%mul3A_2, %dma_wait3A_314] : memref<1024x104xi32, #tpu.memory_space<hbm>> -> memref<32x104xi32, #tpu.memory_space<hbm>>
      %dma_wait3A_316 = arith.constant 0 : i32
      %dma_wait3A_317 = tpu.memref_slice %arg2[%mul3A_2, %dma_wait3A_316] : memref<1024x104xi32, #tpu.memory_space<hbm>> -> memref<32x104xi32, #tpu.memory_space<hbm>>
      tpu.wait_dma2 semaphore(%run_scoped3A : memref<!tpu.dma_semaphore, #tpu.memory_space<semaphore_mem>>) src(%dma_wait3A_317 : memref<32x104xi32, #tpu.memory_space<hbm>>) dst(%arg7 : memref<32x104xi32, #tpu.memory_space<vmem>>)
      tpu.yield
    }) : () -> ()
    "tpu.region"() ({
      %run_scoped3A = tpu.sem_alloc : memref<!tpu.dma_semaphore, #tpu.memory_space<semaphore_mem>>
      %dma_start3A_310 = arith.constant 0 : i32
      %dma_start3A_311 = tpu.memref_slice %arg3[%mul3A_2, %dma_start3A_310] : memref<1024x96xi32, #tpu.memory_space<hbm>> -> memref<32x96xi32, #tpu.memory_space<hbm>>
      %dma_start3A_312 = arith.constant 0 : i32
      %dma_start3A_313 = tpu.memref_slice %arg3[%mul3A_2, %dma_start3A_312] : memref<1024x96xi32, #tpu.memory_space<hbm>> -> memref<32x96xi32, #tpu.memory_space<hbm>>
      tpu.enqueue_dma source(%dma_start3A_313 : memref<32x96xi32, #tpu.memory_space<hbm>>) target(%arg8 : memref<32x96xi32, #tpu.memory_space<vmem>>) target_semaphore(%run_scoped3A : memref<!tpu.dma_semaphore, #tpu.memory_space<semaphore_mem>>)
      %dma_wait3A_314 = arith.constant 0 : i32
      %dma_wait3A_315 = tpu.memref_slice %arg3[%mul3A_2, %dma_wait3A_314] : memref<1024x96xi32, #tpu.memory_space<hbm>> -> memref<32x96xi32, #tpu.memory_space<hbm>>
      %dma_wait3A_316 = arith.constant 0 : i32
      %dma_wait3A_317 = tpu.memref_slice %arg3[%mul3A_2, %dma_wait3A_316] : memref<1024x96xi32, #tpu.memory_space<hbm>> -> memref<32x96xi32, #tpu.memory_space<hbm>>
      tpu.wait_dma2 semaphore(%run_scoped3A : memref<!tpu.dma_semaphore, #tpu.memory_space<semaphore_mem>>) src(%dma_wait3A_317 : memref<32x96xi32, #tpu.memory_space<hbm>>) dst(%arg8 : memref<32x96xi32, #tpu.memory_space<vmem>>)
      tpu.yield
    }) : () -> ()
    %dma_start3A = arith.constant 0 : i32
    %dma_start3A_3 = arith.constant 0 : i32
    %dma_start3A_4 = arith.constant 0 : i32
    %dma_start3A_5 = arith.constant 0 : i32
    %dma_start3A_6 = tpu.memref_slice %arg9[%dma_start3A_3, %dma_start3A_4, %dma_start3A_5] : memref<6x104x128xf32, #tpu.memory_space<vmem>> -> memref<1x104x128xf32, #tpu.memory_space<vmem>>
    %dma_start3A_7 = tpu.memref_squeeze %dma_start3A_6 : memref<1x104x128xf32, #tpu.memory_space<vmem>> -> memref<104x128xf32, #tpu.memory_space<vmem>>
    %dma_start3A_8 = arith.constant 0 : i32
    %dma_start3A_9 = tpu.memref_slice %arg7[%dma_start3A, %dma_start3A_8] : memref<32x104xi32, #tpu.memory_space<vmem>> -> memref<1x104xi32, #tpu.memory_space<vmem>>
    %dma_start3A_10 = tpu.memref_squeeze %dma_start3A_9 : memref<1x104xi32, #tpu.memory_space<vmem>> -> memref<104xi32, #tpu.memory_space<vmem>>
    %dma_start3A_11 = arith.constant 0 : i32
    %dma_start3A_12 = arith.constant 0 : i32
    %dma_start3A_13 = tpu.memref_slice %arg4[%dma_start3A_11, %dma_start3A_12] : memref<100000x128xf32, #tpu.memory_space<hbm>> -> memref<100000x128xf32, #tpu.memory_space<hbm>>
    tpu.enqueue_indirect_dma source(%dma_start3A_13 : memref<100000x128xf32, #tpu.memory_space<hbm>>) target(%dma_start3A_7 : memref<104x128xf32, #tpu.memory_space<vmem>>) offsets(%dma_start3A_10 : memref<104xi32, #tpu.memory_space<vmem>>) semaphore(%arg11 : memref<!tpu.dma_semaphore, #tpu.memory_space<semaphore_mem>>)
    %dma_start3A_14 = arith.constant 0 : i32
    %dma_start3A_15 = arith.constant 1 : i32
    %dma_start3A_16 = arith.constant 0 : i32
    %dma_start3A_17 = arith.constant 0 : i32
    %dma_start3A_18 = tpu.memref_slice %arg9[%dma_start3A_15, %dma_start3A_16, %dma_start3A_17] : memref<6x104x128xf32, #tpu.memory_space<vmem>> -> memref<1x96x128xf32, #tpu.memory_space<vmem>>
    %dma_start3A_19 = tpu.memref_squeeze %dma_start3A_18 : memref<1x96x128xf32, #tpu.memory_space<vmem>> -> memref<96x128xf32, #tpu.memory_space<vmem>>
    %dma_start3A_20 = arith.constant 0 : i32
    %dma_start3A_21 = tpu.memref_slice %arg8[%dma_start3A_14, %dma_start3A_20] : memref<32x96xi32, #tpu.memory_space<vmem>> -> memref<1x96xi32, #tpu.memory_space<vmem>>
    %dma_start3A_22 = tpu.memref_squeeze %dma_start3A_21 : memref<1x96xi32, #tpu.memory_space<vmem>> -> memref<96xi32, #tpu.memory_space<vmem>>
    %dma_start3A_23 = arith.constant 0 : i32
    %dma_start3A_24 = arith.constant 0 : i32
    %dma_start3A_25 = tpu.memref_slice %arg4[%dma_start3A_23, %dma_start3A_24] : memref<100000x128xf32, #tpu.memory_space<hbm>> -> memref<100000x128xf32, #tpu.memory_space<hbm>>
    tpu.enqueue_indirect_dma source(%dma_start3A_25 : memref<100000x128xf32, #tpu.memory_space<hbm>>) target(%dma_start3A_19 : memref<96x128xf32, #tpu.memory_space<vmem>>) offsets(%dma_start3A_22 : memref<96xi32, #tpu.memory_space<vmem>>) semaphore(%arg12 : memref<!tpu.dma_semaphore, #tpu.memory_space<semaphore_mem>>)
    %dma_start3A_26 = arith.constant 1 : i32
    %dma_start3A_27 = arith.constant 2 : i32
    %dma_start3A_28 = arith.constant 0 : i32
    %dma_start3A_29 = arith.constant 0 : i32
    %dma_start3A_30 = tpu.memref_slice %arg9[%dma_start3A_27, %dma_start3A_28, %dma_start3A_29] : memref<6x104x128xf32, #tpu.memory_space<vmem>> -> memref<1x104x128xf32, #tpu.memory_space<vmem>>
    %dma_start3A_31 = tpu.memref_squeeze %dma_start3A_30 : memref<1x104x128xf32, #tpu.memory_space<vmem>> -> memref<104x128xf32, #tpu.memory_space<vmem>>
    %dma_start3A_32 = arith.constant 0 : i32
    %dma_start3A_33 = tpu.memref_slice %arg7[%dma_start3A_26, %dma_start3A_32] : memref<32x104xi32, #tpu.memory_space<vmem>> -> memref<1x104xi32, #tpu.memory_space<vmem>>
    %dma_start3A_34 = tpu.memref_squeeze %dma_start3A_33 : memref<1x104xi32, #tpu.memory_space<vmem>> -> memref<104xi32, #tpu.memory_space<vmem>>
    %dma_start3A_35 = arith.constant 0 : i32
    %dma_start3A_36 = arith.constant 0 : i32
    %dma_start3A_37 = tpu.memref_slice %arg4[%dma_start3A_35, %dma_start3A_36] : memref<100000x128xf32, #tpu.memory_space<hbm>> -> memref<100000x128xf32, #tpu.memory_space<hbm>>
    tpu.enqueue_indirect_dma source(%dma_start3A_37 : memref<100000x128xf32, #tpu.memory_space<hbm>>) target(%dma_start3A_31 : memref<104x128xf32, #tpu.memory_space<vmem>>) offsets(%dma_start3A_34 : memref<104xi32, #tpu.memory_space<vmem>>) semaphore(%arg13 : memref<!tpu.dma_semaphore, #tpu.memory_space<semaphore_mem>>)
    %dma_start3A_38 = arith.constant 1 : i32
    %dma_start3A_39 = arith.constant 3 : i32
    %dma_start3A_40 = arith.constant 0 : i32
    %dma_start3A_41 = arith.constant 0 : i32
    %dma_start3A_42 = tpu.memref_slice %arg9[%dma_start3A_39, %dma_start3A_40, %dma_start3A_41] : memref<6x104x128xf32, #tpu.memory_space<vmem>> -> memref<1x96x128xf32, #tpu.memory_space<vmem>>
    %dma_start3A_43 = tpu.memref_squeeze %dma_start3A_42 : memref<1x96x128xf32, #tpu.memory_space<vmem>> -> memref<96x128xf32, #tpu.memory_space<vmem>>
    %dma_start3A_44 = arith.constant 0 : i32
    %dma_start3A_45 = tpu.memref_slice %arg8[%dma_start3A_38, %dma_start3A_44] : memref<32x96xi32, #tpu.memory_space<vmem>> -> memref<1x96xi32, #tpu.memory_space<vmem>>
    %dma_start3A_46 = tpu.memref_squeeze %dma_start3A_45 : memref<1x96xi32, #tpu.memory_space<vmem>> -> memref<96xi32, #tpu.memory_space<vmem>>
    %dma_start3A_47 = arith.constant 0 : i32
    %dma_start3A_48 = arith.constant 0 : i32
    %dma_start3A_49 = tpu.memref_slice %arg4[%dma_start3A_47, %dma_start3A_48] : memref<100000x128xf32, #tpu.memory_space<hbm>> -> memref<100000x128xf32, #tpu.memory_space<hbm>>
    tpu.enqueue_indirect_dma source(%dma_start3A_49 : memref<100000x128xf32, #tpu.memory_space<hbm>>) target(%dma_start3A_43 : memref<96x128xf32, #tpu.memory_space<vmem>>) offsets(%dma_start3A_46 : memref<96xi32, #tpu.memory_space<vmem>>) semaphore(%arg14 : memref<!tpu.dma_semaphore, #tpu.memory_space<semaphore_mem>>)
    tpu.enqueue_dma source(%arg5 : memref<200x128xf32, #tpu.memory_space<hbm>>) target(%arg10 : memref<200x128xf32, #tpu.memory_space<vmem>>) target_semaphore(%arg23 : memref<!tpu.dma_semaphore, #tpu.memory_space<semaphore_mem>>)
    tpu.wait_dma2 semaphore(%arg23 : memref<!tpu.dma_semaphore, #tpu.memory_space<semaphore_mem>>) src(%arg5 : memref<200x128xf32, #tpu.memory_space<hbm>>) dst(%arg10 : memref<200x128xf32, #tpu.memory_space<vmem>>)
    %scan3A = arith.constant 0 : i32
    %scan3A_50 = arith.constant 0 : i32
    %scan3A_51 = arith.constant 10 : i32
    %scan3A_52 = arith.addi %scan3A_50, %scan3A_51 : i32
    %scan3A_53 = arith.constant 1 : i32
    scf.for %scan3A_310 = %scan3A_50 to %scan3A_52 step %scan3A_53  : i32 {
      %mul3A_311 = arith.constant 6 : i32
      %mul3A_312 = arith.muli %scan3A_310, %mul3A_311 : i32
      %add3A_313 = arith.constant 0 : i32
      %add3A_314 = arith.addi %mul3A_312, %add3A_313 : i32
      %mul3A_315 = arith.constant 3 : i32
      %mul3A_316 = arith.muli %scan3A_310, %mul3A_315 : i32
      %add3A_317 = arith.constant 0 : i32
      %add3A_318 = arith.addi %mul3A_316, %add3A_317 : i32
      %dma_wait3A_319 = arith.constant 0 : i32
      %dma_wait3A_320 = arith.constant 0 : i32
      %dma_wait3A_321 = arith.constant 0 : i32
      %dma_wait3A_322 = arith.constant 0 : i32
      %dma_wait3A_323 = tpu.memref_slice %arg9[%dma_wait3A_320, %dma_wait3A_321, %dma_wait3A_322] : memref<6x104x128xf32, #tpu.memory_space<vmem>> -> memref<1x104x128xf32, #tpu.memory_space<vmem>>
      %dma_wait3A_324 = tpu.memref_squeeze %dma_wait3A_323 : memref<1x104x128xf32, #tpu.memory_space<vmem>> -> memref<104x128xf32, #tpu.memory_space<vmem>>
      %dma_wait3A_325 = arith.constant 0 : i32
      %dma_wait3A_326 = tpu.memref_slice %arg7[%dma_wait3A_319, %dma_wait3A_325] : memref<32x104xi32, #tpu.memory_space<vmem>> -> memref<1x104xi32, #tpu.memory_space<vmem>>
      %dma_wait3A_327 = tpu.memref_squeeze %dma_wait3A_326 : memref<1x104xi32, #tpu.memory_space<vmem>> -> memref<104xi32, #tpu.memory_space<vmem>>
      %dma_wait3A_328 = arith.constant 0 : i32
      %dma_wait3A_329 = arith.constant 0 : i32
      %dma_wait3A_330 = tpu.memref_slice %arg4[%dma_wait3A_328, %dma_wait3A_329] : memref<100000x128xf32, #tpu.memory_space<hbm>> -> memref<100000x128xf32, #tpu.memory_space<hbm>>
      tpu.wait_indirect_dma semaphore(%arg11 : memref<!tpu.dma_semaphore, #tpu.memory_space<semaphore_mem>>) src(%dma_wait3A_330 : memref<100000x128xf32, #tpu.memory_space<hbm>>) dst(%dma_wait3A_324 : memref<104x128xf32, #tpu.memory_space<vmem>>)
      %gt3A = arith.constant 0 : i32
      %gt3A_331 = arith.cmpi sgt, %scan3A_310, %gt3A : i32
      %convert_element_type3A = arith.extui %gt3A_331 : i1 to i32
      %cond3A = arith.constant 0 : i32
      %cond3A_332 = arith.cmpi ne, %convert_element_type3A, %cond3A : i32
      scf.if %cond3A_332 {
        %dma_wait3A_732 = arith.constant 4 : i32
        %dma_wait3A_733 = arith.constant 0 : i32
        %dma_wait3A_734 = arith.constant 0 : i32
        %dma_wait3A_735 = arith.constant 0 : i32
        %dma_wait3A_736 = tpu.memref_slice %arg9[%dma_wait3A_732, %dma_wait3A_734, %dma_wait3A_735] : memref<6x104x128xf32, #tpu.memory_space<vmem>> -> memref<1x104x128xf32, #tpu.memory_space<vmem>>
        %dma_wait3A_737 = tpu.memref_squeeze %dma_wait3A_736 : memref<1x104x128xf32, #tpu.memory_space<vmem>> -> memref<104x128xf32, #tpu.memory_space<vmem>>
        %dma_wait3A_738 = arith.constant 0 : i32
        %dma_wait3A_739 = arith.constant 0 : i32
        %dma_wait3A_740 = tpu.memref_slice %arg6[%dma_wait3A_733, %dma_wait3A_738, %dma_wait3A_739] : memref<1024x200x128xf32, #tpu.memory_space<hbm>> -> memref<1x104x128xf32, #tpu.memory_space<hbm>>
        %dma_wait3A_741 = tpu.memref_squeeze %dma_wait3A_740 : memref<1x104x128xf32, #tpu.memory_space<hbm>> -> memref<104x128xf32, #tpu.memory_space<hbm>>
        %dma_wait3A_742 = arith.constant 0 : i32
        %dma_wait3A_743 = arith.constant 0 : i32
        %dma_wait3A_744 = tpu.memref_slice %arg6[%dma_wait3A_733, %dma_wait3A_742, %dma_wait3A_743] : memref<1024x200x128xf32, #tpu.memory_space<hbm>> -> memref<1x104x128xf32, #tpu.memory_space<hbm>>
        %dma_wait3A_745 = tpu.memref_squeeze %dma_wait3A_744 : memref<1x104x128xf32, #tpu.memory_space<hbm>> -> memref<104x128xf32, #tpu.memory_space<hbm>>
        %dma_wait3A_746 = arith.constant 0 : i32
        %dma_wait3A_747 = arith.constant 0 : i32
        %dma_wait3A_748 = tpu.memref_slice %arg9[%dma_wait3A_732, %dma_wait3A_746, %dma_wait3A_747] : memref<6x104x128xf32, #tpu.memory_space<vmem>> -> memref<1x104x128xf32, #tpu.memory_space<vmem>>
        %dma_wait3A_749 = tpu.memref_squeeze %dma_wait3A_748 : memref<1x104x128xf32, #tpu.memory_space<vmem>> -> memref<104x128xf32, #tpu.memory_space<vmem>>
        tpu.wait_dma2 semaphore(%arg21 : memref<!tpu.dma_semaphore, #tpu.memory_space<semaphore_mem>>) src(%dma_wait3A_749 : memref<104x128xf32, #tpu.memory_space<vmem>>) dst(%dma_wait3A_745 : memref<104x128xf32, #tpu.memory_space<hbm>>)
      } else {
      }
      %add3A_333 = arith.constant 2 : i32
      %add3A_334 = arith.addi %add3A_318, %add3A_333 : i32
      %dma_start3A_335 = arith.constant 4 : i32
      %dma_start3A_336 = arith.constant 0 : i32
      %dma_start3A_337 = arith.constant 0 : i32
      %dma_start3A_338 = tpu.memref_slice %arg9[%dma_start3A_335, %dma_start3A_336, %dma_start3A_337] : memref<6x104x128xf32, #tpu.memory_space<vmem>> -> memref<1x104x128xf32, #tpu.memory_space<vmem>>
      %dma_start3A_339 = tpu.memref_squeeze %dma_start3A_338 : memref<1x104x128xf32, #tpu.memory_space<vmem>> -> memref<104x128xf32, #tpu.memory_space<vmem>>
      %dma_start3A_340 = arith.constant 0 : i32
      %dma_start3A_341 = tpu.memref_slice %arg7[%add3A_334, %dma_start3A_340] : memref<32x104xi32, #tpu.memory_space<vmem>> -> memref<1x104xi32, #tpu.memory_space<vmem>>
      %dma_start3A_342 = tpu.memref_squeeze %dma_start3A_341 : memref<1x104xi32, #tpu.memory_space<vmem>> -> memref<104xi32, #tpu.memory_space<vmem>>
      %dma_start3A_343 = arith.constant 0 : i32
      %dma_start3A_344 = arith.constant 0 : i32
      %dma_start3A_345 = tpu.memref_slice %arg4[%dma_start3A_343, %dma_start3A_344] : memref<100000x128xf32, #tpu.memory_space<hbm>> -> memref<100000x128xf32, #tpu.memory_space<hbm>>
      tpu.enqueue_indirect_dma source(%dma_start3A_345 : memref<100000x128xf32, #tpu.memory_space<hbm>>) target(%dma_start3A_339 : memref<104x128xf32, #tpu.memory_space<vmem>>) offsets(%dma_start3A_342 : memref<104xi32, #tpu.memory_space<vmem>>) semaphore(%arg15 : memref<!tpu.dma_semaphore, #tpu.memory_space<semaphore_mem>>)
      %add3A_346 = arith.addi %mul3A_2, %add3A_318 : i32
      %scan3A_347 = arith.constant 0 : i32
      %scan3A_348 = arith.constant 0 : i32
      %scan3A_349 = arith.constant 104 : i32
      %scan3A_350 = arith.addi %scan3A_348, %scan3A_349 : i32
      %scan3A_351 = arith.constant 1 : i32
      scf.for %scan3A_732 = %scan3A_348 to %scan3A_350 step %scan3A_351  : i32 {
        %get3A = arith.constant 0 : i32
        %get3A_733 = arith.index_cast %get3A : i32 to index
        %get3A_734 = arith.index_cast %scan3A_732 : i32 to index
        %get3A_735 = arith.constant 0 : index
        %get3A_736 = tpu.vector_load %arg9[%get3A_733, %get3A_734, %get3A_735] {strides = array<i32>} : memref<6x104x128xf32, #tpu.memory_space<vmem>>, vector<1x1x16xf32>,
        %get3A_737 = vector.shape_cast %get3A_736 : vector<1x1x16xf32> to vector<16xf32>
        %mul3A_738 = arith.constant 11.3137083 : f32
        %mul3A_739 = vector.broadcast %mul3A_738 : f32 to vector<16xf32>
        %mul3A_740 = arith.mulf %get3A_737, %mul3A_739 : vector<16xf32>
        %add3A_741 = arith.constant 0 : i32
        %add3A_742 = arith.addi %add3A_741, %scan3A_732 : i32
        %get3A_743 = arith.index_cast %add3A_742 : i32 to index
        %get3A_744 = arith.constant 0 : index
        %get3A_745 = tpu.vector_load %arg10[%get3A_743, %get3A_744] {strides = array<i32>} : memref<200x128xf32, #tpu.memory_space<vmem>>, vector<1x16xf32>,
        %get3A_746 = vector.shape_cast %get3A_745 : vector<1x16xf32> to vector<16xf32>
        %add3A_747 = arith.addf %mul3A_740, %get3A_746 : vector<16xf32>
        %swap3A = arith.constant 0 : i32
        %swap3A_748 = arith.index_cast %swap3A : i32 to index
        %swap3A_749 = arith.index_cast %scan3A_732 : i32 to index
        %swap3A_750 = arith.constant 0 : index
        %swap3A_751 = tpu.vector_load %arg9[%swap3A_748, %swap3A_749, %swap3A_750] {strides = array<i32>} : memref<6x104x128xf32, #tpu.memory_space<vmem>>, vector<1x1x16xf32>,
        %swap3A_752 = vector.shape_cast %swap3A_751 : vector<1x1x16xf32> to vector<16xf32>
        %swap3A_753 = vector.shape_cast %add3A_747 : vector<16xf32> to vector<1x1x16xf32>
        tpu.vector_store %arg9[%swap3A_748, %swap3A_749, %swap3A_750], %swap3A_753 {strides = array<i32>} : memref<6x104x128xf32, #tpu.memory_space<vmem>>, vector<1x1x16xf32>,
        %get3A_754 = arith.constant 0 : i32
        %get3A_755 = arith.index_cast %get3A_754 : i32 to index
        %get3A_756 = arith.index_cast %scan3A_732 : i32 to index
        %get3A_757 = arith.constant 16 : index
        %get3A_758 = tpu.vector_load %arg9[%get3A_755, %get3A_756, %get3A_757] {strides = array<i32>} : memref<6x104x128xf32, #tpu.memory_space<vmem>>, vector<1x1x16xf32>,
        %get3A_759 = vector.shape_cast %get3A_758 : vector<1x1x16xf32> to vector<16xf32>
        %mul3A_760 = arith.constant 11.3137083 : f32
        %mul3A_761 = vector.broadcast %mul3A_760 : f32 to vector<16xf32>
        %mul3A_762 = arith.mulf %get3A_759, %mul3A_761 : vector<16xf32>
        %add3A_763 = arith.constant 0 : i32
        %add3A_764 = arith.addi %add3A_763, %scan3A_732 : i32
        %get3A_765 = arith.index_cast %add3A_764 : i32 to index
        %get3A_766 = arith.constant 16 : index
        %get3A_767 = tpu.vector_load %arg10[%get3A_765, %get3A_766] {strides = array<i32>} : memref<200x128xf32, #tpu.memory_space<vmem>>, vector<1x16xf32>,
        %get3A_768 = vector.shape_cast %get3A_767 : vector<1x16xf32> to vector<16xf32>
        %add3A_769 = arith.addf %mul3A_762, %get3A_768 : vector<16xf32>
        %swap3A_770 = arith.constant 0 : i32
        %swap3A_771 = arith.index_cast %swap3A_770 : i32 to index
        %swap3A_772 = arith.index_cast %scan3A_732 : i32 to index
        %swap3A_773 = arith.constant 16 : index
        %swap3A_774 = tpu.vector_load %arg9[%swap3A_771, %swap3A_772, %swap3A_773] {strides = array<i32>} : memref<6x104x128xf32, #tpu.memory_space<vmem>>, vector<1x1x16xf32>,
        %swap3A_775 = vector.shape_cast %swap3A_774 : vector<1x1x16xf32> to vector<16xf32>
        %swap3A_776 = vector.shape_cast %add3A_769 : vector<16xf32> to vector<1x1x16xf32>
        tpu.vector_store %arg9[%swap3A_771, %swap3A_772, %swap3A_773], %swap3A_776 {strides = array<i32>} : memref<6x104x128xf32, #tpu.memory_space<vmem>>, vector<1x1x16xf32>,
        %get3A_777 = arith.constant 0 : i32
        %get3A_778 = arith.index_cast %get3A_777 : i32 to index
        %get3A_779 = arith.index_cast %scan3A_732 : i32 to index
        %get3A_780 = arith.constant 32 : index
        %get3A_781 = tpu.vector_load %arg9[%get3A_778, %get3A_779, %get3A_780] {strides = array<i32>} : memref<6x104x128xf32, #tpu.memory_space<vmem>>, vector<1x1x16xf32>,
        %get3A_782 = vector.shape_cast %get3A_781 : vector<1x1x16xf32> to vector<16xf32>
        %mul3A_783 = arith.constant 11.3137083 : f32
        %mul3A_784 = vector.broadcast %mul3A_783 : f32 to vector<16xf32>
        %mul3A_785 = arith.mulf %get3A_782, %mul3A_784 : vector<16xf32>
        %add3A_786 = arith.constant 0 : i32
        %add3A_787 = arith.addi %add3A_786, %scan3A_732 : i32
        %get3A_788 = arith.index_cast %add3A_787 : i32 to index
        %get3A_789 = arith.constant 32 : index
        %get3A_790 = tpu.vector_load %arg10[%get3A_788, %get3A_789] {strides = array<i32>} : memref<200x128xf32, #tpu.memory_space<vmem>>, vector<1x16xf32>,
        %get3A_791 = vector.shape_cast %get3A_790 : vector<1x16xf32> to vector<16xf32>
        %add3A_792 = arith.addf %mul3A_785, %get3A_791 : vector<16xf32>
        %swap3A_793 = arith.constant 0 : i32
        %swap3A_794 = arith.index_cast %swap3A_793 : i32 to index
        %swap3A_795 = arith.index_cast %scan3A_732 : i32 to index
        %swap3A_796 = arith.constant 32 : index
        %swap3A_797 = tpu.vector_load %arg9[%swap3A_794, %swap3A_795, %swap3A_796] {strides = array<i32>} : memref<6x104x128xf32, #tpu.memory_space<vmem>>, vector<1x1x16xf32>,
        %swap3A_798 = vector.shape_cast %swap3A_797 : vector<1x1x16xf32> to vector<16xf32>
        %swap3A_799 = vector.shape_cast %add3A_792 : vector<16xf32> to vector<1x1x16xf32>
        tpu.vector_store %arg9[%swap3A_794, %swap3A_795, %swap3A_796], %swap3A_799 {strides = array<i32>} : memref<6x104x128xf32, #tpu.memory_space<vmem>>, vector<1x1x16xf32>,
        %get3A_800 = arith.constant 0 : i32
        %get3A_801 = arith.index_cast %get3A_800 : i32 to index
        %get3A_802 = arith.index_cast %scan3A_732 : i32 to index
        %get3A_803 = arith.constant 48 : index
        %get3A_804 = tpu.vector_load %arg9[%get3A_801, %get3A_802, %get3A_803] {strides = array<i32>} : memref<6x104x128xf32, #tpu.memory_space<vmem>>, vector<1x1x16xf32>,
        %get3A_805 = vector.shape_cast %get3A_804 : vector<1x1x16xf32> to vector<16xf32>
        %mul3A_806 = arith.constant 11.3137083 : f32
        %mul3A_807 = vector.broadcast %mul3A_806 : f32 to vector<16xf32>
        %mul3A_808 = arith.mulf %get3A_805, %mul3A_807 : vector<16xf32>
        %add3A_809 = arith.constant 0 : i32
        %add3A_810 = arith.addi %add3A_809, %scan3A_732 : i32
        %get3A_811 = arith.index_cast %add3A_810 : i32 to index
        %get3A_812 = arith.constant 48 : index
        %get3A_813 = tpu.vector_load %arg10[%get3A_811, %get3A_812] {strides = array<i32>} : memref<200x128xf32, #tpu.memory_space<vmem>>, vector<1x16xf32>,
        %get3A_814 = vector.shape_cast %get3A_813 : vector<1x16xf32> to vector<16xf32>
        %add3A_815 = arith.addf %mul3A_808, %get3A_814 : vector<16xf32>
        %swap3A_816 = arith.constant 0 : i32
        %swap3A_817 = arith.index_cast %swap3A_816 : i32 to index
        %swap3A_818 = arith.index_cast %scan3A_732 : i32 to index
        %swap3A_819 = arith.constant 48 : index
        %swap3A_820 = tpu.vector_load %arg9[%swap3A_817, %swap3A_818, %swap3A_819] {strides = array<i32>} : memref<6x104x128xf32, #tpu.memory_space<vmem>>, vector<1x1x16xf32>,
        %swap3A_821 = vector.shape_cast %swap3A_820 : vector<1x1x16xf32> to vector<16xf32>
        %swap3A_822 = vector.shape_cast %add3A_815 : vector<16xf32> to vector<1x1x16xf32>
        tpu.vector_store %arg9[%swap3A_817, %swap3A_818, %swap3A_819], %swap3A_822 {strides = array<i32>} : memref<6x104x128xf32, #tpu.memory_space<vmem>>, vector<1x1x16xf32>,
        %get3A_823 = arith.constant 0 : i32
        %get3A_824 = arith.index_cast %get3A_823 : i32 to index
        %get3A_825 = arith.index_cast %scan3A_732 : i32 to index
        %get3A_826 = arith.constant 64 : index
        %get3A_827 = tpu.vector_load %arg9[%get3A_824, %get3A_825, %get3A_826] {strides = array<i32>} : memref<6x104x128xf32, #tpu.memory_space<vmem>>, vector<1x1x16xf32>,
        %get3A_828 = vector.shape_cast %get3A_827 : vector<1x1x16xf32> to vector<16xf32>
        %mul3A_829 = arith.constant 11.3137083 : f32
        %mul3A_830 = vector.broadcast %mul3A_829 : f32 to vector<16xf32>
        %mul3A_831 = arith.mulf %get3A_828, %mul3A_830 : vector<16xf32>
        %add3A_832 = arith.constant 0 : i32
        %add3A_833 = arith.addi %add3A_832, %scan3A_732 : i32
        %get3A_834 = arith.index_cast %add3A_833 : i32 to index
        %get3A_835 = arith.constant 64 : index
        %get3A_836 = tpu.vector_load %arg10[%get3A_834, %get3A_835] {strides = array<i32>} : memref<200x128xf32, #tpu.memory_space<vmem>>, vector<1x16xf32>,
        %get3A_837 = vector.shape_cast %get3A_836 : vector<1x16xf32> to vector<16xf32>
        %add3A_838 = arith.addf %mul3A_831, %get3A_837 : vector<16xf32>
        %swap3A_839 = arith.constant 0 : i32
        %swap3A_840 = arith.index_cast %swap3A_839 : i32 to index
        %swap3A_841 = arith.index_cast %scan3A_732 : i32 to index
        %swap3A_842 = arith.constant 64 : index
        %swap3A_843 = tpu.vector_load %arg9[%swap3A_840, %swap3A_841, %swap3A_842] {strides = array<i32>} : memref<6x104x128xf32, #tpu.memory_space<vmem>>, vector<1x1x16xf32>,
        %swap3A_844 = vector.shape_cast %swap3A_843 : vector<1x1x16xf32> to vector<16xf32>
        %swap3A_845 = vector.shape_cast %add3A_838 : vector<16xf32> to vector<1x1x16xf32>
        tpu.vector_store %arg9[%swap3A_840, %swap3A_841, %swap3A_842], %swap3A_845 {strides = array<i32>} : memref<6x104x128xf32, #tpu.memory_space<vmem>>, vector<1x1x16xf32>,
        %get3A_846 = arith.constant 0 : i32
        %get3A_847 = arith.index_cast %get3A_846 : i32 to index
        %get3A_848 = arith.index_cast %scan3A_732 : i32 to index
        %get3A_849 = arith.constant 80 : index
        %get3A_850 = tpu.vector_load %arg9[%get3A_847, %get3A_848, %get3A_849] {strides = array<i32>} : memref<6x104x128xf32, #tpu.memory_space<vmem>>, vector<1x1x16xf32>,
        %get3A_851 = vector.shape_cast %get3A_850 : vector<1x1x16xf32> to vector<16xf32>
        %mul3A_852 = arith.constant 11.3137083 : f32
        %mul3A_853 = vector.broadcast %mul3A_852 : f32 to vector<16xf32>
        %mul3A_854 = arith.mulf %get3A_851, %mul3A_853 : vector<16xf32>
        %add3A_855 = arith.constant 0 : i32
        %add3A_856 = arith.addi %add3A_855, %scan3A_732 : i32
        %get3A_857 = arith.index_cast %add3A_856 : i32 to index
        %get3A_858 = arith.constant 80 : index
        %get3A_859 = tpu.vector_load %arg10[%get3A_857, %get3A_858] {strides = array<i32>} : memref<200x128xf32, #tpu.memory_space<vmem>>, vector<1x16xf32>,
        %get3A_860 = vector.shape_cast %get3A_859 : vector<1x16xf32> to vector<16xf32>
        %add3A_861 = arith.addf %mul3A_854, %get3A_860 : vector<16xf32>
        %swap3A_862 = arith.constant 0 : i32
        %swap3A_863 = arith.index_cast %swap3A_862 : i32 to index
        %swap3A_864 = arith.index_cast %scan3A_732 : i32 to index
        %swap3A_865 = arith.constant 80 : index
        %swap3A_866 = tpu.vector_load %arg9[%swap3A_863, %swap3A_864, %swap3A_865] {strides = array<i32>} : memref<6x104x128xf32, #tpu.memory_space<vmem>>, vector<1x1x16xf32>,
        %swap3A_867 = vector.shape_cast %swap3A_866 : vector<1x1x16xf32> to vector<16xf32>
        %swap3A_868 = vector.shape_cast %add3A_861 : vector<16xf32> to vector<1x1x16xf32>
        tpu.vector_store %arg9[%swap3A_863, %swap3A_864, %swap3A_865], %swap3A_868 {strides = array<i32>} : memref<6x104x128xf32, #tpu.memory_space<vmem>>, vector<1x1x16xf32>,
        %get3A_869 = arith.constant 0 : i32
        %get3A_870 = arith.index_cast %get3A_869 : i32 to index
        %get3A_871 = arith.index_cast %scan3A_732 : i32 to index
        %get3A_872 = arith.constant 96 : index
        %get3A_873 = tpu.vector_load %arg9[%get3A_870, %get3A_871, %get3A_872] {strides = array<i32>} : memref<6x104x128xf32, #tpu.memory_space<vmem>>, vector<1x1x16xf32>,
        %get3A_874 = vector.shape_cast %get3A_873 : vector<1x1x16xf32> to vector<16xf32>
        %mul3A_875 = arith.constant 11.3137083 : f32
        %mul3A_876 = vector.broadcast %mul3A_875 : f32 to vector<16xf32>
        %mul3A_877 = arith.mulf %get3A_874, %mul3A_876 : vector<16xf32>
        %add3A_878 = arith.constant 0 : i32
        %add3A_879 = arith.addi %add3A_878, %scan3A_732 : i32
        %get3A_880 = arith.index_cast %add3A_879 : i32 to index
        %get3A_881 = arith.constant 96 : index
        %get3A_882 = tpu.vector_load %arg10[%get3A_880, %get3A_881] {strides = array<i32>} : memref<200x128xf32, #tpu.memory_space<vmem>>, vector<1x16xf32>,
        %get3A_883 = vector.shape_cast %get3A_882 : vector<1x16xf32> to vector<16xf32>
        %add3A_884 = arith.addf %mul3A_877, %get3A_883 : vector<16xf32>
        %swap3A_885 = arith.constant 0 : i32
        %swap3A_886 = arith.index_cast %swap3A_885 : i32 to index
        %swap3A_887 = arith.index_cast %scan3A_732 : i32 to index
        %swap3A_888 = arith.constant 96 : index
        %swap3A_889 = tpu.vector_load %arg9[%swap3A_886, %swap3A_887, %swap3A_888] {strides = array<i32>} : memref<6x104x128xf32, #tpu.memory_space<vmem>>, vector<1x1x16xf32>,
        %swap3A_890 = vector.shape_cast %swap3A_889 : vector<1x1x16xf32> to vector<16xf32>
        %swap3A_891 = vector.shape_cast %add3A_884 : vector<16xf32> to vector<1x1x16xf32>
        tpu.vector_store %arg9[%swap3A_886, %swap3A_887, %swap3A_888], %swap3A_891 {strides = array<i32>} : memref<6x104x128xf32, #tpu.memory_space<vmem>>, vector<1x1x16xf32>,
        %get3A_892 = arith.constant 0 : i32
        %get3A_893 = arith.index_cast %get3A_892 : i32 to index
        %get3A_894 = arith.index_cast %scan3A_732 : i32 to index
        %get3A_895 = arith.constant 112 : index
        %get3A_896 = tpu.vector_load %arg9[%get3A_893, %get3A_894, %get3A_895] {strides = array<i32>} : memref<6x104x128xf32, #tpu.memory_space<vmem>>, vector<1x1x16xf32>,
        %get3A_897 = vector.shape_cast %get3A_896 : vector<1x1x16xf32> to vector<16xf32>
        %mul3A_898 = arith.constant 11.3137083 : f32
        %mul3A_899 = vector.broadcast %mul3A_898 : f32 to vector<16xf32>
        %mul3A_900 = arith.mulf %get3A_897, %mul3A_899 : vector<16xf32>
        %add3A_901 = arith.constant 0 : i32
        %add3A_902 = arith.addi %add3A_901, %scan3A_732 : i32
        %get3A_903 = arith.index_cast %add3A_902 : i32 to index
        %get3A_904 = arith.constant 112 : index
        %get3A_905 = tpu.vector_load %arg10[%get3A_903, %get3A_904] {strides = array<i32>} : memref<200x128xf32, #tpu.memory_space<vmem>>, vector<1x16xf32>,
        %get3A_906 = vector.shape_cast %get3A_905 : vector<1x16xf32> to vector<16xf32>
        %add3A_907 = arith.addf %mul3A_900, %get3A_906 : vector<16xf32>
        %swap3A_908 = arith.constant 0 : i32
        %swap3A_909 = arith.index_cast %swap3A_908 : i32 to index
        %swap3A_910 = arith.index_cast %scan3A_732 : i32 to index
        %swap3A_911 = arith.constant 112 : index
        %swap3A_912 = tpu.vector_load %arg9[%swap3A_909, %swap3A_910, %swap3A_911] {strides = array<i32>} : memref<6x104x128xf32, #tpu.memory_space<vmem>>, vector<1x1x16xf32>,
        %swap3A_913 = vector.shape_cast %swap3A_912 : vector<1x1x16xf32> to vector<16xf32>
        %swap3A_914 = vector.shape_cast %add3A_907 : vector<16xf32> to vector<1x1x16xf32>
        tpu.vector_store %arg9[%swap3A_909, %swap3A_910, %swap3A_911], %swap3A_914 {strides = array<i32>} : memref<6x104x128xf32, #tpu.memory_space<vmem>>, vector<1x1x16xf32>,
      }
      %scan3A_352 = arith.constant 104 : i32
      %dma_start3A_353 = arith.constant 0 : i32
      %dma_start3A_354 = arith.constant 0 : i32
      %dma_start3A_355 = arith.constant 0 : i32
      %dma_start3A_356 = tpu.memref_slice %arg9[%dma_start3A_353, %dma_start3A_354, %dma_start3A_355] : memref<6x104x128xf32, #tpu.memory_space<vmem>> -> memref<1x104x128xf32, #tpu.memory_space<vmem>>
      %dma_start3A_357 = tpu.memref_squeeze %dma_start3A_356 : memref<1x104x128xf32, #tpu.memory_space<vmem>> -> memref<104x128xf32, #tpu.memory_space<vmem>>
      %dma_start3A_358 = arith.constant 0 : i32
      %dma_start3A_359 = arith.constant 0 : i32
      %dma_start3A_360 = tpu.memref_slice %arg6[%add3A_346, %dma_start3A_358, %dma_start3A_359] : memref<1024x200x128xf32, #tpu.memory_space<hbm>> -> memref<1x104x128xf32, #tpu.memory_space<hbm>>
      %dma_start3A_361 = tpu.memref_squeeze %dma_start3A_360 : memref<1x104x128xf32, #tpu.memory_space<hbm>> -> memref<104x128xf32, #tpu.memory_space<hbm>>
      %dma_start3A_362 = arith.constant 0 : i32
      %dma_start3A_363 = arith.constant 0 : i32
      %dma_start3A_364 = tpu.memref_slice %arg6[%add3A_346, %dma_start3A_362, %dma_start3A_363] : memref<1024x200x128xf32, #tpu.memory_space<hbm>> -> memref<1x104x128xf32, #tpu.memory_space<hbm>>
      %dma_start3A_365 = tpu.memref_squeeze %dma_start3A_364 : memref<1x104x128xf32, #tpu.memory_space<hbm>> -> memref<104x128xf32, #tpu.memory_space<hbm>>
      %dma_start3A_366 = arith.constant 0 : i32
      %dma_start3A_367 = arith.constant 0 : i32
      %dma_start3A_368 = tpu.memref_slice %arg9[%dma_start3A_353, %dma_start3A_366, %dma_start3A_367] : memref<6x104x128xf32, #tpu.memory_space<vmem>> -> memref<1x104x128xf32, #tpu.memory_space<vmem>>
      %dma_start3A_369 = tpu.memref_squeeze %dma_start3A_368 : memref<1x104x128xf32, #tpu.memory_space<vmem>> -> memref<104x128xf32, #tpu.memory_space<vmem>>
      tpu.enqueue_dma source(%dma_start3A_369 : memref<104x128xf32, #tpu.memory_space<vmem>>) target(%dma_start3A_365 : memref<104x128xf32, #tpu.memory_space<hbm>>) target_semaphore(%arg17 : memref<!tpu.dma_semaphore, #tpu.memory_space<semaphore_mem>>)
      %mul3A_370 = arith.constant 6 : i32
      %mul3A_371 = arith.muli %scan3A_310, %mul3A_370 : i32
      %add3A_372 = arith.constant 1 : i32
      %add3A_373 = arith.addi %mul3A_371, %add3A_372 : i32
      %mul3A_374 = arith.constant 3 : i32
      %mul3A_375 = arith.muli %scan3A_310, %mul3A_374 : i32
      %add3A_376 = arith.constant 0 : i32
      %add3A_377 = arith.addi %mul3A_375, %add3A_376 : i32
      %dma_wait3A_378 = arith.constant 0 : i32
      %dma_wait3A_379 = arith.constant 1 : i32
      %dma_wait3A_380 = arith.constant 0 : i32
      %dma_wait3A_381 = arith.constant 0 : i32
      %dma_wait3A_382 = tpu.memref_slice %arg9[%dma_wait3A_379, %dma_wait3A_380, %dma_wait3A_381] : memref<6x104x128xf32, #tpu.memory_space<vmem>> -> memref<1x96x128xf32, #tpu.memory_space<vmem>>
      %dma_wait3A_383 = tpu.memref_squeeze %dma_wait3A_382 : memref<1x96x128xf32, #tpu.memory_space<vmem>> -> memref<96x128xf32, #tpu.memory_space<vmem>>
      %dma_wait3A_384 = arith.constant 0 : i32
      %dma_wait3A_385 = tpu.memref_slice %arg8[%dma_wait3A_378, %dma_wait3A_384] : memref<32x96xi32, #tpu.memory_space<vmem>> -> memref<1x96xi32, #tpu.memory_space<vmem>>
      %dma_wait3A_386 = tpu.memref_squeeze %dma_wait3A_385 : memref<1x96xi32, #tpu.memory_space<vmem>> -> memref<96xi32, #tpu.memory_space<vmem>>
      %dma_wait3A_387 = arith.constant 0 : i32
      %dma_wait3A_388 = arith.constant 0 : i32
      %dma_wait3A_389 = tpu.memref_slice %arg4[%dma_wait3A_387, %dma_wait3A_388] : memref<100000x128xf32, #tpu.memory_space<hbm>> -> memref<100000x128xf32, #tpu.memory_space<hbm>>
      tpu.wait_indirect_dma semaphore(%arg12 : memref<!tpu.dma_semaphore, #tpu.memory_space<semaphore_mem>>) src(%dma_wait3A_389 : memref<100000x128xf32, #tpu.memory_space<hbm>>) dst(%dma_wait3A_383 : memref<96x128xf32, #tpu.memory_space<vmem>>)
      %gt3A_390 = arith.constant 0 : i32
      %gt3A_391 = arith.cmpi sgt, %scan3A_310, %gt3A_390 : i32
      %convert_element_type3A_392 = arith.extui %gt3A_391 : i1 to i32
      %cond3A_393 = arith.constant 0 : i32
      %cond3A_394 = arith.cmpi ne, %convert_element_type3A_392, %cond3A_393 : i32
      scf.if %cond3A_394 {
        %dma_wait3A_732 = arith.constant 5 : i32
        %dma_wait3A_733 = arith.constant 0 : i32
        %dma_wait3A_734 = arith.constant 0 : i32
        %dma_wait3A_735 = arith.constant 0 : i32
        %dma_wait3A_736 = tpu.memref_slice %arg9[%dma_wait3A_732, %dma_wait3A_734, %dma_wait3A_735] : memref<6x104x128xf32, #tpu.memory_space<vmem>> -> memref<1x96x128xf32, #tpu.memory_space<vmem>>
        %dma_wait3A_737 = tpu.memref_squeeze %dma_wait3A_736 : memref<1x96x128xf32, #tpu.memory_space<vmem>> -> memref<96x128xf32, #tpu.memory_space<vmem>>
        %dma_wait3A_738 = arith.constant 104 : i32
        %dma_wait3A_739 = arith.constant 0 : i32
        %dma_wait3A_740 = tpu.memref_slice %arg6[%dma_wait3A_733, %dma_wait3A_738, %dma_wait3A_739] : memref<1024x200x128xf32, #tpu.memory_space<hbm>> -> memref<1x96x128xf32, #tpu.memory_space<hbm>>
        %dma_wait3A_741 = tpu.memref_squeeze %dma_wait3A_740 : memref<1x96x128xf32, #tpu.memory_space<hbm>> -> memref<96x128xf32, #tpu.memory_space<hbm>>
        %dma_wait3A_742 = arith.constant 104 : i32
        %dma_wait3A_743 = arith.constant 0 : i32
        %dma_wait3A_744 = tpu.memref_slice %arg6[%dma_wait3A_733, %dma_wait3A_742, %dma_wait3A_743] : memref<1024x200x128xf32, #tpu.memory_space<hbm>> -> memref<1x96x128xf32, #tpu.memory_space<hbm>>
        %dma_wait3A_745 = tpu.memref_squeeze %dma_wait3A_744 : memref<1x96x128xf32, #tpu.memory_space<hbm>> -> memref<96x128xf32, #tpu.memory_space<hbm>>
        %dma_wait3A_746 = arith.constant 0 : i32
        %dma_wait3A_747 = arith.constant 0 : i32
        %dma_wait3A_748 = tpu.memref_slice %arg9[%dma_wait3A_732, %dma_wait3A_746, %dma_wait3A_747] : memref<6x104x128xf32, #tpu.memory_space<vmem>> -> memref<1x96x128xf32, #tpu.memory_space<vmem>>
        %dma_wait3A_749 = tpu.memref_squeeze %dma_wait3A_748 : memref<1x96x128xf32, #tpu.memory_space<vmem>> -> memref<96x128xf32, #tpu.memory_space<vmem>>
        tpu.wait_dma2 semaphore(%arg22 : memref<!tpu.dma_semaphore, #tpu.memory_space<semaphore_mem>>) src(%dma_wait3A_749 : memref<96x128xf32, #tpu.memory_space<vmem>>) dst(%dma_wait3A_745 : memref<96x128xf32, #tpu.memory_space<hbm>>)
      } else {
      }
      %add3A_395 = arith.constant 2 : i32
      %add3A_396 = arith.addi %add3A_377, %add3A_395 : i32
      %dma_start3A_397 = arith.constant 5 : i32
      %dma_start3A_398 = arith.constant 0 : i32
      %dma_start3A_399 = arith.constant 0 : i32
      %dma_start3A_400 = tpu.memref_slice %arg9[%dma_start3A_397, %dma_start3A_398, %dma_start3A_399] : memref<6x104x128xf32, #tpu.memory_space<vmem>> -> memref<1x96x128xf32, #tpu.memory_space<vmem>>
      %dma_start3A_401 = tpu.memref_squeeze %dma_start3A_400 : memref<1x96x128xf32, #tpu.memory_space<vmem>> -> memref<96x128xf32, #tpu.memory_space<vmem>>
      %dma_start3A_402 = arith.constant 0 : i32
      %dma_start3A_403 = tpu.memref_slice %arg8[%add3A_396, %dma_start3A_402] : memref<32x96xi32, #tpu.memory_space<vmem>> -> memref<1x96xi32, #tpu.memory_space<vmem>>
      %dma_start3A_404 = tpu.memref_squeeze %dma_start3A_403 : memref<1x96xi32, #tpu.memory_space<vmem>> -> memref<96xi32, #tpu.memory_space<vmem>>
      %dma_start3A_405 = arith.constant 0 : i32
      %dma_start3A_406 = arith.constant 0 : i32
      %dma_start3A_407 = tpu.memref_slice %arg4[%dma_start3A_405, %dma_start3A_406] : memref<100000x128xf32, #tpu.memory_space<hbm>> -> memref<100000x128xf32, #tpu.memory_space<hbm>>
      tpu.enqueue_indirect_dma source(%dma_start3A_407 : memref<100000x128xf32, #tpu.memory_space<hbm>>) target(%dma_start3A_401 : memref<96x128xf32, #tpu.memory_space<vmem>>) offsets(%dma_start3A_404 : memref<96xi32, #tpu.memory_space<vmem>>) semaphore(%arg16 : memref<!tpu.dma_semaphore, #tpu.memory_space<semaphore_mem>>)
      %add3A_408 = arith.addi %mul3A_2, %add3A_377 : i32
      %scan3A_409 = arith.constant 0 : i32
      %scan3A_410 = arith.constant 0 : i32
      %scan3A_411 = arith.constant 96 : i32
      %scan3A_412 = arith.addi %scan3A_410, %scan3A_411 : i32
      %scan3A_413 = arith.constant 1 : i32
      scf.for %scan3A_732 = %scan3A_410 to %scan3A_412 step %scan3A_413  : i32 {
        %get3A = arith.constant 1 : i32
        %get3A_733 = arith.index_cast %get3A : i32 to index
        %get3A_734 = arith.index_cast %scan3A_732 : i32 to index
        %get3A_735 = arith.constant 0 : index
        %get3A_736 = tpu.vector_load %arg9[%get3A_733, %get3A_734, %get3A_735] {strides = array<i32>} : memref<6x104x128xf32, #tpu.memory_space<vmem>>, vector<1x1x16xf32>,
        %get3A_737 = vector.shape_cast %get3A_736 : vector<1x1x16xf32> to vector<16xf32>
        %mul3A_738 = arith.constant 11.3137083 : f32
        %mul3A_739 = vector.broadcast %mul3A_738 : f32 to vector<16xf32>
        %mul3A_740 = arith.mulf %get3A_737, %mul3A_739 : vector<16xf32>
        %add3A_741 = arith.constant 104 : i32
        %add3A_742 = arith.addi %add3A_741, %scan3A_732 : i32
        %get3A_743 = arith.index_cast %add3A_742 : i32 to index
        %get3A_744 = arith.constant 0 : index
        %get3A_745 = tpu.vector_load %arg10[%get3A_743, %get3A_744] {strides = array<i32>} : memref<200x128xf32, #tpu.memory_space<vmem>>, vector<1x16xf32>,
        %get3A_746 = vector.shape_cast %get3A_745 : vector<1x16xf32> to vector<16xf32>
        %add3A_747 = arith.addf %mul3A_740, %get3A_746 : vector<16xf32>
        %swap3A = arith.constant 1 : i32
        %swap3A_748 = arith.index_cast %swap3A : i32 to index
        %swap3A_749 = arith.index_cast %scan3A_732 : i32 to index
        %swap3A_750 = arith.constant 0 : index
        %swap3A_751 = tpu.vector_load %arg9[%swap3A_748, %swap3A_749, %swap3A_750] {strides = array<i32>} : memref<6x104x128xf32, #tpu.memory_space<vmem>>, vector<1x1x16xf32>,
        %swap3A_752 = vector.shape_cast %swap3A_751 : vector<1x1x16xf32> to vector<16xf32>
        %swap3A_753 = vector.shape_cast %add3A_747 : vector<16xf32> to vector<1x1x16xf32>
        tpu.vector_store %arg9[%swap3A_748, %swap3A_749, %swap3A_750], %swap3A_753 {strides = array<i32>} : memref<6x104x128xf32, #tpu.memory_space<vmem>>, vector<1x1x16xf32>,
        %get3A_754 = arith.constant 1 : i32
        %get3A_755 = arith.index_cast %get3A_754 : i32 to index
        %get3A_756 = arith.index_cast %scan3A_732 : i32 to index
        %get3A_757 = arith.constant 16 : index
        %get3A_758 = tpu.vector_load %arg9[%get3A_755, %get3A_756, %get3A_757] {strides = array<i32>} : memref<6x104x128xf32, #tpu.memory_space<vmem>>, vector<1x1x16xf32>,
        %get3A_759 = vector.shape_cast %get3A_758 : vector<1x1x16xf32> to vector<16xf32>
        %mul3A_760 = arith.constant 11.3137083 : f32
        %mul3A_761 = vector.broadcast %mul3A_760 : f32 to vector<16xf32>
        %mul3A_762 = arith.mulf %get3A_759, %mul3A_761 : vector<16xf32>
        %add3A_763 = arith.constant 104 : i32
        %add3A_764 = arith.addi %add3A_763, %scan3A_732 : i32
        %get3A_765 = arith.index_cast %add3A_764 : i32 to index
        %get3A_766 = arith.constant 16 : index
        %get3A_767 = tpu.vector_load %arg10[%get3A_765, %get3A_766] {strides = array<i32>} : memref<200x128xf32, #tpu.memory_space<vmem>>, vector<1x16xf32>,
        %get3A_768 = vector.shape_cast %get3A_767 : vector<1x16xf32> to vector<16xf32>
        %add3A_769 = arith.addf %mul3A_762, %get3A_768 : vector<16xf32>
        %swap3A_770 = arith.constant 1 : i32
        %swap3A_771 = arith.index_cast %swap3A_770 : i32 to index
        %swap3A_772 = arith.index_cast %scan3A_732 : i32 to index
        %swap3A_773 = arith.constant 16 : index
        %swap3A_774 = tpu.vector_load %arg9[%swap3A_771, %swap3A_772, %swap3A_773] {strides = array<i32>} : memref<6x104x128xf32, #tpu.memory_space<vmem>>, vector<1x1x16xf32>,
        %swap3A_775 = vector.shape_cast %swap3A_774 : vector<1x1x16xf32> to vector<16xf32>
        %swap3A_776 = vector.shape_cast %add3A_769 : vector<16xf32> to vector<1x1x16xf32>
        tpu.vector_store %arg9[%swap3A_771, %swap3A_772, %swap3A_773], %swap3A_776 {strides = array<i32>} : memref<6x104x128xf32, #tpu.memory_space<vmem>>, vector<1x1x16xf32>,
        %get3A_777 = arith.constant 1 : i32
        %get3A_778 = arith.index_cast %get3A_777 : i32 to index
        %get3A_779 = arith.index_cast %scan3A_732 : i32 to index
        %get3A_780 = arith.constant 32 : index
        %get3A_781 = tpu.vector_load %arg9[%get3A_778, %get3A_779, %get3A_780] {strides = array<i32>} : memref<6x104x128xf32, #tpu.memory_space<vmem>>, vector<1x1x16xf32>,
        %get3A_782 = vector.shape_cast %get3A_781 : vector<1x1x16xf32> to vector<16xf32>
        %mul3A_783 = arith.constant 11.3137083 : f32
        %mul3A_784 = vector.broadcast %mul3A_783 : f32 to vector<16xf32>
        %mul3A_785 = arith.mulf %get3A_782, %mul3A_784 : vector<16xf32>
        %add3A_786 = arith.constant 104 : i32
        %add3A_787 = arith.addi %add3A_786, %scan3A_732 : i32
        %get3A_788 = arith.index_cast %add3A_787 : i32 to index
        %get3A_789 = arith.constant 32 : index
        %get3A_790 = tpu.vector_load %arg10[%get3A_788, %get3A_789] {strides = array<i32>} : memref<200x128xf32, #tpu.memory_space<vmem>>, vector<1x16xf32>,
        %get3A_791 = vector.shape_cast %get3A_790 : vector<1x16xf32> to vector<16xf32>
        %add3A_792 = arith.addf %mul3A_785, %get3A_791 : vector<16xf32>
        %swap3A_793 = arith.constant 1 : i32
        %swap3A_794 = arith.index_cast %swap3A_793 : i32 to index
        %swap3A_795 = arith.index_cast %scan3A_732 : i32 to index
        %swap3A_796 = arith.constant 32 : index
        %swap3A_797 = tpu.vector_load %arg9[%swap3A_794, %swap3A_795, %swap3A_796] {strides = array<i32>} : memref<6x104x128xf32, #tpu.memory_space<vmem>>, vector<1x1x16xf32>,
        %swap3A_798 = vector.shape_cast %swap3A_797 : vector<1x1x16xf32> to vector<16xf32>
        %swap3A_799 = vector.shape_cast %add3A_792 : vector<16xf32> to vector<1x1x16xf32>
        tpu.vector_store %arg9[%swap3A_794, %swap3A_795, %swap3A_796], %swap3A_799 {strides = array<i32>} : memref<6x104x128xf32, #tpu.memory_space<vmem>>, vector<1x1x16xf32>,
        %get3A_800 = arith.constant 1 : i32
        %get3A_801 = arith.index_cast %get3A_800 : i32 to index
        %get3A_802 = arith.index_cast %scan3A_732 : i32 to index
        %get3A_803 = arith.constant 48 : index
        %get3A_804 = tpu.vector_load %arg9[%get3A_801, %get3A_802, %get3A_803] {strides = array<i32>} : memref<6x104x128xf32, #tpu.memory_space<vmem>>, vector<1x1x16xf32>,
        %get3A_805 = vector.shape_cast %get3A_804 : vector<1x1x16xf32> to vector<16xf32>
        %mul3A_806 = arith.constant 11.3137083 : f32
        %mul3A_807 = vector.broadcast %mul3A_806 : f32 to vector<16xf32>
        %mul3A_808 = arith.mulf %get3A_805, %mul3A_807 : vector<16xf32>
        %add3A_809 = arith.constant 104 : i32
        %add3A_810 = arith.addi %add3A_809, %scan3A_732 : i32
        %get3A_811 = arith.index_cast %add3A_810 : i32 to index
        %get3A_812 = arith.constant 48 : index
        %get3A_813 = tpu.vector_load %arg10[%get3A_811, %get3A_812] {strides = array<i32>} : memref<200x128xf32, #tpu.memory_space<vmem>>, vector<1x16xf32>,
        %get3A_814 = vector.shape_cast %get3A_813 : vector<1x16xf32> to vector<16xf32>
        %add3A_815 = arith.addf %mul3A_808, %get3A_814 : vector<16xf32>
        %swap3A_816 = arith.constant 1 : i32
        %swap3A_817 = arith.index_cast %swap3A_816 : i32 to index
        %swap3A_818 = arith.index_cast %scan3A_732 : i32 to index
        %swap3A_819 = arith.constant 48 : index
        %swap3A_820 = tpu.vector_load %arg9[%swap3A_817, %swap3A_818, %swap3A_819] {strides = array<i32>} : memref<6x104x128xf32, #tpu.memory_space<vmem>>, vector<1x1x16xf32>,
        %swap3A_821 = vector.shape_cast %swap3A_820 : vector<1x1x16xf32> to vector<16xf32>
        %swap3A_822 = vector.shape_cast %add3A_815 : vector<16xf32> to vector<1x1x16xf32>
        tpu.vector_store %arg9[%swap3A_817, %swap3A_818, %swap3A_819], %swap3A_822 {strides = array<i32>} : memref<6x104x128xf32, #tpu.memory_space<vmem>>, vector<1x1x16xf32>,
        %get3A_823 = arith.constant 1 : i32
        %get3A_824 = arith.index_cast %get3A_823 : i32 to index
        %get3A_825 = arith.index_cast %scan3A_732 : i32 to index
        %get3A_826 = arith.constant 64 : index
        %get3A_827 = tpu.vector_load %arg9[%get3A_824, %get3A_825, %get3A_826] {strides = array<i32>} : memref<6x104x128xf32, #tpu.memory_space<vmem>>, vector<1x1x16xf32>,
        %get3A_828 = vector.shape_cast %get3A_827 : vector<1x1x16xf32> to vector<16xf32>
        %mul3A_829 = arith.constant 11.3137083 : f32
        %mul3A_830 = vector.broadcast %mul3A_829 : f32 to vector<16xf32>
        %mul3A_831 = arith.mulf %get3A_828, %mul3A_830 : vector<16xf32>
        %add3A_832 = arith.constant 104 : i32
        %add3A_833 = arith.addi %add3A_832, %scan3A_732 : i32
        %get3A_834 = arith.index_cast %add3A_833 : i32 to index
        %get3A_835 = arith.constant 64 : index
        %get3A_836 = tpu.vector_load %arg10[%get3A_834, %get3A_835] {strides = array<i32>} : memref<200x128xf32, #tpu.memory_space<vmem>>, vector<1x16xf32>,
        %get3A_837 = vector.shape_cast %get3A_836 : vector<1x16xf32> to vector<16xf32>
        %add3A_838 = arith.addf %mul3A_831, %get3A_837 : vector<16xf32>
        %swap3A_839 = arith.constant 1 : i32
        %swap3A_840 = arith.index_cast %swap3A_839 : i32 to index
        %swap3A_841 = arith.index_cast %scan3A_732 : i32 to index
        %swap3A_842 = arith.constant 64 : index
        %swap3A_843 = tpu.vector_load %arg9[%swap3A_840, %swap3A_841, %swap3A_842] {strides = array<i32>} : memref<6x104x128xf32, #tpu.memory_space<vmem>>, vector<1x1x16xf32>,
        %swap3A_844 = vector.shape_cast %swap3A_843 : vector<1x1x16xf32> to vector<16xf32>
        %swap3A_845 = vector.shape_cast %add3A_838 : vector<16xf32> to vector<1x1x16xf32>
        tpu.vector_store %arg9[%swap3A_840, %swap3A_841, %swap3A_842], %swap3A_845 {strides = array<i32>} : memref<6x104x128xf32, #tpu.memory_space<vmem>>, vector<1x1x16xf32>,
        %get3A_846 = arith.constant 1 : i32
        %get3A_847 = arith.index_cast %get3A_846 : i32 to index
        %get3A_848 = arith.index_cast %scan3A_732 : i32 to index
        %get3A_849 = arith.constant 80 : index
        %get3A_850 = tpu.vector_load %arg9[%get3A_847, %get3A_848, %get3A_849] {strides = array<i32>} : memref<6x104x128xf32, #tpu.memory_space<vmem>>, vector<1x1x16xf32>,
        %get3A_851 = vector.shape_cast %get3A_850 : vector<1x1x16xf32> to vector<16xf32>
        %mul3A_852 = arith.constant 11.3137083 : f32
        %mul3A_853 = vector.broadcast %mul3A_852 : f32 to vector<16xf32>
        %mul3A_854 = arith.mulf %get3A_851, %mul3A_853 : vector<16xf32>
        %add3A_855 = arith.constant 104 : i32
        %add3A_856 = arith.addi %add3A_855, %scan3A_732 : i32
        %get3A_857 = arith.index_cast %add3A_856 : i32 to index
        %get3A_858 = arith.constant 80 : index
        %get3A_859 = tpu.vector_load %arg10[%get3A_857, %get3A_858] {strides = array<i32>} : memref<200x128xf32, #tpu.memory_space<vmem>>, vector<1x16xf32>,
        %get3A_860 = vector.shape_cast %get3A_859 : vector<1x16xf32> to vector<16xf32>
        %add3A_861 = arith.addf %mul3A_854, %get3A_860 : vector<16xf32>
        %swap3A_862 = arith.constant 1 : i32
        %swap3A_863 = arith.index_cast %swap3A_862 : i32 to index
        %swap3A_864 = arith.index_cast %scan3A_732 : i32 to index
        %swap3A_865 = arith.constant 80 : index
        %swap3A_866 = tpu.vector_load %arg9[%swap3A_863, %swap3A_864, %swap3A_865] {strides = array<i32>} : memref<6x104x128xf32, #tpu.memory_space<vmem>>, vector<1x1x16xf32>,
        %swap3A_867 = vector.shape_cast %swap3A_866 : vector<1x1x16xf32> to vector<16xf32>
        %swap3A_868 = vector.shape_cast %add3A_861 : vector<16xf32> to vector<1x1x16xf32>
        tpu.vector_store %arg9[%swap3A_863, %swap3A_864, %swap3A_865], %swap3A_868 {strides = array<i32>} : memref<6x104x128xf32, #tpu.memory_space<vmem>>, vector<1x1x16xf32>,
        %get3A_869 = arith.constant 1 : i32
        %get3A_870 = arith.index_cast %get3A_869 : i32 to index
        %get3A_871 = arith.index_cast %scan3A_732 : i32 to index
        %get3A_872 = arith.constant 96 : index
        %get3A_873 = tpu.vector_load %arg9[%get3A_870, %get3A_871, %get3A_872] {strides = array<i32>} : memref<6x104x128xf32, #tpu.memory_space<vmem>>, vector<1x1x16xf32>,
        %get3A_874 = vector.shape_cast %get3A_873 : vector<1x1x16xf32> to vector<16xf32>
        %mul3A_875 = arith.constant 11.3137083 : f32
        %mul3A_876 = vector.broadcast %mul3A_875 : f32 to vector<16xf32>
        %mul3A_877 = arith.mulf %get3A_874, %mul3A_876 : vector<16xf32>
        %add3A_878 = arith.constant 104 : i32
        %add3A_879 = arith.addi %add3A_878, %scan3A_732 : i32
        %get3A_880 = arith.index_cast %add3A_879 : i32 to index
        %get3A_881 = arith.constant 96 : index
        %get3A_882 = tpu.vector_load %arg10[%get3A_880, %get3A_881] {strides = array<i32>} : memref<200x128xf32, #tpu.memory_space<vmem>>, vector<1x16xf32>,
        %get3A_883 = vector.shape_cast %get3A_882 : vector<1x16xf32> to vector<16xf32>
        %add3A_884 = arith.addf %mul3A_877, %get3A_883 : vector<16xf32>
        %swap3A_885 = arith.constant 1 : i32
        %swap3A_886 = arith.index_cast %swap3A_885 : i32 to index
        %swap3A_887 = arith.index_cast %scan3A_732 : i32 to index
        %swap3A_888 = arith.constant 96 : index
        %swap3A_889 = tpu.vector_load %arg9[%swap3A_886, %swap3A_887, %swap3A_888] {strides = array<i32>} : memref<6x104x128xf32, #tpu.memory_space<vmem>>, vector<1x1x16xf32>,
        %swap3A_890 = vector.shape_cast %swap3A_889 : vector<1x1x16xf32> to vector<16xf32>
        %swap3A_891 = vector.shape_cast %add3A_884 : vector<16xf32> to vector<1x1x16xf32>
        tpu.vector_store %arg9[%swap3A_886, %swap3A_887, %swap3A_888], %swap3A_891 {strides = array<i32>} : memref<6x104x128xf32, #tpu.memory_space<vmem>>, vector<1x1x16xf32>,
        %get3A_892 = arith.constant 1 : i32
        %get3A_893 = arith.index_cast %get3A_892 : i32 to index
        %get3A_894 = arith.index_cast %scan3A_732 : i32 to index
        %get3A_895 = arith.constant 112 : index
        %get3A_896 = tpu.vector_load %arg9[%get3A_893, %get3A_894, %get3A_895] {strides = array<i32>} : memref<6x104x128xf32, #tpu.memory_space<vmem>>, vector<1x1x16xf32>,
        %get3A_897 = vector.shape_cast %get3A_896 : vector<1x1x16xf32> to vector<16xf32>
        %mul3A_898 = arith.constant 11.3137083 : f32
        %mul3A_899 = vector.broadcast %mul3A_898 : f32 to vector<16xf32>
        %mul3A_900 = arith.mulf %get3A_897, %mul3A_899 : vector<16xf32>
        %add3A_901 = arith.constant 104 : i32
        %add3A_902 = arith.addi %add3A_901, %scan3A_732 : i32
        %get3A_903 = arith.index_cast %add3A_902 : i32 to index
        %get3A_904 = arith.constant 112 : index
        %get3A_905 = tpu.vector_load %arg10[%get3A_903, %get3A_904] {strides = array<i32>} : memref<200x128xf32, #tpu.memory_space<vmem>>, vector<1x16xf32>,
        %get3A_906 = vector.shape_cast %get3A_905 : vector<1x16xf32> to vector<16xf32>
        %add3A_907 = arith.addf %mul3A_900, %get3A_906 : vector<16xf32>
        %swap3A_908 = arith.constant 1 : i32
        %swap3A_909 = arith.index_cast %swap3A_908 : i32 to index
        %swap3A_910 = arith.index_cast %scan3A_732 : i32 to index
        %swap3A_911 = arith.constant 112 : index
        %swap3A_912 = tpu.vector_load %arg9[%swap3A_909, %swap3A_910, %swap3A_911] {strides = array<i32>} : memref<6x104x128xf32, #tpu.memory_space<vmem>>, vector<1x1x16xf32>,
        %swap3A_913 = vector.shape_cast %swap3A_912 : vector<1x1x16xf32> to vector<16xf32>
        %swap3A_914 = vector.shape_cast %add3A_907 : vector<16xf32> to vector<1x1x16xf32>
        tpu.vector_store %arg9[%swap3A_909, %swap3A_910, %swap3A_911], %swap3A_914 {strides = array<i32>} : memref<6x104x128xf32, #tpu.memory_space<vmem>>, vector<1x1x16xf32>,
      }
      %scan3A_414 = arith.constant 96 : i32
      %dma_start3A_415 = arith.constant 1 : i32
      %dma_start3A_416 = arith.constant 0 : i32
      %dma_start3A_417 = arith.constant 0 : i32
      %dma_start3A_418 = tpu.memref_slice %arg9[%dma_start3A_415, %dma_start3A_416, %dma_start3A_417] : memref<6x104x128xf32, #tpu.memory_space<vmem>> -> memref<1x96x128xf32, #tpu.memory_space<vmem>>
      %dma_start3A_419 = tpu.memref_squeeze %dma_start3A_418 : memref<1x96x128xf32, #tpu.memory_space<vmem>> -> memref<96x128xf32, #tpu.memory_space<vmem>>
      %dma_start3A_420 = arith.constant 104 : i32
      %dma_start3A_421 = arith.constant 0 : i32
      %dma_start3A_422 = tpu.memref_slice %arg6[%add3A_408, %dma_start3A_420, %dma_start3A_421] : memref<1024x200x128xf32, #tpu.memory_space<hbm>> -> memref<1x96x128xf32, #tpu.memory_space<hbm>>
      %dma_start3A_423 = tpu.memref_squeeze %dma_start3A_422 : memref<1x96x128xf32, #tpu.memory_space<hbm>> -> memref<96x128xf32, #tpu.memory_space<hbm>>
      %dma_start3A_424 = arith.constant 104 : i32
      %dma_start3A_425 = arith.constant 0 : i32
      %dma_start3A_426 = tpu.memref_slice %arg6[%add3A_408, %dma_start3A_424, %dma_start3A_425] : memref<1024x200x128xf32, #tpu.memory_space<hbm>> -> memref<1x96x128xf32, #tpu.memory_space<hbm>>
      %dma_start3A_427 = tpu.memref_squeeze %dma_start3A_426 : memref<1x96x128xf32, #tpu.memory_space<hbm>> -> memref<96x128xf32, #tpu.memory_space<hbm>>
      %dma_start3A_428 = arith.constant 0 : i32
      %dma_start3A_429 = arith.constant 0 : i32
      %dma_start3A_430 = tpu.memref_slice %arg9[%dma_start3A_415, %dma_start3A_428, %dma_start3A_429] : memref<6x104x128xf32, #tpu.memory_space<vmem>> -> memref<1x96x128xf32, #tpu.memory_space<vmem>>
      %dma_start3A_431 = tpu.memref_squeeze %dma_start3A_430 : memref<1x96x128xf32, #tpu.memory_space<vmem>> -> memref<96x128xf32, #tpu.memory_space<vmem>>
      tpu.enqueue_dma source(%dma_start3A_431 : memref<96x128xf32, #tpu.memory_space<vmem>>) target(%dma_start3A_427 : memref<96x128xf32, #tpu.memory_space<hbm>>) target_semaphore(%arg18 : memref<!tpu.dma_semaphore, #tpu.memory_space<semaphore_mem>>)
      %mul3A_432 = arith.constant 6 : i32
      %mul3A_433 = arith.muli %scan3A_310, %mul3A_432 : i32
      %add3A_434 = arith.constant 2 : i32
      %add3A_435 = arith.addi %mul3A_433, %add3A_434 : i32
      %mul3A_436 = arith.constant 3 : i32
      %mul3A_437 = arith.muli %scan3A_310, %mul3A_436 : i32
      %add3A_438 = arith.constant 1 : i32
      %add3A_439 = arith.addi %mul3A_437, %add3A_438 : i32
      %dma_wait3A_440 = arith.constant 0 : i32
      %dma_wait3A_441 = arith.constant 2 : i32
      %dma_wait3A_442 = arith.constant 0 : i32
      %dma_wait3A_443 = arith.constant 0 : i32
      %dma_wait3A_444 = tpu.memref_slice %arg9[%dma_wait3A_441, %dma_wait3A_442, %dma_wait3A_443] : memref<6x104x128xf32, #tpu.memory_space<vmem>> -> memref<1x104x128xf32, #tpu.memory_space<vmem>>
      %dma_wait3A_445 = tpu.memref_squeeze %dma_wait3A_444 : memref<1x104x128xf32, #tpu.memory_space<vmem>> -> memref<104x128xf32, #tpu.memory_space<vmem>>
      %dma_wait3A_446 = arith.constant 0 : i32
      %dma_wait3A_447 = tpu.memref_slice %arg7[%dma_wait3A_440, %dma_wait3A_446] : memref<32x104xi32, #tpu.memory_space<vmem>> -> memref<1x104xi32, #tpu.memory_space<vmem>>
      %dma_wait3A_448 = tpu.memref_squeeze %dma_wait3A_447 : memref<1x104xi32, #tpu.memory_space<vmem>> -> memref<104xi32, #tpu.memory_space<vmem>>
      %dma_wait3A_449 = arith.constant 0 : i32
      %dma_wait3A_450 = arith.constant 0 : i32
      %dma_wait3A_451 = tpu.memref_slice %arg4[%dma_wait3A_449, %dma_wait3A_450] : memref<100000x128xf32, #tpu.memory_space<hbm>> -> memref<100000x128xf32, #tpu.memory_space<hbm>>
      tpu.wait_indirect_dma semaphore(%arg13 : memref<!tpu.dma_semaphore, #tpu.memory_space<semaphore_mem>>) src(%dma_wait3A_451 : memref<100000x128xf32, #tpu.memory_space<hbm>>) dst(%dma_wait3A_445 : memref<104x128xf32, #tpu.memory_space<vmem>>)
      %dma_wait3A_452 = arith.constant 0 : i32
      %dma_wait3A_453 = arith.constant 0 : i32
      %dma_wait3A_454 = arith.constant 0 : i32
      %dma_wait3A_455 = arith.constant 0 : i32
      %dma_wait3A_456 = tpu.memref_slice %arg9[%dma_wait3A_452, %dma_wait3A_454, %dma_wait3A_455] : memref<6x104x128xf32, #tpu.memory_space<vmem>> -> memref<1x104x128xf32, #tpu.memory_space<vmem>>
      %dma_wait3A_457 = tpu.memref_squeeze %dma_wait3A_456 : memref<1x104x128xf32, #tpu.memory_space<vmem>> -> memref<104x128xf32, #tpu.memory_space<vmem>>
      %dma_wait3A_458 = arith.constant 0 : i32
      %dma_wait3A_459 = arith.constant 0 : i32
      %dma_wait3A_460 = tpu.memref_slice %arg6[%dma_wait3A_453, %dma_wait3A_458, %dma_wait3A_459] : memref<1024x200x128xf32, #tpu.memory_space<hbm>> -> memref<1x104x128xf32, #tpu.memory_space<hbm>>
      %dma_wait3A_461 = tpu.memref_squeeze %dma_wait3A_460 : memref<1x104x128xf32, #tpu.memory_space<hbm>> -> memref<104x128xf32, #tpu.memory_space<hbm>>
      %dma_wait3A_462 = arith.constant 0 : i32
      %dma_wait3A_463 = arith.constant 0 : i32
      %dma_wait3A_464 = tpu.memref_slice %arg6[%dma_wait3A_453, %dma_wait3A_462, %dma_wait3A_463] : memref<1024x200x128xf32, #tpu.memory_space<hbm>> -> memref<1x104x128xf32, #tpu.memory_space<hbm>>
      %dma_wait3A_465 = tpu.memref_squeeze %dma_wait3A_464 : memref<1x104x128xf32, #tpu.memory_space<hbm>> -> memref<104x128xf32, #tpu.memory_space<hbm>>
      %dma_wait3A_466 = arith.constant 0 : i32
      %dma_wait3A_467 = arith.constant 0 : i32
      %dma_wait3A_468 = tpu.memref_slice %arg9[%dma_wait3A_452, %dma_wait3A_466, %dma_wait3A_467] : memref<6x104x128xf32, #tpu.memory_space<vmem>> -> memref<1x104x128xf32, #tpu.memory_space<vmem>>
      %dma_wait3A_469 = tpu.memref_squeeze %dma_wait3A_468 : memref<1x104x128xf32, #tpu.memory_space<vmem>> -> memref<104x128xf32, #tpu.memory_space<vmem>>
      tpu.wait_dma2 semaphore(%arg17 : memref<!tpu.dma_semaphore, #tpu.memory_space<semaphore_mem>>) src(%dma_wait3A_469 : memref<104x128xf32, #tpu.memory_space<vmem>>) dst(%dma_wait3A_465 : memref<104x128xf32, #tpu.memory_space<hbm>>)
      %add3A_470 = arith.constant 2 : i32
      %add3A_471 = arith.addi %add3A_439, %add3A_470 : i32
      %dma_start3A_472 = arith.constant 0 : i32
      %dma_start3A_473 = arith.constant 0 : i32
      %dma_start3A_474 = arith.constant 0 : i32
      %dma_start3A_475 = tpu.memref_slice %arg9[%dma_start3A_472, %dma_start3A_473, %dma_start3A_474] : memref<6x104x128xf32, #tpu.memory_space<vmem>> -> memref<1x104x128xf32, #tpu.memory_space<vmem>>
      %dma_start3A_476 = tpu.memref_squeeze %dma_start3A_475 : memref<1x104x128xf32, #tpu.memory_space<vmem>> -> memref<104x128xf32, #tpu.memory_space<vmem>>
      %dma_start3A_477 = arith.constant 0 : i32
      %dma_start3A_478 = tpu.memref_slice %arg7[%add3A_471, %dma_start3A_477] : memref<32x104xi32, #tpu.memory_space<vmem>> -> memref<1x104xi32, #tpu.memory_space<vmem>>
      %dma_start3A_479 = tpu.memref_squeeze %dma_start3A_478 : memref<1x104xi32, #tpu.memory_space<vmem>> -> memref<104xi32, #tpu.memory_space<vmem>>
      %dma_start3A_480 = arith.constant 0 : i32
      %dma_start3A_481 = arith.constant 0 : i32
      %dma_start3A_482 = tpu.memref_slice %arg4[%dma_start3A_480, %dma_start3A_481] : memref<100000x128xf32, #tpu.memory_space<hbm>> -> memref<100000x128xf32, #tpu.memory_space<hbm>>
      tpu.enqueue_indirect_dma source(%dma_start3A_482 : memref<100000x128xf32, #tpu.memory_space<hbm>>) target(%dma_start3A_476 : memref<104x128xf32, #tpu.memory_space<vmem>>) offsets(%dma_start3A_479 : memref<104xi32, #tpu.memory_space<vmem>>) semaphore(%arg11 : memref<!tpu.dma_semaphore, #tpu.memory_space<semaphore_mem>>)
      %add3A_483 = arith.addi %mul3A_2, %add3A_439 : i32
      %scan3A_484 = arith.constant 0 : i32
      %scan3A_485 = arith.constant 0 : i32
      %scan3A_486 = arith.constant 104 : i32
      %scan3A_487 = arith.addi %scan3A_485, %scan3A_486 : i32
      %scan3A_488 = arith.constant 1 : i32
      scf.for %scan3A_732 = %scan3A_485 to %scan3A_487 step %scan3A_488  : i32 {
        %get3A = arith.constant 2 : i32
        %get3A_733 = arith.index_cast %get3A : i32 to index
        %get3A_734 = arith.index_cast %scan3A_732 : i32 to index
        %get3A_735 = arith.constant 0 : index
        %get3A_736 = tpu.vector_load %arg9[%get3A_733, %get3A_734, %get3A_735] {strides = array<i32>} : memref<6x104x128xf32, #tpu.memory_space<vmem>>, vector<1x1x16xf32>,
        %get3A_737 = vector.shape_cast %get3A_736 : vector<1x1x16xf32> to vector<16xf32>
        %mul3A_738 = arith.constant 11.3137083 : f32
        %mul3A_739 = vector.broadcast %mul3A_738 : f32 to vector<16xf32>
        %mul3A_740 = arith.mulf %get3A_737, %mul3A_739 : vector<16xf32>
        %add3A_741 = arith.constant 0 : i32
        %add3A_742 = arith.addi %add3A_741, %scan3A_732 : i32
        %get3A_743 = arith.index_cast %add3A_742 : i32 to index
        %get3A_744 = arith.constant 0 : index
        %get3A_745 = tpu.vector_load %arg10[%get3A_743, %get3A_744] {strides = array<i32>} : memref<200x128xf32, #tpu.memory_space<vmem>>, vector<1x16xf32>,
        %get3A_746 = vector.shape_cast %get3A_745 : vector<1x16xf32> to vector<16xf32>
        %add3A_747 = arith.addf %mul3A_740, %get3A_746 : vector<16xf32>
        %swap3A = arith.constant 2 : i32
        %swap3A_748 = arith.index_cast %swap3A : i32 to index
        %swap3A_749 = arith.index_cast %scan3A_732 : i32 to index
        %swap3A_750 = arith.constant 0 : index
        %swap3A_751 = tpu.vector_load %arg9[%swap3A_748, %swap3A_749, %swap3A_750] {strides = array<i32>} : memref<6x104x128xf32, #tpu.memory_space<vmem>>, vector<1x1x16xf32>,
        %swap3A_752 = vector.shape_cast %swap3A_751 : vector<1x1x16xf32> to vector<16xf32>
        %swap3A_753 = vector.shape_cast %add3A_747 : vector<16xf32> to vector<1x1x16xf32>
        tpu.vector_store %arg9[%swap3A_748, %swap3A_749, %swap3A_750], %swap3A_753 {strides = array<i32>} : memref<6x104x128xf32, #tpu.memory_space<vmem>>, vector<1x1x16xf32>,
        %get3A_754 = arith.constant 2 : i32
        %get3A_755 = arith.index_cast %get3A_754 : i32 to index
        %get3A_756 = arith.index_cast %scan3A_732 : i32 to index
        %get3A_757 = arith.constant 16 : index
        %get3A_758 = tpu.vector_load %arg9[%get3A_755, %get3A_756, %get3A_757] {strides = array<i32>} : memref<6x104x128xf32, #tpu.memory_space<vmem>>, vector<1x1x16xf32>,
        %get3A_759 = vector.shape_cast %get3A_758 : vector<1x1x16xf32> to vector<16xf32>
        %mul3A_760 = arith.constant 11.3137083 : f32
        %mul3A_761 = vector.broadcast %mul3A_760 : f32 to vector<16xf32>
        %mul3A_762 = arith.mulf %get3A_759, %mul3A_761 : vector<16xf32>
        %add3A_763 = arith.constant 0 : i32
        %add3A_764 = arith.addi %add3A_763, %scan3A_732 : i32
        %get3A_765 = arith.index_cast %add3A_764 : i32 to index
        %get3A_766 = arith.constant 16 : index
        %get3A_767 = tpu.vector_load %arg10[%get3A_765, %get3A_766] {strides = array<i32>} : memref<200x128xf32, #tpu.memory_space<vmem>>, vector<1x16xf32>,
        %get3A_768 = vector.shape_cast %get3A_767 : vector<1x16xf32> to vector<16xf32>
        %add3A_769 = arith.addf %mul3A_762, %get3A_768 : vector<16xf32>
        %swap3A_770 = arith.constant 2 : i32
        %swap3A_771 = arith.index_cast %swap3A_770 : i32 to index
        %swap3A_772 = arith.index_cast %scan3A_732 : i32 to index
        %swap3A_773 = arith.constant 16 : index
        %swap3A_774 = tpu.vector_load %arg9[%swap3A_771, %swap3A_772, %swap3A_773] {strides = array<i32>} : memref<6x104x128xf32, #tpu.memory_space<vmem>>, vector<1x1x16xf32>,
        %swap3A_775 = vector.shape_cast %swap3A_774 : vector<1x1x16xf32> to vector<16xf32>
        %swap3A_776 = vector.shape_cast %add3A_769 : vector<16xf32> to vector<1x1x16xf32>
        tpu.vector_store %arg9[%swap3A_771, %swap3A_772, %swap3A_773], %swap3A_776 {strides = array<i32>} : memref<6x104x128xf32, #tpu.memory_space<vmem>>, vector<1x1x16xf32>,
        %get3A_777 = arith.constant 2 : i32
        %get3A_778 = arith.index_cast %get3A_777 : i32 to index
        %get3A_779 = arith.index_cast %scan3A_732 : i32 to index
        %get3A_780 = arith.constant 32 : index
        %get3A_781 = tpu.vector_load %arg9[%get3A_778, %get3A_779, %get3A_780] {strides = array<i32>} : memref<6x104x128xf32, #tpu.memory_space<vmem>>, vector<1x1x16xf32>,
        %get3A_782 = vector.shape_cast %get3A_781 : vector<1x1x16xf32> to vector<16xf32>
        %mul3A_783 = arith.constant 11.3137083 : f32
        %mul3A_784 = vector.broadcast %mul3A_783 : f32 to vector<16xf32>
        %mul3A_785 = arith.mulf %get3A_782, %mul3A_784 : vector<16xf32>
        %add3A_786 = arith.constant 0 : i32
        %add3A_787 = arith.addi %add3A_786, %scan3A_732 : i32
        %get3A_788 = arith.index_cast %add3A_787 : i32 to index
        %get3A_789 = arith.constant 32 : index
        %get3A_790 = tpu.vector_load %arg10[%get3A_788, %get3A_789] {strides = array<i32>} : memref<200x128xf32, #tpu.memory_space<vmem>>, vector<1x16xf32>,
        %get3A_791 = vector.shape_cast %get3A_790 : vector<1x16xf32> to vector<16xf32>
        %add3A_792 = arith.addf %mul3A_785, %get3A_791 : vector<16xf32>
        %swap3A_793 = arith.constant 2 : i32
        %swap3A_794 = arith.index_cast %swap3A_793 : i32 to index
        %swap3A_795 = arith.index_cast %scan3A_732 : i32 to index
        %swap3A_796 = arith.constant 32 : index
        %swap3A_797 = tpu.vector_load %arg9[%swap3A_794, %swap3A_795, %swap3A_796] {strides = array<i32>} : memref<6x104x128xf32, #tpu.memory_space<vmem>>, vector<1x1x16xf32>,
        %swap3A_798 = vector.shape_cast %swap3A_797 : vector<1x1x16xf32> to vector<16xf32>
        %swap3A_799 = vector.shape_cast %add3A_792 : vector<16xf32> to vector<1x1x16xf32>
        tpu.vector_store %arg9[%swap3A_794, %swap3A_795, %swap3A_796], %swap3A_799 {strides = array<i32>} : memref<6x104x128xf32, #tpu.memory_space<vmem>>, vector<1x1x16xf32>,
        %get3A_800 = arith.constant 2 : i32
        %get3A_801 = arith.index_cast %get3A_800 : i32 to index
        %get3A_802 = arith.index_cast %scan3A_732 : i32 to index
        %get3A_803 = arith.constant 48 : index
        %get3A_804 = tpu.vector_load %arg9[%get3A_801, %get3A_802, %get3A_803] {strides = array<i32>} : memref<6x104x128xf32, #tpu.memory_space<vmem>>, vector<1x1x16xf32>,
        %get3A_805 = vector.shape_cast %get3A_804 : vector<1x1x16xf32> to vector<16xf32>
        %mul3A_806 = arith.constant 11.3137083 : f32
        %mul3A_807 = vector.broadcast %mul3A_806 : f32 to vector<16xf32>
        %mul3A_808 = arith.mulf %get3A_805, %mul3A_807 : vector<16xf32>
        %add3A_809 = arith.constant 0 : i32
        %add3A_810 = arith.addi %add3A_809, %scan3A_732 : i32
        %get3A_811 = arith.index_cast %add3A_810 : i32 to index
        %get3A_812 = arith.constant 48 : index
        %get3A_813 = tpu.vector_load %arg10[%get3A_811, %get3A_812] {strides = array<i32>} : memref<200x128xf32, #tpu.memory_space<vmem>>, vector<1x16xf32>,
        %get3A_814 = vector.shape_cast %get3A_813 : vector<1x16xf32> to vector<16xf32>
        %add3A_815 = arith.addf %mul3A_808, %get3A_814 : vector<16xf32>
        %swap3A_816 = arith.constant 2 : i32
        %swap3A_817 = arith.index_cast %swap3A_816 : i32 to index
        %swap3A_818 = arith.index_cast %scan3A_732 : i32 to index
        %swap3A_819 = arith.constant 48 : index
        %swap3A_820 = tpu.vector_load %arg9[%swap3A_817, %swap3A_818, %swap3A_819] {strides = array<i32>} : memref<6x104x128xf32, #tpu.memory_space<vmem>>, vector<1x1x16xf32>,
        %swap3A_821 = vector.shape_cast %swap3A_820 : vector<1x1x16xf32> to vector<16xf32>
        %swap3A_822 = vector.shape_cast %add3A_815 : vector<16xf32> to vector<1x1x16xf32>
        tpu.vector_store %arg9[%swap3A_817, %swap3A_818, %swap3A_819], %swap3A_822 {strides = array<i32>} : memref<6x104x128xf32, #tpu.memory_space<vmem>>, vector<1x1x16xf32>,
        %get3A_823 = arith.constant 2 : i32
        %get3A_824 = arith.index_cast %get3A_823 : i32 to index
        %get3A_825 = arith.index_cast %scan3A_732 : i32 to index
        %get3A_826 = arith.constant 64 : index
        %get3A_827 = tpu.vector_load %arg9[%get3A_824, %get3A_825, %get3A_826] {strides = array<i32>} : memref<6x104x128xf32, #tpu.memory_space<vmem>>, vector<1x1x16xf32>,
        %get3A_828 = vector.shape_cast %get3A_827 : vector<1x1x16xf32> to vector<16xf32>
        %mul3A_829 = arith.constant 11.3137083 : f32
        %mul3A_830 = vector.broadcast %mul3A_829 : f32 to vector<16xf32>
        %mul3A_831 = arith.mulf %get3A_828, %mul3A_830 : vector<16xf32>
        %add3A_832 = arith.constant 0 : i32
        %add3A_833 = arith.addi %add3A_832, %scan3A_732 : i32
        %get3A_834 = arith.index_cast %add3A_833 : i32 to index
        %get3A_835 = arith.constant 64 : index
        %get3A_836 = tpu.vector_load %arg10[%get3A_834, %get3A_835] {strides = array<i32>} : memref<200x128xf32, #tpu.memory_space<vmem>>, vector<1x16xf32>,
        %get3A_837 = vector.shape_cast %get3A_836 : vector<1x16xf32> to vector<16xf32>
        %add3A_838 = arith.addf %mul3A_831, %get3A_837 : vector<16xf32>
        %swap3A_839 = arith.constant 2 : i32
        %swap3A_840 = arith.index_cast %swap3A_839 : i32 to index
        %swap3A_841 = arith.index_cast %scan3A_732 : i32 to index
        %swap3A_842 = arith.constant 64 : index
        %swap3A_843 = tpu.vector_load %arg9[%swap3A_840, %swap3A_841, %swap3A_842] {strides = array<i32>} : memref<6x104x128xf32, #tpu.memory_space<vmem>>, vector<1x1x16xf32>,
        %swap3A_844 = vector.shape_cast %swap3A_843 : vector<1x1x16xf32> to vector<16xf32>
        %swap3A_845 = vector.shape_cast %add3A_838 : vector<16xf32> to vector<1x1x16xf32>
        tpu.vector_store %arg9[%swap3A_840, %swap3A_841, %swap3A_842], %swap3A_845 {strides = array<i32>} : memref<6x104x128xf32, #tpu.memory_space<vmem>>, vector<1x1x16xf32>,
        %get3A_846 = arith.constant 2 : i32
        %get3A_847 = arith.index_cast %get3A_846 : i32 to index
        %get3A_848 = arith.index_cast %scan3A_732 : i32 to index
        %get3A_849 = arith.constant 80 : index
        %get3A_850 = tpu.vector_load %arg9[%get3A_847, %get3A_848, %get3A_849] {strides = array<i32>} : memref<6x104x128xf32, #tpu.memory_space<vmem>>, vector<1x1x16xf32>,
        %get3A_851 = vector.shape_cast %get3A_850 : vector<1x1x16xf32> to vector<16xf32>
        %mul3A_852 = arith.constant 11.3137083 : f32
        %mul3A_853 = vector.broadcast %mul3A_852 : f32 to vector<16xf32>
        %mul3A_854 = arith.mulf %get3A_851, %mul3A_853 : vector<16xf32>
        %add3A_855 = arith.constant 0 : i32
        %add3A_856 = arith.addi %add3A_855, %scan3A_732 : i32
        %get3A_857 = arith.index_cast %add3A_856 : i32 to index
        %get3A_858 = arith.constant 80 : index
        %get3A_859 = tpu.vector_load %arg10[%get3A_857, %get3A_858] {strides = array<i32>} : memref<200x128xf32, #tpu.memory_space<vmem>>, vector<1x16xf32>,
        %get3A_860 = vector.shape_cast %get3A_859 : vector<1x16xf32> to vector<16xf32>
        %add3A_861 = arith.addf %mul3A_854, %get3A_860 : vector<16xf32>
        %swap3A_862 = arith.constant 2 : i32
        %swap3A_863 = arith.index_cast %swap3A_862 : i32 to index
        %swap3A_864 = arith.index_cast %scan3A_732 : i32 to index
        %swap3A_865 = arith.constant 80 : index
        %swap3A_866 = tpu.vector_load %arg9[%swap3A_863, %swap3A_864, %swap3A_865] {strides = array<i32>} : memref<6x104x128xf32, #tpu.memory_space<vmem>>, vector<1x1x16xf32>,
        %swap3A_867 = vector.shape_cast %swap3A_866 : vector<1x1x16xf32> to vector<16xf32>
        %swap3A_868 = vector.shape_cast %add3A_861 : vector<16xf32> to vector<1x1x16xf32>
        tpu.vector_store %arg9[%swap3A_863, %swap3A_864, %swap3A_865], %swap3A_868 {strides = array<i32>} : memref<6x104x128xf32, #tpu.memory_space<vmem>>, vector<1x1x16xf32>,
        %get3A_869 = arith.constant 2 : i32
        %get3A_870 = arith.index_cast %get3A_869 : i32 to index
        %get3A_871 = arith.index_cast %scan3A_732 : i32 to index
        %get3A_872 = arith.constant 96 : index
        %get3A_873 = tpu.vector_load %arg9[%get3A_870, %get3A_871, %get3A_872] {strides = array<i32>} : memref<6x104x128xf32, #tpu.memory_space<vmem>>, vector<1x1x16xf32>,
        %get3A_874 = vector.shape_cast %get3A_873 : vector<1x1x16xf32> to vector<16xf32>
        %mul3A_875 = arith.constant 11.3137083 : f32
        %mul3A_876 = vector.broadcast %mul3A_875 : f32 to vector<16xf32>
        %mul3A_877 = arith.mulf %get3A_874, %mul3A_876 : vector<16xf32>
        %add3A_878 = arith.constant 0 : i32
        %add3A_879 = arith.addi %add3A_878, %scan3A_732 : i32
        %get3A_880 = arith.index_cast %add3A_879 : i32 to index
        %get3A_881 = arith.constant 96 : index
        %get3A_882 = tpu.vector_load %arg10[%get3A_880, %get3A_881] {strides = array<i32>} : memref<200x128xf32, #tpu.memory_space<vmem>>, vector<1x16xf32>,
        %get3A_883 = vector.shape_cast %get3A_882 : vector<1x16xf32> to vector<16xf32>
        %add3A_884 = arith.addf %mul3A_877, %get3A_883 : vector<16xf32>
        %swap3A_885 = arith.constant 2 : i32
        %swap3A_886 = arith.index_cast %swap3A_885 : i32 to index
        %swap3A_887 = arith.index_cast %scan3A_732 : i32 to index
        %swap3A_888 = arith.constant 96 : index
        %swap3A_889 = tpu.vector_load %arg9[%swap3A_886, %swap3A_887, %swap3A_888] {strides = array<i32>} : memref<6x104x128xf32, #tpu.memory_space<vmem>>, vector<1x1x16xf32>,
        %swap3A_890 = vector.shape_cast %swap3A_889 : vector<1x1x16xf32> to vector<16xf32>
        %swap3A_891 = vector.shape_cast %add3A_884 : vector<16xf32> to vector<1x1x16xf32>
        tpu.vector_store %arg9[%swap3A_886, %swap3A_887, %swap3A_888], %swap3A_891 {strides = array<i32>} : memref<6x104x128xf32, #tpu.memory_space<vmem>>, vector<1x1x16xf32>,
        %get3A_892 = arith.constant 2 : i32
        %get3A_893 = arith.index_cast %get3A_892 : i32 to index
        %get3A_894 = arith.index_cast %scan3A_732 : i32 to index
        %get3A_895 = arith.constant 112 : index
        %get3A_896 = tpu.vector_load %arg9[%get3A_893, %get3A_894, %get3A_895] {strides = array<i32>} : memref<6x104x128xf32, #tpu.memory_space<vmem>>, vector<1x1x16xf32>,
        %get3A_897 = vector.shape_cast %get3A_896 : vector<1x1x16xf32> to vector<16xf32>
        %mul3A_898 = arith.constant 11.3137083 : f32
        %mul3A_899 = vector.broadcast %mul3A_898 : f32 to vector<16xf32>
        %mul3A_900 = arith.mulf %get3A_897, %mul3A_899 : vector<16xf32>
        %add3A_901 = arith.constant 0 : i32
        %add3A_902 = arith.addi %add3A_901, %scan3A_732 : i32
        %get3A_903 = arith.index_cast %add3A_902 : i32 to index
        %get3A_904 = arith.constant 112 : index
        %get3A_905 = tpu.vector_load %arg10[%get3A_903, %get3A_904] {strides = array<i32>} : memref<200x128xf32, #tpu.memory_space<vmem>>, vector<1x16xf32>,
        %get3A_906 = vector.shape_cast %get3A_905 : vector<1x16xf32> to vector<16xf32>
        %add3A_907 = arith.addf %mul3A_900, %get3A_906 : vector<16xf32>
        %swap3A_908 = arith.constant 2 : i32
        %swap3A_909 = arith.index_cast %swap3A_908 : i32 to index
        %swap3A_910 = arith.index_cast %scan3A_732 : i32 to index
        %swap3A_911 = arith.constant 112 : index
        %swap3A_912 = tpu.vector_load %arg9[%swap3A_909, %swap3A_910, %swap3A_911] {strides = array<i32>} : memref<6x104x128xf32, #tpu.memory_space<vmem>>, vector<1x1x16xf32>,
        %swap3A_913 = vector.shape_cast %swap3A_912 : vector<1x1x16xf32> to vector<16xf32>
        %swap3A_914 = vector.shape_cast %add3A_907 : vector<16xf32> to vector<1x1x16xf32>
        tpu.vector_store %arg9[%swap3A_909, %swap3A_910, %swap3A_911], %swap3A_914 {strides = array<i32>} : memref<6x104x128xf32, #tpu.memory_space<vmem>>, vector<1x1x16xf32>,
      }
      %scan3A_489 = arith.constant 104 : i32
      %dma_start3A_490 = arith.constant 2 : i32
      %dma_start3A_491 = arith.constant 0 : i32
      %dma_start3A_492 = arith.constant 0 : i32
      %dma_start3A_493 = tpu.memref_slice %arg9[%dma_start3A_490, %dma_start3A_491, %dma_start3A_492] : memref<6x104x128xf32, #tpu.memory_space<vmem>> -> memref<1x104x128xf32, #tpu.memory_space<vmem>>
      %dma_start3A_494 = tpu.memref_squeeze %dma_start3A_493 : memref<1x104x128xf32, #tpu.memory_space<vmem>> -> memref<104x128xf32, #tpu.memory_space<vmem>>
      %dma_start3A_495 = arith.constant 0 : i32
      %dma_start3A_496 = arith.constant 0 : i32
      %dma_start3A_497 = tpu.memref_slice %arg6[%add3A_483, %dma_start3A_495, %dma_start3A_496] : memref<1024x200x128xf32, #tpu.memory_space<hbm>> -> memref<1x104x128xf32, #tpu.memory_space<hbm>>
      %dma_start3A_498 = tpu.memref_squeeze %dma_start3A_497 : memref<1x104x128xf32, #tpu.memory_space<hbm>> -> memref<104x128xf32, #tpu.memory_space<hbm>>
      %dma_start3A_499 = arith.constant 0 : i32
      %dma_start3A_500 = arith.constant 0 : i32
      %dma_start3A_501 = tpu.memref_slice %arg6[%add3A_483, %dma_start3A_499, %dma_start3A_500] : memref<1024x200x128xf32, #tpu.memory_space<hbm>> -> memref<1x104x128xf32, #tpu.memory_space<hbm>>
      %dma_start3A_502 = tpu.memref_squeeze %dma_start3A_501 : memref<1x104x128xf32, #tpu.memory_space<hbm>> -> memref<104x128xf32, #tpu.memory_space<hbm>>
      %dma_start3A_503 = arith.constant 0 : i32
      %dma_start3A_504 = arith.constant 0 : i32
      %dma_start3A_505 = tpu.memref_slice %arg9[%dma_start3A_490, %dma_start3A_503, %dma_start3A_504] : memref<6x104x128xf32, #tpu.memory_space<vmem>> -> memref<1x104x128xf32, #tpu.memory_space<vmem>>
      %dma_start3A_506 = tpu.memref_squeeze %dma_start3A_505 : memref<1x104x128xf32, #tpu.memory_space<vmem>> -> memref<104x128xf32, #tpu.memory_space<vmem>>
      tpu.enqueue_dma source(%dma_start3A_506 : memref<104x128xf32, #tpu.memory_space<vmem>>) target(%dma_start3A_502 : memref<104x128xf32, #tpu.memory_space<hbm>>) target_semaphore(%arg19 : memref<!tpu.dma_semaphore, #tpu.memory_space<semaphore_mem>>)
      %mul3A_507 = arith.constant 6 : i32
      %mul3A_508 = arith.muli %scan3A_310, %mul3A_507 : i32
      %add3A_509 = arith.constant 3 : i32
      %add3A_510 = arith.addi %mul3A_508, %add3A_509 : i32
      %mul3A_511 = arith.constant 3 : i32
      %mul3A_512 = arith.muli %scan3A_310, %mul3A_511 : i32
      %add3A_513 = arith.constant 1 : i32
      %add3A_514 = arith.addi %mul3A_512, %add3A_513 : i32
      %dma_wait3A_515 = arith.constant 0 : i32
      %dma_wait3A_516 = arith.constant 3 : i32
      %dma_wait3A_517 = arith.constant 0 : i32
      %dma_wait3A_518 = arith.constant 0 : i32
      %dma_wait3A_519 = tpu.memref_slice %arg9[%dma_wait3A_516, %dma_wait3A_517, %dma_wait3A_518] : memref<6x104x128xf32, #tpu.memory_space<vmem>> -> memref<1x96x128xf32, #tpu.memory_space<vmem>>
      %dma_wait3A_520 = tpu.memref_squeeze %dma_wait3A_519 : memref<1x96x128xf32, #tpu.memory_space<vmem>> -> memref<96x128xf32, #tpu.memory_space<vmem>>
      %dma_wait3A_521 = arith.constant 0 : i32
      %dma_wait3A_522 = tpu.memref_slice %arg8[%dma_wait3A_515, %dma_wait3A_521] : memref<32x96xi32, #tpu.memory_space<vmem>> -> memref<1x96xi32, #tpu.memory_space<vmem>>
      %dma_wait3A_523 = tpu.memref_squeeze %dma_wait3A_522 : memref<1x96xi32, #tpu.memory_space<vmem>> -> memref<96xi32, #tpu.memory_space<vmem>>
      %dma_wait3A_524 = arith.constant 0 : i32
      %dma_wait3A_525 = arith.constant 0 : i32
      %dma_wait3A_526 = tpu.memref_slice %arg4[%dma_wait3A_524, %dma_wait3A_525] : memref<100000x128xf32, #tpu.memory_space<hbm>> -> memref<100000x128xf32, #tpu.memory_space<hbm>>
      tpu.wait_indirect_dma semaphore(%arg14 : memref<!tpu.dma_semaphore, #tpu.memory_space<semaphore_mem>>) src(%dma_wait3A_526 : memref<100000x128xf32, #tpu.memory_space<hbm>>) dst(%dma_wait3A_520 : memref<96x128xf32, #tpu.memory_space<vmem>>)
      %dma_wait3A_527 = arith.constant 1 : i32
      %dma_wait3A_528 = arith.constant 0 : i32
      %dma_wait3A_529 = arith.constant 0 : i32
      %dma_wait3A_530 = arith.constant 0 : i32
      %dma_wait3A_531 = tpu.memref_slice %arg9[%dma_wait3A_527, %dma_wait3A_529, %dma_wait3A_530] : memref<6x104x128xf32, #tpu.memory_space<vmem>> -> memref<1x96x128xf32, #tpu.memory_space<vmem>>
      %dma_wait3A_532 = tpu.memref_squeeze %dma_wait3A_531 : memref<1x96x128xf32, #tpu.memory_space<vmem>> -> memref<96x128xf32, #tpu.memory_space<vmem>>
      %dma_wait3A_533 = arith.constant 104 : i32
      %dma_wait3A_534 = arith.constant 0 : i32
      %dma_wait3A_535 = tpu.memref_slice %arg6[%dma_wait3A_528, %dma_wait3A_533, %dma_wait3A_534] : memref<1024x200x128xf32, #tpu.memory_space<hbm>> -> memref<1x96x128xf32, #tpu.memory_space<hbm>>
      %dma_wait3A_536 = tpu.memref_squeeze %dma_wait3A_535 : memref<1x96x128xf32, #tpu.memory_space<hbm>> -> memref<96x128xf32, #tpu.memory_space<hbm>>
      %dma_wait3A_537 = arith.constant 104 : i32
      %dma_wait3A_538 = arith.constant 0 : i32
      %dma_wait3A_539 = tpu.memref_slice %arg6[%dma_wait3A_528, %dma_wait3A_537, %dma_wait3A_538] : memref<1024x200x128xf32, #tpu.memory_space<hbm>> -> memref<1x96x128xf32, #tpu.memory_space<hbm>>
      %dma_wait3A_540 = tpu.memref_squeeze %dma_wait3A_539 : memref<1x96x128xf32, #tpu.memory_space<hbm>> -> memref<96x128xf32, #tpu.memory_space<hbm>>
      %dma_wait3A_541 = arith.constant 0 : i32
      %dma_wait3A_542 = arith.constant 0 : i32
      %dma_wait3A_543 = tpu.memref_slice %arg9[%dma_wait3A_527, %dma_wait3A_541, %dma_wait3A_542] : memref<6x104x128xf32, #tpu.memory_space<vmem>> -> memref<1x96x128xf32, #tpu.memory_space<vmem>>
      %dma_wait3A_544 = tpu.memref_squeeze %dma_wait3A_543 : memref<1x96x128xf32, #tpu.memory_space<vmem>> -> memref<96x128xf32, #tpu.memory_space<vmem>>
      tpu.wait_dma2 semaphore(%arg18 : memref<!tpu.dma_semaphore, #tpu.memory_space<semaphore_mem>>) src(%dma_wait3A_544 : memref<96x128xf32, #tpu.memory_space<vmem>>) dst(%dma_wait3A_540 : memref<96x128xf32, #tpu.memory_space<hbm>>)
      %add3A_545 = arith.constant 2 : i32
      %add3A_546 = arith.addi %add3A_514, %add3A_545 : i32
      %dma_start3A_547 = arith.constant 1 : i32
      %dma_start3A_548 = arith.constant 0 : i32
      %dma_start3A_549 = arith.constant 0 : i32
      %dma_start3A_550 = tpu.memref_slice %arg9[%dma_start3A_547, %dma_start3A_548, %dma_start3A_549] : memref<6x104x128xf32, #tpu.memory_space<vmem>> -> memref<1x96x128xf32, #tpu.memory_space<vmem>>
      %dma_start3A_551 = tpu.memref_squeeze %dma_start3A_550 : memref<1x96x128xf32, #tpu.memory_space<vmem>> -> memref<96x128xf32, #tpu.memory_space<vmem>>
      %dma_start3A_552 = arith.constant 0 : i32
      %dma_start3A_553 = tpu.memref_slice %arg8[%add3A_546, %dma_start3A_552] : memref<32x96xi32, #tpu.memory_space<vmem>> -> memref<1x96xi32, #tpu.memory_space<vmem>>
      %dma_start3A_554 = tpu.memref_squeeze %dma_start3A_553 : memref<1x96xi32, #tpu.memory_space<vmem>> -> memref<96xi32, #tpu.memory_space<vmem>>
      %dma_start3A_555 = arith.constant 0 : i32
      %dma_start3A_556 = arith.constant 0 : i32
      %dma_start3A_557 = tpu.memref_slice %arg4[%dma_start3A_555, %dma_start3A_556] : memref<100000x128xf32, #tpu.memory_space<hbm>> -> memref<100000x128xf32, #tpu.memory_space<hbm>>
      tpu.enqueue_indirect_dma source(%dma_start3A_557 : memref<100000x128xf32, #tpu.memory_space<hbm>>) target(%dma_start3A_551 : memref<96x128xf32, #tpu.memory_space<vmem>>) offsets(%dma_start3A_554 : memref<96xi32, #tpu.memory_space<vmem>>) semaphore(%arg12 : memref<!tpu.dma_semaphore, #tpu.memory_space<semaphore_mem>>)
      %add3A_558 = arith.addi %mul3A_2, %add3A_514 : i32
      %scan3A_559 = arith.constant 0 : i32
      %scan3A_560 = arith.constant 0 : i32
      %scan3A_561 = arith.constant 96 : i32
      %scan3A_562 = arith.addi %scan3A_560, %scan3A_561 : i32
      %scan3A_563 = arith.constant 1 : i32
      scf.for %scan3A_732 = %scan3A_560 to %scan3A_562 step %scan3A_563  : i32 {
        %get3A = arith.constant 3 : i32
        %get3A_733 = arith.index_cast %get3A : i32 to index
        %get3A_734 = arith.index_cast %scan3A_732 : i32 to index
        %get3A_735 = arith.constant 0 : index
        %get3A_736 = tpu.vector_load %arg9[%get3A_733, %get3A_734, %get3A_735] {strides = array<i32>} : memref<6x104x128xf32, #tpu.memory_space<vmem>>, vector<1x1x16xf32>,
        %get3A_737 = vector.shape_cast %get3A_736 : vector<1x1x16xf32> to vector<16xf32>
        %mul3A_738 = arith.constant 11.3137083 : f32
        %mul3A_739 = vector.broadcast %mul3A_738 : f32 to vector<16xf32>
        %mul3A_740 = arith.mulf %get3A_737, %mul3A_739 : vector<16xf32>
        %add3A_741 = arith.constant 104 : i32
        %add3A_742 = arith.addi %add3A_741, %scan3A_732 : i32
        %get3A_743 = arith.index_cast %add3A_742 : i32 to index
        %get3A_744 = arith.constant 0 : index
        %get3A_745 = tpu.vector_load %arg10[%get3A_743, %get3A_744] {strides = array<i32>} : memref<200x128xf32, #tpu.memory_space<vmem>>, vector<1x16xf32>,
        %get3A_746 = vector.shape_cast %get3A_745 : vector<1x16xf32> to vector<16xf32>
        %add3A_747 = arith.addf %mul3A_740, %get3A_746 : vector<16xf32>
        %swap3A = arith.constant 3 : i32
        %swap3A_748 = arith.index_cast %swap3A : i32 to index
        %swap3A_749 = arith.index_cast %scan3A_732 : i32 to index
        %swap3A_750 = arith.constant 0 : index
        %swap3A_751 = tpu.vector_load %arg9[%swap3A_748, %swap3A_749, %swap3A_750] {strides = array<i32>} : memref<6x104x128xf32, #tpu.memory_space<vmem>>, vector<1x1x16xf32>,
        %swap3A_752 = vector.shape_cast %swap3A_751 : vector<1x1x16xf32> to vector<16xf32>
        %swap3A_753 = vector.shape_cast %add3A_747 : vector<16xf32> to vector<1x1x16xf32>
        tpu.vector_store %arg9[%swap3A_748, %swap3A_749, %swap3A_750], %swap3A_753 {strides = array<i32>} : memref<6x104x128xf32, #tpu.memory_space<vmem>>, vector<1x1x16xf32>,
        %get3A_754 = arith.constant 3 : i32
        %get3A_755 = arith.index_cast %get3A_754 : i32 to index
        %get3A_756 = arith.index_cast %scan3A_732 : i32 to index
        %get3A_757 = arith.constant 16 : index
        %get3A_758 = tpu.vector_load %arg9[%get3A_755, %get3A_756, %get3A_757] {strides = array<i32>} : memref<6x104x128xf32, #tpu.memory_space<vmem>>, vector<1x1x16xf32>,
        %get3A_759 = vector.shape_cast %get3A_758 : vector<1x1x16xf32> to vector<16xf32>
        %mul3A_760 = arith.constant 11.3137083 : f32
        %mul3A_761 = vector.broadcast %mul3A_760 : f32 to vector<16xf32>
        %mul3A_762 = arith.mulf %get3A_759, %mul3A_761 : vector<16xf32>
        %add3A_763 = arith.constant 104 : i32
        %add3A_764 = arith.addi %add3A_763, %scan3A_732 : i32
        %get3A_765 = arith.index_cast %add3A_764 : i32 to index
        %get3A_766 = arith.constant 16 : index
        %get3A_767 = tpu.vector_load %arg10[%get3A_765, %get3A_766] {strides = array<i32>} : memref<200x128xf32, #tpu.memory_space<vmem>>, vector<1x16xf32>,
        %get3A_768 = vector.shape_cast %get3A_767 : vector<1x16xf32> to vector<16xf32>
        %add3A_769 = arith.addf %mul3A_762, %get3A_768 : vector<16xf32>
        %swap3A_770 = arith.constant 3 : i32
        %swap3A_771 = arith.index_cast %swap3A_770 : i32 to index
        %swap3A_772 = arith.index_cast %scan3A_732 : i32 to index
        %swap3A_773 = arith.constant 16 : index
        %swap3A_774 = tpu.vector_load %arg9[%swap3A_771, %swap3A_772, %swap3A_773] {strides = array<i32>} : memref<6x104x128xf32, #tpu.memory_space<vmem>>, vector<1x1x16xf32>,
        %swap3A_775 = vector.shape_cast %swap3A_774 : vector<1x1x16xf32> to vector<16xf32>
        %swap3A_776 = vector.shape_cast %add3A_769 : vector<16xf32> to vector<1x1x16xf32>
        tpu.vector_store %arg9[%swap3A_771, %swap3A_772, %swap3A_773], %swap3A_776 {strides = array<i32>} : memref<6x104x128xf32, #tpu.memory_space<vmem>>, vector<1x1x16xf32>,
        %get3A_777 = arith.constant 3 : i32
        %get3A_778 = arith.index_cast %get3A_777 : i32 to index
        %get3A_779 = arith.index_cast %scan3A_732 : i32 to index
        %get3A_780 = arith.constant 32 : index
        %get3A_781 = tpu.vector_load %arg9[%get3A_778, %get3A_779, %get3A_780] {strides = array<i32>} : memref<6x104x128xf32, #tpu.memory_space<vmem>>, vector<1x1x16xf32>,
        %get3A_782 = vector.shape_cast %get3A_781 : vector<1x1x16xf32> to vector<16xf32>
        %mul3A_783 = arith.constant 11.3137083 : f32
        %mul3A_784 = vector.broadcast %mul3A_783 : f32 to vector<16xf32>
        %mul3A_785 = arith.mulf %get3A_782, %mul3A_784 : vector<16xf32>
        %add3A_786 = arith.constant 104 : i32
        %add3A_787 = arith.addi %add3A_786, %scan3A_732 : i32
        %get3A_788 = arith.index_cast %add3A_787 : i32 to index
        %get3A_789 = arith.constant 32 : index
        %get3A_790 = tpu.vector_load %arg10[%get3A_788, %get3A_789] {strides = array<i32>} : memref<200x128xf32, #tpu.memory_space<vmem>>, vector<1x16xf32>,
        %get3A_791 = vector.shape_cast %get3A_790 : vector<1x16xf32> to vector<16xf32>
        %add3A_792 = arith.addf %mul3A_785, %get3A_791 : vector<16xf32>
        %swap3A_793 = arith.constant 3 : i32
        %swap3A_794 = arith.index_cast %swap3A_793 : i32 to index
        %swap3A_795 = arith.index_cast %scan3A_732 : i32 to index
        %swap3A_796 = arith.constant 32 : index
        %swap3A_797 = tpu.vector_load %arg9[%swap3A_794, %swap3A_795, %swap3A_796] {strides = array<i32>} : memref<6x104x128xf32, #tpu.memory_space<vmem>>, vector<1x1x16xf32>,
        %swap3A_798 = vector.shape_cast %swap3A_797 : vector<1x1x16xf32> to vector<16xf32>
        %swap3A_799 = vector.shape_cast %add3A_792 : vector<16xf32> to vector<1x1x16xf32>
        tpu.vector_store %arg9[%swap3A_794, %swap3A_795, %swap3A_796], %swap3A_799 {strides = array<i32>} : memref<6x104x128xf32, #tpu.memory_space<vmem>>, vector<1x1x16xf32>,
        %get3A_800 = arith.constant 3 : i32
        %get3A_801 = arith.index_cast %get3A_800 : i32 to index
        %get3A_802 = arith.index_cast %scan3A_732 : i32 to index
        %get3A_803 = arith.constant 48 : index
        %get3A_804 = tpu.vector_load %arg9[%get3A_801, %get3A_802, %get3A_803] {strides = array<i32>} : memref<6x104x128xf32, #tpu.memory_space<vmem>>, vector<1x1x16xf32>,
        %get3A_805 = vector.shape_cast %get3A_804 : vector<1x1x16xf32> to vector<16xf32>
        %mul3A_806 = arith.constant 11.3137083 : f32
        %mul3A_807 = vector.broadcast %mul3A_806 : f32 to vector<16xf32>
        %mul3A_808 = arith.mulf %get3A_805, %mul3A_807 : vector<16xf32>
        %add3A_809 = arith.constant 104 : i32
        %add3A_810 = arith.addi %add3A_809, %scan3A_732 : i32
        %get3A_811 = arith.index_cast %add3A_810 : i32 to index
        %get3A_812 = arith.constant 48 : index
        %get3A_813 = tpu.vector_load %arg10[%get3A_811, %get3A_812] {strides = array<i32>} : memref<200x128xf32, #tpu.memory_space<vmem>>, vector<1x16xf32>,
        %get3A_814 = vector.shape_cast %get3A_813 : vector<1x16xf32> to vector<16xf32>
        %add3A_815 = arith.addf %mul3A_808, %get3A_814 : vector<16xf32>
        %swap3A_816 = arith.constant 3 : i32
        %swap3A_817 = arith.index_cast %swap3A_816 : i32 to index
        %swap3A_818 = arith.index_cast %scan3A_732 : i32 to index
        %swap3A_819 = arith.constant 48 : index
        %swap3A_820 = tpu.vector_load %arg9[%swap3A_817, %swap3A_818, %swap3A_819] {strides = array<i32>} : memref<6x104x128xf32, #tpu.memory_space<vmem>>, vector<1x1x16xf32>,
        %swap3A_821 = vector.shape_cast %swap3A_820 : vector<1x1x16xf32> to vector<16xf32>
        %swap3A_822 = vector.shape_cast %add3A_815 : vector<16xf32> to vector<1x1x16xf32>
        tpu.vector_store %arg9[%swap3A_817, %swap3A_818, %swap3A_819], %swap3A_822 {strides = array<i32>} : memref<6x104x128xf32, #tpu.memory_space<vmem>>, vector<1x1x16xf32>,
        %get3A_823 = arith.constant 3 : i32
        %get3A_824 = arith.index_cast %get3A_823 : i32 to index
        %get3A_825 = arith.index_cast %scan3A_732 : i32 to index
        %get3A_826 = arith.constant 64 : index
        %get3A_827 = tpu.vector_load %arg9[%get3A_824, %get3A_825, %get3A_826] {strides = array<i32>} : memref<6x104x128xf32, #tpu.memory_space<vmem>>, vector<1x1x16xf32>,
        %get3A_828 = vector.shape_cast %get3A_827 : vector<1x1x16xf32> to vector<16xf32>
        %mul3A_829 = arith.constant 11.3137083 : f32
        %mul3A_830 = vector.broadcast %mul3A_829 : f32 to vector<16xf32>
        %mul3A_831 = arith.mulf %get3A_828, %mul3A_830 : vector<16xf32>
        %add3A_832 = arith.constant 104 : i32
        %add3A_833 = arith.addi %add3A_832, %scan3A_732 : i32
        %get3A_834 = arith.index_cast %add3A_833 : i32 to index
        %get3A_835 = arith.constant 64 : index
        %get3A_836 = tpu.vector_load %arg10[%get3A_834, %get3A_835] {strides = array<i32>} : memref<200x128xf32, #tpu.memory_space<vmem>>, vector<1x16xf32>,
        %get3A_837 = vector.shape_cast %get3A_836 : vector<1x16xf32> to vector<16xf32>
        %add3A_838 = arith.addf %mul3A_831, %get3A_837 : vector<16xf32>
        %swap3A_839 = arith.constant 3 : i32
        %swap3A_840 = arith.index_cast %swap3A_839 : i32 to index
        %swap3A_841 = arith.index_cast %scan3A_732 : i32 to index
        %swap3A_842 = arith.constant 64 : index
        %swap3A_843 = tpu.vector_load %arg9[%swap3A_840, %swap3A_841, %swap3A_842] {strides = array<i32>} : memref<6x104x128xf32, #tpu.memory_space<vmem>>, vector<1x1x16xf32>,
        %swap3A_844 = vector.shape_cast %swap3A_843 : vector<1x1x16xf32> to vector<16xf32>
        %swap3A_845 = vector.shape_cast %add3A_838 : vector<16xf32> to vector<1x1x16xf32>
        tpu.vector_store %arg9[%swap3A_840, %swap3A_841, %swap3A_842], %swap3A_845 {strides = array<i32>} : memref<6x104x128xf32, #tpu.memory_space<vmem>>, vector<1x1x16xf32>,
        %get3A_846 = arith.constant 3 : i32
        %get3A_847 = arith.index_cast %get3A_846 : i32 to index
        %get3A_848 = arith.index_cast %scan3A_732 : i32 to index
        %get3A_849 = arith.constant 80 : index
        %get3A_850 = tpu.vector_load %arg9[%get3A_847, %get3A_848, %get3A_849] {strides = array<i32>} : memref<6x104x128xf32, #tpu.memory_space<vmem>>, vector<1x1x16xf32>,
        %get3A_851 = vector.shape_cast %get3A_850 : vector<1x1x16xf32> to vector<16xf32>
        %mul3A_852 = arith.constant 11.3137083 : f32
        %mul3A_853 = vector.broadcast %mul3A_852 : f32 to vector<16xf32>
        %mul3A_854 = arith.mulf %get3A_851, %mul3A_853 : vector<16xf32>
        %add3A_855 = arith.constant 104 : i32
        %add3A_856 = arith.addi %add3A_855, %scan3A_732 : i32
        %get3A_857 = arith.index_cast %add3A_856 : i32 to index
        %get3A_858 = arith.constant 80 : index
        %get3A_859 = tpu.vector_load %arg10[%get3A_857, %get3A_858] {strides = array<i32>} : memref<200x128xf32, #tpu.memory_space<vmem>>, vector<1x16xf32>,
        %get3A_860 = vector.shape_cast %get3A_859 : vector<1x16xf32> to vector<16xf32>
        %add3A_861 = arith.addf %mul3A_854, %get3A_860 : vector<16xf32>
        %swap3A_862 = arith.constant 3 : i32
        %swap3A_863 = arith.index_cast %swap3A_862 : i32 to index
        %swap3A_864 = arith.index_cast %scan3A_732 : i32 to index
        %swap3A_865 = arith.constant 80 : index
        %swap3A_866 = tpu.vector_load %arg9[%swap3A_863, %swap3A_864, %swap3A_865] {strides = array<i32>} : memref<6x104x128xf32, #tpu.memory_space<vmem>>, vector<1x1x16xf32>,
        %swap3A_867 = vector.shape_cast %swap3A_866 : vector<1x1x16xf32> to vector<16xf32>
        %swap3A_868 = vector.shape_cast %add3A_861 : vector<16xf32> to vector<1x1x16xf32>
        tpu.vector_store %arg9[%swap3A_863, %swap3A_864, %swap3A_865], %swap3A_868 {strides = array<i32>} : memref<6x104x128xf32, #tpu.memory_space<vmem>>, vector<1x1x16xf32>,
        %get3A_869 = arith.constant 3 : i32
        %get3A_870 = arith.index_cast %get3A_869 : i32 to index
        %get3A_871 = arith.index_cast %scan3A_732 : i32 to index
        %get3A_872 = arith.constant 96 : index
        %get3A_873 = tpu.vector_load %arg9[%get3A_870, %get3A_871, %get3A_872] {strides = array<i32>} : memref<6x104x128xf32, #tpu.memory_space<vmem>>, vector<1x1x16xf32>,
        %get3A_874 = vector.shape_cast %get3A_873 : vector<1x1x16xf32> to vector<16xf32>
        %mul3A_875 = arith.constant 11.3137083 : f32
        %mul3A_876 = vector.broadcast %mul3A_875 : f32 to vector<16xf32>
        %mul3A_877 = arith.mulf %get3A_874, %mul3A_876 : vector<16xf32>
        %add3A_878 = arith.constant 104 : i32
        %add3A_879 = arith.addi %add3A_878, %scan3A_732 : i32
        %get3A_880 = arith.index_cast %add3A_879 : i32 to index
        %get3A_881 = arith.constant 96 : index
        %get3A_882 = tpu.vector_load %arg10[%get3A_880, %get3A_881] {strides = array<i32>} : memref<200x128xf32, #tpu.memory_space<vmem>>, vector<1x16xf32>,
        %get3A_883 = vector.shape_cast %get3A_882 : vector<1x16xf32> to vector<16xf32>
        %add3A_884 = arith.addf %mul3A_877, %get3A_883 : vector<16xf32>
        %swap3A_885 = arith.constant 3 : i32
        %swap3A_886 = arith.index_cast %swap3A_885 : i32 to index
        %swap3A_887 = arith.index_cast %scan3A_732 : i32 to index
        %swap3A_888 = arith.constant 96 : index
        %swap3A_889 = tpu.vector_load %arg9[%swap3A_886, %swap3A_887, %swap3A_888] {strides = array<i32>} : memref<6x104x128xf32, #tpu.memory_space<vmem>>, vector<1x1x16xf32>,
        %swap3A_890 = vector.shape_cast %swap3A_889 : vector<1x1x16xf32> to vector<16xf32>
        %swap3A_891 = vector.shape_cast %add3A_884 : vector<16xf32> to vector<1x1x16xf32>
        tpu.vector_store %arg9[%swap3A_886, %swap3A_887, %swap3A_888], %swap3A_891 {strides = array<i32>} : memref<6x104x128xf32, #tpu.memory_space<vmem>>, vector<1x1x16xf32>,
        %get3A_892 = arith.constant 3 : i32
        %get3A_893 = arith.index_cast %get3A_892 : i32 to index
        %get3A_894 = arith.index_cast %scan3A_732 : i32 to index
        %get3A_895 = arith.constant 112 : index
        %get3A_896 = tpu.vector_load %arg9[%get3A_893, %get3A_894, %get3A_895] {strides = array<i32>} : memref<6x104x128xf32, #tpu.memory_space<vmem>>, vector<1x1x16xf32>,
        %get3A_897 = vector.shape_cast %get3A_896 : vector<1x1x16xf32> to vector<16xf32>
        %mul3A_898 = arith.constant 11.3137083 : f32
        %mul3A_899 = vector.broadcast %mul3A_898 : f32 to vector<16xf32>
        %mul3A_900 = arith.mulf %get3A_897, %mul3A_899 : vector<16xf32>
        %add3A_901 = arith.constant 104 : i32
        %add3A_902 = arith.addi %add3A_901, %scan3A_732 : i32
        %get3A_903 = arith.index_cast %add3A_902 : i32 to index
        %get3A_904 = arith.constant 112 : index
        %get3A_905 = tpu.vector_load %arg10[%get3A_903, %get3A_904] {strides = array<i32>} : memref<200x128xf32, #tpu.memory_space<vmem>>, vector<1x16xf32>,
        %get3A_906 = vector.shape_cast %get3A_905 : vector<1x16xf32> to vector<16xf32>
        %add3A_907 = arith.addf %mul3A_900, %get3A_906 : vector<16xf32>
        %swap3A_908 = arith.constant 3 : i32
        %swap3A_909 = arith.index_cast %swap3A_908 : i32 to index
        %swap3A_910 = arith.index_cast %scan3A_732 : i32 to index
        %swap3A_911 = arith.constant 112 : index
        %swap3A_912 = tpu.vector_load %arg9[%swap3A_909, %swap3A_910, %swap3A_911] {strides = array<i32>} : memref<6x104x128xf32, #tpu.memory_space<vmem>>, vector<1x1x16xf32>,
        %swap3A_913 = vector.shape_cast %swap3A_912 : vector<1x1x16xf32> to vector<16xf32>
        %swap3A_914 = vector.shape_cast %add3A_907 : vector<16xf32> to vector<1x1x16xf32>
        tpu.vector_store %arg9[%swap3A_909, %swap3A_910, %swap3A_911], %swap3A_914 {strides = array<i32>} : memref<6x104x128xf32, #tpu.memory_space<vmem>>, vector<1x1x16xf32>,
      }
      %scan3A_564 = arith.constant 96 : i32
      %dma_start3A_565 = arith.constant 3 : i32
      %dma_start3A_566 = arith.constant 0 : i32
      %dma_start3A_567 = arith.constant 0 : i32
      %dma_start3A_568 = tpu.memref_slice %arg9[%dma_start3A_565, %dma_start3A_566, %dma_start3A_567] : memref<6x104x128xf32, #tpu.memory_space<vmem>> -> memref<1x96x128xf32, #tpu.memory_space<vmem>>
      %dma_start3A_569 = tpu.memref_squeeze %dma_start3A_568 : memref<1x96x128xf32, #tpu.memory_space<vmem>> -> memref<96x128xf32, #tpu.memory_space<vmem>>
      %dma_start3A_570 = arith.constant 104 : i32
      %dma_start3A_571 = arith.constant 0 : i32
      %dma_start3A_572 = tpu.memref_slice %arg6[%add3A_558, %dma_start3A_570, %dma_start3A_571] : memref<1024x200x128xf32, #tpu.memory_space<hbm>> -> memref<1x96x128xf32, #tpu.memory_space<hbm>>
      %dma_start3A_573 = tpu.memref_squeeze %dma_start3A_572 : memref<1x96x128xf32, #tpu.memory_space<hbm>> -> memref<96x128xf32, #tpu.memory_space<hbm>>
      %dma_start3A_574 = arith.constant 104 : i32
      %dma_start3A_575 = arith.constant 0 : i32
      %dma_start3A_576 = tpu.memref_slice %arg6[%add3A_558, %dma_start3A_574, %dma_start3A_575] : memref<1024x200x128xf32, #tpu.memory_space<hbm>> -> memref<1x96x128xf32, #tpu.memory_space<hbm>>
      %dma_start3A_577 = tpu.memref_squeeze %dma_start3A_576 : memref<1x96x128xf32, #tpu.memory_space<hbm>> -> memref<96x128xf32, #tpu.memory_space<hbm>>
      %dma_start3A_578 = arith.constant 0 : i32
      %dma_start3A_579 = arith.constant 0 : i32
      %dma_start3A_580 = tpu.memref_slice %arg9[%dma_start3A_565, %dma_start3A_578, %dma_start3A_579] : memref<6x104x128xf32, #tpu.memory_space<vmem>> -> memref<1x96x128xf32, #tpu.memory_space<vmem>>
      %dma_start3A_581 = tpu.memref_squeeze %dma_start3A_580 : memref<1x96x128xf32, #tpu.memory_space<vmem>> -> memref<96x128xf32, #tpu.memory_space<vmem>>
      tpu.enqueue_dma source(%dma_start3A_581 : memref<96x128xf32, #tpu.memory_space<vmem>>) target(%dma_start3A_577 : memref<96x128xf32, #tpu.memory_space<hbm>>) target_semaphore(%arg20 : memref<!tpu.dma_semaphore, #tpu.memory_space<semaphore_mem>>)
      %mul3A_582 = arith.constant 6 : i32
      %mul3A_583 = arith.muli %scan3A_310, %mul3A_582 : i32
      %add3A_584 = arith.constant 4 : i32
      %add3A_585 = arith.addi %mul3A_583, %add3A_584 : i32
      %mul3A_586 = arith.constant 3 : i32
      %mul3A_587 = arith.muli %scan3A_310, %mul3A_586 : i32
      %add3A_588 = arith.constant 2 : i32
      %add3A_589 = arith.addi %mul3A_587, %add3A_588 : i32
      %dma_wait3A_590 = arith.constant 0 : i32
      %dma_wait3A_591 = arith.constant 4 : i32
      %dma_wait3A_592 = arith.constant 0 : i32
      %dma_wait3A_593 = arith.constant 0 : i32
      %dma_wait3A_594 = tpu.memref_slice %arg9[%dma_wait3A_591, %dma_wait3A_592, %dma_wait3A_593] : memref<6x104x128xf32, #tpu.memory_space<vmem>> -> memref<1x104x128xf32, #tpu.memory_space<vmem>>
      %dma_wait3A_595 = tpu.memref_squeeze %dma_wait3A_594 : memref<1x104x128xf32, #tpu.memory_space<vmem>> -> memref<104x128xf32, #tpu.memory_space<vmem>>
      %dma_wait3A_596 = arith.constant 0 : i32
      %dma_wait3A_597 = tpu.memref_slice %arg7[%dma_wait3A_590, %dma_wait3A_596] : memref<32x104xi32, #tpu.memory_space<vmem>> -> memref<1x104xi32, #tpu.memory_space<vmem>>
      %dma_wait3A_598 = tpu.memref_squeeze %dma_wait3A_597 : memref<1x104xi32, #tpu.memory_space<vmem>> -> memref<104xi32, #tpu.memory_space<vmem>>
      %dma_wait3A_599 = arith.constant 0 : i32
      %dma_wait3A_600 = arith.constant 0 : i32
      %dma_wait3A_601 = tpu.memref_slice %arg4[%dma_wait3A_599, %dma_wait3A_600] : memref<100000x128xf32, #tpu.memory_space<hbm>> -> memref<100000x128xf32, #tpu.memory_space<hbm>>
      tpu.wait_indirect_dma semaphore(%arg15 : memref<!tpu.dma_semaphore, #tpu.memory_space<semaphore_mem>>) src(%dma_wait3A_601 : memref<100000x128xf32, #tpu.memory_space<hbm>>) dst(%dma_wait3A_595 : memref<104x128xf32, #tpu.memory_space<vmem>>)
      %dma_wait3A_602 = arith.constant 2 : i32
      %dma_wait3A_603 = arith.constant 0 : i32
      %dma_wait3A_604 = arith.constant 0 : i32
      %dma_wait3A_605 = arith.constant 0 : i32
      %dma_wait3A_606 = tpu.memref_slice %arg9[%dma_wait3A_602, %dma_wait3A_604, %dma_wait3A_605] : memref<6x104x128xf32, #tpu.memory_space<vmem>> -> memref<1x104x128xf32, #tpu.memory_space<vmem>>
      %dma_wait3A_607 = tpu.memref_squeeze %dma_wait3A_606 : memref<1x104x128xf32, #tpu.memory_space<vmem>> -> memref<104x128xf32, #tpu.memory_space<vmem>>
      %dma_wait3A_608 = arith.constant 0 : i32
      %dma_wait3A_609 = arith.constant 0 : i32
      %dma_wait3A_610 = tpu.memref_slice %arg6[%dma_wait3A_603, %dma_wait3A_608, %dma_wait3A_609] : memref<1024x200x128xf32, #tpu.memory_space<hbm>> -> memref<1x104x128xf32, #tpu.memory_space<hbm>>
      %dma_wait3A_611 = tpu.memref_squeeze %dma_wait3A_610 : memref<1x104x128xf32, #tpu.memory_space<hbm>> -> memref<104x128xf32, #tpu.memory_space<hbm>>
      %dma_wait3A_612 = arith.constant 0 : i32
      %dma_wait3A_613 = arith.constant 0 : i32
      %dma_wait3A_614 = tpu.memref_slice %arg6[%dma_wait3A_603, %dma_wait3A_612, %dma_wait3A_613] : memref<1024x200x128xf32, #tpu.memory_space<hbm>> -> memref<1x104x128xf32, #tpu.memory_space<hbm>>
      %dma_wait3A_615 = tpu.memref_squeeze %dma_wait3A_614 : memref<1x104x128xf32, #tpu.memory_space<hbm>> -> memref<104x128xf32, #tpu.memory_space<hbm>>
      %dma_wait3A_616 = arith.constant 0 : i32
      %dma_wait3A_617 = arith.constant 0 : i32
      %dma_wait3A_618 = tpu.memref_slice %arg9[%dma_wait3A_602, %dma_wait3A_616, %dma_wait3A_617] : memref<6x104x128xf32, #tpu.memory_space<vmem>> -> memref<1x104x128xf32, #tpu.memory_space<vmem>>
      %dma_wait3A_619 = tpu.memref_squeeze %dma_wait3A_618 : memref<1x104x128xf32, #tpu.memory_space<vmem>> -> memref<104x128xf32, #tpu.memory_space<vmem>>
      tpu.wait_dma2 semaphore(%arg19 : memref<!tpu.dma_semaphore, #tpu.memory_space<semaphore_mem>>) src(%dma_wait3A_619 : memref<104x128xf32, #tpu.memory_space<vmem>>) dst(%dma_wait3A_615 : memref<104x128xf32, #tpu.memory_space<hbm>>)
      %add3A_620 = arith.constant 2 : i32
      %add3A_621 = arith.addi %add3A_589, %add3A_620 : i32
      %dma_start3A_622 = arith.constant 2 : i32
      %dma_start3A_623 = arith.constant 0 : i32
      %dma_start3A_624 = arith.constant 0 : i32
      %dma_start3A_625 = tpu.memref_slice %arg9[%dma_start3A_622, %dma_start3A_623, %dma_start3A_624] : memref<6x104x128xf32, #tpu.memory_space<vmem>> -> memref<1x104x128xf32, #tpu.memory_space<vmem>>
      %dma_start3A_626 = tpu.memref_squeeze %dma_start3A_625 : memref<1x104x128xf32, #tpu.memory_space<vmem>> -> memref<104x128xf32, #tpu.memory_space<vmem>>
      %dma_start3A_627 = arith.constant 0 : i32
      %dma_start3A_628 = tpu.memref_slice %arg7[%add3A_621, %dma_start3A_627] : memref<32x104xi32, #tpu.memory_space<vmem>> -> memref<1x104xi32, #tpu.memory_space<vmem>>
      %dma_start3A_629 = tpu.memref_squeeze %dma_start3A_628 : memref<1x104xi32, #tpu.memory_space<vmem>> -> memref<104xi32, #tpu.memory_space<vmem>>
      %dma_start3A_630 = arith.constant 0 : i32
      %dma_start3A_631 = arith.constant 0 : i32
      %dma_start3A_632 = tpu.memref_slice %arg4[%dma_start3A_630, %dma_start3A_631] : memref<100000x128xf32, #tpu.memory_space<hbm>> -> memref<100000x128xf32, #tpu.memory_space<hbm>>
      tpu.enqueue_indirect_dma source(%dma_start3A_632 : memref<100000x128xf32, #tpu.memory_space<hbm>>) target(%dma_start3A_626 : memref<104x128xf32, #tpu.memory_space<vmem>>) offsets(%dma_start3A_629 : memref<104xi32, #tpu.memory_space<vmem>>) semaphore(%arg13 : memref<!tpu.dma_semaphore, #tpu.memory_space<semaphore_mem>>)
      %add3A_633 = arith.addi %mul3A_2, %add3A_589 : i32
      %scan3A_634 = arith.constant 0 : i32
      %scan3A_635 = arith.constant 0 : i32
      %scan3A_636 = arith.constant 104 : i32
      %scan3A_637 = arith.addi %scan3A_635, %scan3A_636 : i32
      %scan3A_638 = arith.constant 1 : i32
      scf.for %scan3A_732 = %scan3A_635 to %scan3A_637 step %scan3A_638  : i32 {
        %get3A = arith.constant 4 : i32
        %get3A_733 = arith.index_cast %get3A : i32 to index
        %get3A_734 = arith.index_cast %scan3A_732 : i32 to index
        %get3A_735 = arith.constant 0 : index
        %get3A_736 = tpu.vector_load %arg9[%get3A_733, %get3A_734, %get3A_735] {strides = array<i32>} : memref<6x104x128xf32, #tpu.memory_space<vmem>>, vector<1x1x16xf32>,
        %get3A_737 = vector.shape_cast %get3A_736 : vector<1x1x16xf32> to vector<16xf32>
        %mul3A_738 = arith.constant 11.3137083 : f32
        %mul3A_739 = vector.broadcast %mul3A_738 : f32 to vector<16xf32>
        %mul3A_740 = arith.mulf %get3A_737, %mul3A_739 : vector<16xf32>
        %add3A_741 = arith.constant 0 : i32
        %add3A_742 = arith.addi %add3A_741, %scan3A_732 : i32
        %get3A_743 = arith.index_cast %add3A_742 : i32 to index
        %get3A_744 = arith.constant 0 : index
        %get3A_745 = tpu.vector_load %arg10[%get3A_743, %get3A_744] {strides = array<i32>} : memref<200x128xf32, #tpu.memory_space<vmem>>, vector<1x16xf32>,
        %get3A_746 = vector.shape_cast %get3A_745 : vector<1x16xf32> to vector<16xf32>
        %add3A_747 = arith.addf %mul3A_740, %get3A_746 : vector<16xf32>
        %swap3A = arith.constant 4 : i32
        %swap3A_748 = arith.index_cast %swap3A : i32 to index
        %swap3A_749 = arith.index_cast %scan3A_732 : i32 to index
        %swap3A_750 = arith.constant 0 : index
        %swap3A_751 = tpu.vector_load %arg9[%swap3A_748, %swap3A_749, %swap3A_750] {strides = array<i32>} : memref<6x104x128xf32, #tpu.memory_space<vmem>>, vector<1x1x16xf32>,
        %swap3A_752 = vector.shape_cast %swap3A_751 : vector<1x1x16xf32> to vector<16xf32>
        %swap3A_753 = vector.shape_cast %add3A_747 : vector<16xf32> to vector<1x1x16xf32>
        tpu.vector_store %arg9[%swap3A_748, %swap3A_749, %swap3A_750], %swap3A_753 {strides = array<i32>} : memref<6x104x128xf32, #tpu.memory_space<vmem>>, vector<1x1x16xf32>,
        %get3A_754 = arith.constant 4 : i32
        %get3A_755 = arith.index_cast %get3A_754 : i32 to index
        %get3A_756 = arith.index_cast %scan3A_732 : i32 to index
        %get3A_757 = arith.constant 16 : index
        %get3A_758 = tpu.vector_load %arg9[%get3A_755, %get3A_756, %get3A_757] {strides = array<i32>} : memref<6x104x128xf32, #tpu.memory_space<vmem>>, vector<1x1x16xf32>,
        %get3A_759 = vector.shape_cast %get3A_758 : vector<1x1x16xf32> to vector<16xf32>
        %mul3A_760 = arith.constant 11.3137083 : f32
        %mul3A_761 = vector.broadcast %mul3A_760 : f32 to vector<16xf32>
        %mul3A_762 = arith.mulf %get3A_759, %mul3A_761 : vector<16xf32>
        %add3A_763 = arith.constant 0 : i32
        %add3A_764 = arith.addi %add3A_763, %scan3A_732 : i32
        %get3A_765 = arith.index_cast %add3A_764 : i32 to index
        %get3A_766 = arith.constant 16 : index
        %get3A_767 = tpu.vector_load %arg10[%get3A_765, %get3A_766] {strides = array<i32>} : memref<200x128xf32, #tpu.memory_space<vmem>>, vector<1x16xf32>,
        %get3A_768 = vector.shape_cast %get3A_767 : vector<1x16xf32> to vector<16xf32>
        %add3A_769 = arith.addf %mul3A_762, %get3A_768 : vector<16xf32>
        %swap3A_770 = arith.constant 4 : i32
        %swap3A_771 = arith.index_cast %swap3A_770 : i32 to index
        %swap3A_772 = arith.index_cast %scan3A_732 : i32 to index
        %swap3A_773 = arith.constant 16 : index
        %swap3A_774 = tpu.vector_load %arg9[%swap3A_771, %swap3A_772, %swap3A_773] {strides = array<i32>} : memref<6x104x128xf32, #tpu.memory_space<vmem>>, vector<1x1x16xf32>,
        %swap3A_775 = vector.shape_cast %swap3A_774 : vector<1x1x16xf32> to vector<16xf32>
        %swap3A_776 = vector.shape_cast %add3A_769 : vector<16xf32> to vector<1x1x16xf32>
        tpu.vector_store %arg9[%swap3A_771, %swap3A_772, %swap3A_773], %swap3A_776 {strides = array<i32>} : memref<6x104x128xf32, #tpu.memory_space<vmem>>, vector<1x1x16xf32>,
        %get3A_777 = arith.constant 4 : i32
        %get3A_778 = arith.index_cast %get3A_777 : i32 to index
        %get3A_779 = arith.index_cast %scan3A_732 : i32 to index
        %get3A_780 = arith.constant 32 : index
        %get3A_781 = tpu.vector_load %arg9[%get3A_778, %get3A_779, %get3A_780] {strides = array<i32>} : memref<6x104x128xf32, #tpu.memory_space<vmem>>, vector<1x1x16xf32>,
        %get3A_782 = vector.shape_cast %get3A_781 : vector<1x1x16xf32> to vector<16xf32>
        %mul3A_783 = arith.constant 11.3137083 : f32
        %mul3A_784 = vector.broadcast %mul3A_783 : f32 to vector<16xf32>
        %mul3A_785 = arith.mulf %get3A_782, %mul3A_784 : vector<16xf32>
        %add3A_786 = arith.constant 0 : i32
        %add3A_787 = arith.addi %add3A_786, %scan3A_732 : i32
        %get3A_788 = arith.index_cast %add3A_787 : i32 to index
        %get3A_789 = arith.constant 32 : index
        %get3A_790 = tpu.vector_load %arg10[%get3A_788, %get3A_789] {strides = array<i32>} : memref<200x128xf32, #tpu.memory_space<vmem>>, vector<1x16xf32>,
        %get3A_791 = vector.shape_cast %get3A_790 : vector<1x16xf32> to vector<16xf32>
        %add3A_792 = arith.addf %mul3A_785, %get3A_791 : vector<16xf32>
        %swap3A_793 = arith.constant 4 : i32
        %swap3A_794 = arith.index_cast %swap3A_793 : i32 to index
        %swap3A_795 = arith.index_cast %scan3A_732 : i32 to index
        %swap3A_796 = arith.constant 32 : index
        %swap3A_797 = tpu.vector_load %arg9[%swap3A_794, %swap3A_795, %swap3A_796] {strides = array<i32>} : memref<6x104x128xf32, #tpu.memory_space<vmem>>, vector<1x1x16xf32>,
        %swap3A_798 = vector.shape_cast %swap3A_797 : vector<1x1x16xf32> to vector<16xf32>
        %swap3A_799 = vector.shape_cast %add3A_792 : vector<16xf32> to vector<1x1x16xf32>
        tpu.vector_store %arg9[%swap3A_794, %swap3A_795, %swap3A_796], %swap3A_799 {strides = array<i32>} : memref<6x104x128xf32, #tpu.memory_space<vmem>>, vector<1x1x16xf32>,
        %get3A_800 = arith.constant 4 : i32
        %get3A_801 = arith.index_cast %get3A_800 : i32 to index
        %get3A_802 = arith.index_cast %scan3A_732 : i32 to index
        %get3A_803 = arith.constant 48 : index
        %get3A_804 = tpu.vector_load %arg9[%get3A_801, %get3A_802, %get3A_803] {strides = array<i32>} : memref<6x104x128xf32, #tpu.memory_space<vmem>>, vector<1x1x16xf32>,
        %get3A_805 = vector.shape_cast %get3A_804 : vector<1x1x16xf32> to vector<16xf32>
        %mul3A_806 = arith.constant 11.3137083 : f32
        %mul3A_807 = vector.broadcast %mul3A_806 : f32 to vector<16xf32>
        %mul3A_808 = arith.mulf %get3A_805, %mul3A_807 : vector<16xf32>
        %add3A_809 = arith.constant 0 : i32
        %add3A_810 = arith.addi %add3A_809, %scan3A_732 : i32
        %get3A_811 = arith.index_cast %add3A_810 : i32 to index
        %get3A_812 = arith.constant 48 : index
        %get3A_813 = tpu.vector_load %arg10[%get3A_811, %get3A_812] {strides = array<i32>} : memref<200x128xf32, #tpu.memory_space<vmem>>, vector<1x16xf32>,
        %get3A_814 = vector.shape_cast %get3A_813 : vector<1x16xf32> to vector<16xf32>
        %add3A_815 = arith.addf %mul3A_808, %get3A_814 : vector<16xf32>
        %swap3A_816 = arith.constant 4 : i32
        %swap3A_817 = arith.index_cast %swap3A_816 : i32 to index
        %swap3A_818 = arith.index_cast %scan3A_732 : i32 to index
        %swap3A_819 = arith.constant 48 : index
        %swap3A_820 = tpu.vector_load %arg9[%swap3A_817, %swap3A_818, %swap3A_819] {strides = array<i32>} : memref<6x104x128xf32, #tpu.memory_space<vmem>>, vector<1x1x16xf32>,
        %swap3A_821 = vector.shape_cast %swap3A_820 : vector<1x1x16xf32> to vector<16xf32>
        %swap3A_822 = vector.shape_cast %add3A_815 : vector<16xf32> to vector<1x1x16xf32>
        tpu.vector_store %arg9[%swap3A_817, %swap3A_818, %swap3A_819], %swap3A_822 {strides = array<i32>} : memref<6x104x128xf32, #tpu.memory_space<vmem>>, vector<1x1x16xf32>,
        %get3A_823 = arith.constant 4 : i32
        %get3A_824 = arith.index_cast %get3A_823 : i32 to index
        %get3A_825 = arith.index_cast %scan3A_732 : i32 to index
        %get3A_826 = arith.constant 64 : index
        %get3A_827 = tpu.vector_load %arg9[%get3A_824, %get3A_825, %get3A_826] {strides = array<i32>} : memref<6x104x128xf32, #tpu.memory_space<vmem>>, vector<1x1x16xf32>,
        %get3A_828 = vector.shape_cast %get3A_827 : vector<1x1x16xf32> to vector<16xf32>
        %mul3A_829 = arith.constant 11.3137083 : f32
        %mul3A_830 = vector.broadcast %mul3A_829 : f32 to vector<16xf32>
        %mul3A_831 = arith.mulf %get3A_828, %mul3A_830 : vector<16xf32>
        %add3A_832 = arith.constant 0 : i32
        %add3A_833 = arith.addi %add3A_832, %scan3A_732 : i32
        %get3A_834 = arith.index_cast %add3A_833 : i32 to index
        %get3A_835 = arith.constant 64 : index
        %get3A_836 = tpu.vector_load %arg10[%get3A_834, %get3A_835] {strides = array<i32>} : memref<200x128xf32, #tpu.memory_space<vmem>>, vector<1x16xf32>,
        %get3A_837 = vector.shape_cast %get3A_836 : vector<1x16xf32> to vector<16xf32>
        %add3A_838 = arith.addf %mul3A_831, %get3A_837 : vector<16xf32>
        %swap3A_839 = arith.constant 4 : i32
        %swap3A_840 = arith.index_cast %swap3A_839 : i32 to index
        %swap3A_841 = arith.index_cast %scan3A_732 : i32 to index
        %swap3A_842 = arith.constant 64 : index
        %swap3A_843 = tpu.vector_load %arg9[%swap3A_840, %swap3A_841, %swap3A_842] {strides = array<i32>} : memref<6x104x128xf32, #tpu.memory_space<vmem>>, vector<1x1x16xf32>,
        %swap3A_844 = vector.shape_cast %swap3A_843 : vector<1x1x16xf32> to vector<16xf32>
        %swap3A_845 = vector.shape_cast %add3A_838 : vector<16xf32> to vector<1x1x16xf32>
        tpu.vector_store %arg9[%swap3A_840, %swap3A_841, %swap3A_842], %swap3A_845 {strides = array<i32>} : memref<6x104x128xf32, #tpu.memory_space<vmem>>, vector<1x1x16xf32>,
        %get3A_846 = arith.constant 4 : i32
        %get3A_847 = arith.index_cast %get3A_846 : i32 to index
        %get3A_848 = arith.index_cast %scan3A_732 : i32 to index
        %get3A_849 = arith.constant 80 : index
        %get3A_850 = tpu.vector_load %arg9[%get3A_847, %get3A_848, %get3A_849] {strides = array<i32>} : memref<6x104x128xf32, #tpu.memory_space<vmem>>, vector<1x1x16xf32>,
        %get3A_851 = vector.shape_cast %get3A_850 : vector<1x1x16xf32> to vector<16xf32>
        %mul3A_852 = arith.constant 11.3137083 : f32
        %mul3A_853 = vector.broadcast %mul3A_852 : f32 to vector<16xf32>
        %mul3A_854 = arith.mulf %get3A_851, %mul3A_853 : vector<16xf32>
        %add3A_855 = arith.constant 0 : i32
        %add3A_856 = arith.addi %add3A_855, %scan3A_732 : i32
        %get3A_857 = arith.index_cast %add3A_856 : i32 to index
        %get3A_858 = arith.constant 80 : index
        %get3A_859 = tpu.vector_load %arg10[%get3A_857, %get3A_858] {strides = array<i32>} : memref<200x128xf32, #tpu.memory_space<vmem>>, vector<1x16xf32>,
        %get3A_860 = vector.shape_cast %get3A_859 : vector<1x16xf32> to vector<16xf32>
        %add3A_861 = arith.addf %mul3A_854, %get3A_860 : vector<16xf32>
        %swap3A_862 = arith.constant 4 : i32
        %swap3A_863 = arith.index_cast %swap3A_862 : i32 to index
        %swap3A_864 = arith.index_cast %scan3A_732 : i32 to index
        %swap3A_865 = arith.constant 80 : index
        %swap3A_866 = tpu.vector_load %arg9[%swap3A_863, %swap3A_864, %swap3A_865] {strides = array<i32>} : memref<6x104x128xf32, #tpu.memory_space<vmem>>, vector<1x1x16xf32>,
        %swap3A_867 = vector.shape_cast %swap3A_866 : vector<1x1x16xf32> to vector<16xf32>
        %swap3A_868 = vector.shape_cast %add3A_861 : vector<16xf32> to vector<1x1x16xf32>
        tpu.vector_store %arg9[%swap3A_863, %swap3A_864, %swap3A_865], %swap3A_868 {strides = array<i32>} : memref<6x104x128xf32, #tpu.memory_space<vmem>>, vector<1x1x16xf32>,
        %get3A_869 = arith.constant 4 : i32
        %get3A_870 = arith.index_cast %get3A_869 : i32 to index
        %get3A_871 = arith.index_cast %scan3A_732 : i32 to index
        %get3A_872 = arith.constant 96 : index
        %get3A_873 = tpu.vector_load %arg9[%get3A_870, %get3A_871, %get3A_872] {strides = array<i32>} : memref<6x104x128xf32, #tpu.memory_space<vmem>>, vector<1x1x16xf32>,
        %get3A_874 = vector.shape_cast %get3A_873 : vector<1x1x16xf32> to vector<16xf32>
        %mul3A_875 = arith.constant 11.3137083 : f32
        %mul3A_876 = vector.broadcast %mul3A_875 : f32 to vector<16xf32>
        %mul3A_877 = arith.mulf %get3A_874, %mul3A_876 : vector<16xf32>
        %add3A_878 = arith.constant 0 : i32
        %add3A_879 = arith.addi %add3A_878, %scan3A_732 : i32
        %get3A_880 = arith.index_cast %add3A_879 : i32 to index
        %get3A_881 = arith.constant 96 : index
        %get3A_882 = tpu.vector_load %arg10[%get3A_880, %get3A_881] {strides = array<i32>} : memref<200x128xf32, #tpu.memory_space<vmem>>, vector<1x16xf32>,
        %get3A_883 = vector.shape_cast %get3A_882 : vector<1x16xf32> to vector<16xf32>
        %add3A_884 = arith.addf %mul3A_877, %get3A_883 : vector<16xf32>
        %swap3A_885 = arith.constant 4 : i32
        %swap3A_886 = arith.index_cast %swap3A_885 : i32 to index
        %swap3A_887 = arith.index_cast %scan3A_732 : i32 to index
        %swap3A_888 = arith.constant 96 : index
        %swap3A_889 = tpu.vector_load %arg9[%swap3A_886, %swap3A_887, %swap3A_888] {strides = array<i32>} : memref<6x104x128xf32, #tpu.memory_space<vmem>>, vector<1x1x16xf32>,
        %swap3A_890 = vector.shape_cast %swap3A_889 : vector<1x1x16xf32> to vector<16xf32>
        %swap3A_891 = vector.shape_cast %add3A_884 : vector<16xf32> to vector<1x1x16xf32>
        tpu.vector_store %arg9[%swap3A_886, %swap3A_887, %swap3A_888], %swap3A_891 {strides = array<i32>} : memref<6x104x128xf32, #tpu.memory_space<vmem>>, vector<1x1x16xf32>,
        %get3A_892 = arith.constant 4 : i32
        %get3A_893 = arith.index_cast %get3A_892 : i32 to index
        %get3A_894 = arith.index_cast %scan3A_732 : i32 to index
        %get3A_895 = arith.constant 112 : index
        %get3A_896 = tpu.vector_load %arg9[%get3A_893, %get3A_894, %get3A_895] {strides = array<i32>} : memref<6x104x128xf32, #tpu.memory_space<vmem>>, vector<1x1x16xf32>,
        %get3A_897 = vector.shape_cast %get3A_896 : vector<1x1x16xf32> to vector<16xf32>
        %mul3A_898 = arith.constant 11.3137083 : f32
        %mul3A_899 = vector.broadcast %mul3A_898 : f32 to vector<16xf32>
        %mul3A_900 = arith.mulf %get3A_897, %mul3A_899 : vector<16xf32>
        %add3A_901 = arith.constant 0 : i32
        %add3A_902 = arith.addi %add3A_901, %scan3A_732 : i32
        %get3A_903 = arith.index_cast %add3A_902 : i32 to index
        %get3A_904 = arith.constant 112 : index
        %get3A_905 = tpu.vector_load %arg10[%get3A_903, %get3A_904] {strides = array<i32>} : memref<200x128xf32, #tpu.memory_space<vmem>>, vector<1x16xf32>,
        %get3A_906 = vector.shape_cast %get3A_905 : vector<1x16xf32> to vector<16xf32>
        %add3A_907 = arith.addf %mul3A_900, %get3A_906 : vector<16xf32>
        %swap3A_908 = arith.constant 4 : i32
        %swap3A_909 = arith.index_cast %swap3A_908 : i32 to index
        %swap3A_910 = arith.index_cast %scan3A_732 : i32 to index
        %swap3A_911 = arith.constant 112 : index
        %swap3A_912 = tpu.vector_load %arg9[%swap3A_909, %swap3A_910, %swap3A_911] {strides = array<i32>} : memref<6x104x128xf32, #tpu.memory_space<vmem>>, vector<1x1x16xf32>,
        %swap3A_913 = vector.shape_cast %swap3A_912 : vector<1x1x16xf32> to vector<16xf32>
        %swap3A_914 = vector.shape_cast %add3A_907 : vector<16xf32> to vector<1x1x16xf32>
        tpu.vector_store %arg9[%swap3A_909, %swap3A_910, %swap3A_911], %swap3A_914 {strides = array<i32>} : memref<6x104x128xf32, #tpu.memory_space<vmem>>, vector<1x1x16xf32>,
      }
      %scan3A_639 = arith.constant 104 : i32
      %dma_start3A_640 = arith.constant 4 : i32
      %dma_start3A_641 = arith.constant 0 : i32
      %dma_start3A_642 = arith.constant 0 : i32
      %dma_start3A_643 = tpu.memref_slice %arg9[%dma_start3A_640, %dma_start3A_641, %dma_start3A_642] : memref<6x104x128xf32, #tpu.memory_space<vmem>> -> memref<1x104x128xf32, #tpu.memory_space<vmem>>
      %dma_start3A_644 = tpu.memref_squeeze %dma_start3A_643 : memref<1x104x128xf32, #tpu.memory_space<vmem>> -> memref<104x128xf32, #tpu.memory_space<vmem>>
      %dma_start3A_645 = arith.constant 0 : i32
      %dma_start3A_646 = arith.constant 0 : i32
      %dma_start3A_647 = tpu.memref_slice %arg6[%add3A_633, %dma_start3A_645, %dma_start3A_646] : memref<1024x200x128xf32, #tpu.memory_space<hbm>> -> memref<1x104x128xf32, #tpu.memory_space<hbm>>
      %dma_start3A_648 = tpu.memref_squeeze %dma_start3A_647 : memref<1x104x128xf32, #tpu.memory_space<hbm>> -> memref<104x128xf32, #tpu.memory_space<hbm>>
      %dma_start3A_649 = arith.constant 0 : i32
      %dma_start3A_650 = arith.constant 0 : i32
      %dma_start3A_651 = tpu.memref_slice %arg6[%add3A_633, %dma_start3A_649, %dma_start3A_650] : memref<1024x200x128xf32, #tpu.memory_space<hbm>> -> memref<1x104x128xf32, #tpu.memory_space<hbm>>
      %dma_start3A_652 = tpu.memref_squeeze %dma_start3A_651 : memref<1x104x128xf32, #tpu.memory_space<hbm>> -> memref<104x128xf32, #tpu.memory_space<hbm>>
      %dma_start3A_653 = arith.constant 0 : i32
      %dma_start3A_654 = arith.constant 0 : i32
      %dma_start3A_655 = tpu.memref_slice %arg9[%dma_start3A_640, %dma_start3A_653, %dma_start3A_654] : memref<6x104x128xf32, #tpu.memory_space<vmem>> -> memref<1x104x128xf32, #tpu.memory_space<vmem>>
      %dma_start3A_656 = tpu.memref_squeeze %dma_start3A_655 : memref<1x104x128xf32, #tpu.memory_space<vmem>> -> memref<104x128xf32, #tpu.memory_space<vmem>>
      tpu.enqueue_dma source(%dma_start3A_656 : memref<104x128xf32, #tpu.memory_space<vmem>>) target(%dma_start3A_652 : memref<104x128xf32, #tpu.memory_space<hbm>>) target_semaphore(%arg21 : memref<!tpu.dma_semaphore, #tpu.memory_space<semaphore_mem>>)
      %mul3A_657 = arith.constant 6 : i32
      %mul3A_658 = arith.muli %scan3A_310, %mul3A_657 : i32
      %add3A_659 = arith.constant 5 : i32
      %add3A_660 = arith.addi %mul3A_658, %add3A_659 : i32
      %mul3A_661 = arith.constant 3 : i32
      %mul3A_662 = arith.muli %scan3A_310, %mul3A_661 : i32
      %add3A_663 = arith.constant 2 : i32
      %add3A_664 = arith.addi %mul3A_662, %add3A_663 : i32
      %dma_wait3A_665 = arith.constant 0 : i32
      %dma_wait3A_666 = arith.constant 5 : i32
      %dma_wait3A_667 = arith.constant 0 : i32
      %dma_wait3A_668 = arith.constant 0 : i32
      %dma_wait3A_669 = tpu.memref_slice %arg9[%dma_wait3A_666, %dma_wait3A_667, %dma_wait3A_668] : memref<6x104x128xf32, #tpu.memory_space<vmem>> -> memref<1x96x128xf32, #tpu.memory_space<vmem>>
      %dma_wait3A_670 = tpu.memref_squeeze %dma_wait3A_669 : memref<1x96x128xf32, #tpu.memory_space<vmem>> -> memref<96x128xf32, #tpu.memory_space<vmem>>
      %dma_wait3A_671 = arith.constant 0 : i32
      %dma_wait3A_672 = tpu.memref_slice %arg8[%dma_wait3A_665, %dma_wait3A_671] : memref<32x96xi32, #tpu.memory_space<vmem>> -> memref<1x96xi32, #tpu.memory_space<vmem>>
      %dma_wait3A_673 = tpu.memref_squeeze %dma_wait3A_672 : memref<1x96xi32, #tpu.memory_space<vmem>> -> memref<96xi32, #tpu.memory_space<vmem>>
      %dma_wait3A_674 = arith.constant 0 : i32
      %dma_wait3A_675 = arith.constant 0 : i32
      %dma_wait3A_676 = tpu.memref_slice %arg4[%dma_wait3A_674, %dma_wait3A_675] : memref<100000x128xf32, #tpu.memory_space<hbm>> -> memref<100000x128xf32, #tpu.memory_space<hbm>>
      tpu.wait_indirect_dma semaphore(%arg16 : memref<!tpu.dma_semaphore, #tpu.memory_space<semaphore_mem>>) src(%dma_wait3A_676 : memref<100000x128xf32, #tpu.memory_space<hbm>>) dst(%dma_wait3A_670 : memref<96x128xf32, #tpu.memory_space<vmem>>)
      %dma_wait3A_677 = arith.constant 3 : i32
      %dma_wait3A_678 = arith.constant 0 : i32
      %dma_wait3A_679 = arith.constant 0 : i32
      %dma_wait3A_680 = arith.constant 0 : i32
      %dma_wait3A_681 = tpu.memref_slice %arg9[%dma_wait3A_677, %dma_wait3A_679, %dma_wait3A_680] : memref<6x104x128xf32, #tpu.memory_space<vmem>> -> memref<1x96x128xf32, #tpu.memory_space<vmem>>
      %dma_wait3A_682 = tpu.memref_squeeze %dma_wait3A_681 : memref<1x96x128xf32, #tpu.memory_space<vmem>> -> memref<96x128xf32, #tpu.memory_space<vmem>>
      %dma_wait3A_683 = arith.constant 104 : i32
      %dma_wait3A_684 = arith.constant 0 : i32
      %dma_wait3A_685 = tpu.memref_slice %arg6[%dma_wait3A_678, %dma_wait3A_683, %dma_wait3A_684] : memref<1024x200x128xf32, #tpu.memory_space<hbm>> -> memref<1x96x128xf32, #tpu.memory_space<hbm>>
      %dma_wait3A_686 = tpu.memref_squeeze %dma_wait3A_685 : memref<1x96x128xf32, #tpu.memory_space<hbm>> -> memref<96x128xf32, #tpu.memory_space<hbm>>
      %dma_wait3A_687 = arith.constant 104 : i32
      %dma_wait3A_688 = arith.constant 0 : i32
      %dma_wait3A_689 = tpu.memref_slice %arg6[%dma_wait3A_678, %dma_wait3A_687, %dma_wait3A_688] : memref<1024x200x128xf32, #tpu.memory_space<hbm>> -> memref<1x96x128xf32, #tpu.memory_space<hbm>>
      %dma_wait3A_690 = tpu.memref_squeeze %dma_wait3A_689 : memref<1x96x128xf32, #tpu.memory_space<hbm>> -> memref<96x128xf32, #tpu.memory_space<hbm>>
      %dma_wait3A_691 = arith.constant 0 : i32
      %dma_wait3A_692 = arith.constant 0 : i32
      %dma_wait3A_693 = tpu.memref_slice %arg9[%dma_wait3A_677, %dma_wait3A_691, %dma_wait3A_692] : memref<6x104x128xf32, #tpu.memory_space<vmem>> -> memref<1x96x128xf32, #tpu.memory_space<vmem>>
      %dma_wait3A_694 = tpu.memref_squeeze %dma_wait3A_693 : memref<1x96x128xf32, #tpu.memory_space<vmem>> -> memref<96x128xf32, #tpu.memory_space<vmem>>
      tpu.wait_dma2 semaphore(%arg20 : memref<!tpu.dma_semaphore, #tpu.memory_space<semaphore_mem>>) src(%dma_wait3A_694 : memref<96x128xf32, #tpu.memory_space<vmem>>) dst(%dma_wait3A_690 : memref<96x128xf32, #tpu.memory_space<hbm>>)
      %add3A_695 = arith.constant 2 : i32
      %add3A_696 = arith.addi %add3A_664, %add3A_695 : i32
      %dma_start3A_697 = arith.constant 3 : i32
      %dma_start3A_698 = arith.constant 0 : i32
      %dma_start3A_699 = arith.constant 0 : i32
      %dma_start3A_700 = tpu.memref_slice %arg9[%dma_start3A_697, %dma_start3A_698, %dma_start3A_699] : memref<6x104x128xf32, #tpu.memory_space<vmem>> -> memref<1x96x128xf32, #tpu.memory_space<vmem>>
      %dma_start3A_701 = tpu.memref_squeeze %dma_start3A_700 : memref<1x96x128xf32, #tpu.memory_space<vmem>> -> memref<96x128xf32, #tpu.memory_space<vmem>>
      %dma_start3A_702 = arith.constant 0 : i32
      %dma_start3A_703 = tpu.memref_slice %arg8[%add3A_696, %dma_start3A_702] : memref<32x96xi32, #tpu.memory_space<vmem>> -> memref<1x96xi32, #tpu.memory_space<vmem>>
      %dma_start3A_704 = tpu.memref_squeeze %dma_start3A_703 : memref<1x96xi32, #tpu.memory_space<vmem>> -> memref<96xi32, #tpu.memory_space<vmem>>
      %dma_start3A_705 = arith.constant 0 : i32
      %dma_start3A_706 = arith.constant 0 : i32
      %dma_start3A_707 = tpu.memref_slice %arg4[%dma_start3A_705, %dma_start3A_706] : memref<100000x128xf32, #tpu.memory_space<hbm>> -> memref<100000x128xf32, #tpu.memory_space<hbm>>
      tpu.enqueue_indirect_dma source(%dma_start3A_707 : memref<100000x128xf32, #tpu.memory_space<hbm>>) target(%dma_start3A_701 : memref<96x128xf32, #tpu.memory_space<vmem>>) offsets(%dma_start3A_704 : memref<96xi32, #tpu.memory_space<vmem>>) semaphore(%arg14 : memref<!tpu.dma_semaphore, #tpu.memory_space<semaphore_mem>>)
      %add3A_708 = arith.addi %mul3A_2, %add3A_664 : i32
      %scan3A_709 = arith.constant 0 : i32
      %scan3A_710 = arith.constant 0 : i32
      %scan3A_711 = arith.constant 96 : i32
      %scan3A_712 = arith.addi %scan3A_710, %scan3A_711 : i32
      %scan3A_713 = arith.constant 1 : i32
      scf.for %scan3A_732 = %scan3A_710 to %scan3A_712 step %scan3A_713  : i32 {
        %get3A = arith.constant 5 : i32
        %get3A_733 = arith.index_cast %get3A : i32 to index
        %get3A_734 = arith.index_cast %scan3A_732 : i32 to index
        %get3A_735 = arith.constant 0 : index
        %get3A_736 = tpu.vector_load %arg9[%get3A_733, %get3A_734, %get3A_735] {strides = array<i32>} : memref<6x104x128xf32, #tpu.memory_space<vmem>>, vector<1x1x16xf32>,
        %get3A_737 = vector.shape_cast %get3A_736 : vector<1x1x16xf32> to vector<16xf32>
        %mul3A_738 = arith.constant 11.3137083 : f32
        %mul3A_739 = vector.broadcast %mul3A_738 : f32 to vector<16xf32>
        %mul3A_740 = arith.mulf %get3A_737, %mul3A_739 : vector<16xf32>
        %add3A_741 = arith.constant 104 : i32
        %add3A_742 = arith.addi %add3A_741, %scan3A_732 : i32
        %get3A_743 = arith.index_cast %add3A_742 : i32 to index
        %get3A_744 = arith.constant 0 : index
        %get3A_745 = tpu.vector_load %arg10[%get3A_743, %get3A_744] {strides = array<i32>} : memref<200x128xf32, #tpu.memory_space<vmem>>, vector<1x16xf32>,
        %get3A_746 = vector.shape_cast %get3A_745 : vector<1x16xf32> to vector<16xf32>
        %add3A_747 = arith.addf %mul3A_740, %get3A_746 : vector<16xf32>
        %swap3A = arith.constant 5 : i32
        %swap3A_748 = arith.index_cast %swap3A : i32 to index
        %swap3A_749 = arith.index_cast %scan3A_732 : i32 to index
        %swap3A_750 = arith.constant 0 : index
        %swap3A_751 = tpu.vector_load %arg9[%swap3A_748, %swap3A_749, %swap3A_750] {strides = array<i32>} : memref<6x104x128xf32, #tpu.memory_space<vmem>>, vector<1x1x16xf32>,
        %swap3A_752 = vector.shape_cast %swap3A_751 : vector<1x1x16xf32> to vector<16xf32>
        %swap3A_753 = vector.shape_cast %add3A_747 : vector<16xf32> to vector<1x1x16xf32>
        tpu.vector_store %arg9[%swap3A_748, %swap3A_749, %swap3A_750], %swap3A_753 {strides = array<i32>} : memref<6x104x128xf32, #tpu.memory_space<vmem>>, vector<1x1x16xf32>,
        %get3A_754 = arith.constant 5 : i32
        %get3A_755 = arith.index_cast %get3A_754 : i32 to index
        %get3A_756 = arith.index_cast %scan3A_732 : i32 to index
        %get3A_757 = arith.constant 16 : index
        %get3A_758 = tpu.vector_load %arg9[%get3A_755, %get3A_756, %get3A_757] {strides = array<i32>} : memref<6x104x128xf32, #tpu.memory_space<vmem>>, vector<1x1x16xf32>,
        %get3A_759 = vector.shape_cast %get3A_758 : vector<1x1x16xf32> to vector<16xf32>
        %mul3A_760 = arith.constant 11.3137083 : f32
        %mul3A_761 = vector.broadcast %mul3A_760 : f32 to vector<16xf32>
        %mul3A_762 = arith.mulf %get3A_759, %mul3A_761 : vector<16xf32>
        %add3A_763 = arith.constant 104 : i32
        %add3A_764 = arith.addi %add3A_763, %scan3A_732 : i32
        %get3A_765 = arith.index_cast %add3A_764 : i32 to index
        %get3A_766 = arith.constant 16 : index
        %get3A_767 = tpu.vector_load %arg10[%get3A_765, %get3A_766] {strides = array<i32>} : memref<200x128xf32, #tpu.memory_space<vmem>>, vector<1x16xf32>,
        %get3A_768 = vector.shape_cast %get3A_767 : vector<1x16xf32> to vector<16xf32>
        %add3A_769 = arith.addf %mul3A_762, %get3A_768 : vector<16xf32>
        %swap3A_770 = arith.constant 5 : i32
        %swap3A_771 = arith.index_cast %swap3A_770 : i32 to index
        %swap3A_772 = arith.index_cast %scan3A_732 : i32 to index
        %swap3A_773 = arith.constant 16 : index
        %swap3A_774 = tpu.vector_load %arg9[%swap3A_771, %swap3A_772, %swap3A_773] {strides = array<i32>} : memref<6x104x128xf32, #tpu.memory_space<vmem>>, vector<1x1x16xf32>,
        %swap3A_775 = vector.shape_cast %swap3A_774 : vector<1x1x16xf32> to vector<16xf32>
        %swap3A_776 = vector.shape_cast %add3A_769 : vector<16xf32> to vector<1x1x16xf32>
        tpu.vector_store %arg9[%swap3A_771, %swap3A_772, %swap3A_773], %swap3A_776 {strides = array<i32>} : memref<6x104x128xf32, #tpu.memory_space<vmem>>, vector<1x1x16xf32>,
        %get3A_777 = arith.constant 5 : i32
        %get3A_778 = arith.index_cast %get3A_777 : i32 to index
        %get3A_779 = arith.index_cast %scan3A_732 : i32 to index
        %get3A_780 = arith.constant 32 : index
        %get3A_781 = tpu.vector_load %arg9[%get3A_778, %get3A_779, %get3A_780] {strides = array<i32>} : memref<6x104x128xf32, #tpu.memory_space<vmem>>, vector<1x1x16xf32>,
        %get3A_782 = vector.shape_cast %get3A_781 : vector<1x1x16xf32> to vector<16xf32>
        %mul3A_783 = arith.constant 11.3137083 : f32
        %mul3A_784 = vector.broadcast %mul3A_783 : f32 to vector<16xf32>
        %mul3A_785 = arith.mulf %get3A_782, %mul3A_784 : vector<16xf32>
        %add3A_786 = arith.constant 104 : i32
        %add3A_787 = arith.addi %add3A_786, %scan3A_732 : i32
        %get3A_788 = arith.index_cast %add3A_787 : i32 to index
        %get3A_789 = arith.constant 32 : index
        %get3A_790 = tpu.vector_load %arg10[%get3A_788, %get3A_789] {strides = array<i32>} : memref<200x128xf32, #tpu.memory_space<vmem>>, vector<1x16xf32>,
        %get3A_791 = vector.shape_cast %get3A_790 : vector<1x16xf32> to vector<16xf32>
        %add3A_792 = arith.addf %mul3A_785, %get3A_791 : vector<16xf32>
        %swap3A_793 = arith.constant 5 : i32
        %swap3A_794 = arith.index_cast %swap3A_793 : i32 to index
        %swap3A_795 = arith.index_cast %scan3A_732 : i32 to index
        %swap3A_796 = arith.constant 32 : index
        %swap3A_797 = tpu.vector_load %arg9[%swap3A_794, %swap3A_795, %swap3A_796] {strides = array<i32>} : memref<6x104x128xf32, #tpu.memory_space<vmem>>, vector<1x1x16xf32>,
        %swap3A_798 = vector.shape_cast %swap3A_797 : vector<1x1x16xf32> to vector<16xf32>
        %swap3A_799 = vector.shape_cast %add3A_792 : vector<16xf32> to vector<1x1x16xf32>
        tpu.vector_store %arg9[%swap3A_794, %swap3A_795, %swap3A_796], %swap3A_799 {strides = array<i32>} : memref<6x104x128xf32, #tpu.memory_space<vmem>>, vector<1x1x16xf32>,
        %get3A_800 = arith.constant 5 : i32
        %get3A_801 = arith.index_cast %get3A_800 : i32 to index
        %get3A_802 = arith.index_cast %scan3A_732 : i32 to index
        %get3A_803 = arith.constant 48 : index
        %get3A_804 = tpu.vector_load %arg9[%get3A_801, %get3A_802, %get3A_803] {strides = array<i32>} : memref<6x104x128xf32, #tpu.memory_space<vmem>>, vector<1x1x16xf32>,
        %get3A_805 = vector.shape_cast %get3A_804 : vector<1x1x16xf32> to vector<16xf32>
        %mul3A_806 = arith.constant 11.3137083 : f32
        %mul3A_807 = vector.broadcast %mul3A_806 : f32 to vector<16xf32>
        %mul3A_808 = arith.mulf %get3A_805, %mul3A_807 : vector<16xf32>
        %add3A_809 = arith.constant 104 : i32
        %add3A_810 = arith.addi %add3A_809, %scan3A_732 : i32
        %get3A_811 = arith.index_cast %add3A_810 : i32 to index
        %get3A_812 = arith.constant 48 : index
        %get3A_813 = tpu.vector_load %arg10[%get3A_811, %get3A_812] {strides = array<i32>} : memref<200x128xf32, #tpu.memory_space<vmem>>, vector<1x16xf32>,
        %get3A_814 = vector.shape_cast %get3A_813 : vector<1x16xf32> to vector<16xf32>
        %add3A_815 = arith.addf %mul3A_808, %get3A_814 : vector<16xf32>
        %swap3A_816 = arith.constant 5 : i32
        %swap3A_817 = arith.index_cast %swap3A_816 : i32 to index
        %swap3A_818 = arith.index_cast %scan3A_732 : i32 to index
        %swap3A_819 = arith.constant 48 : index
        %swap3A_820 = tpu.vector_load %arg9[%swap3A_817, %swap3A_818, %swap3A_819] {strides = array<i32>} : memref<6x104x128xf32, #tpu.memory_space<vmem>>, vector<1x1x16xf32>,
        %swap3A_821 = vector.shape_cast %swap3A_820 : vector<1x1x16xf32> to vector<16xf32>
        %swap3A_822 = vector.shape_cast %add3A_815 : vector<16xf32> to vector<1x1x16xf32>
        tpu.vector_store %arg9[%swap3A_817, %swap3A_818, %swap3A_819], %swap3A_822 {strides = array<i32>} : memref<6x104x128xf32, #tpu.memory_space<vmem>>, vector<1x1x16xf32>,
        %get3A_823 = arith.constant 5 : i32
        %get3A_824 = arith.index_cast %get3A_823 : i32 to index
        %get3A_825 = arith.index_cast %scan3A_732 : i32 to index
        %get3A_826 = arith.constant 64 : index
        %get3A_827 = tpu.vector_load %arg9[%get3A_824, %get3A_825, %get3A_826] {strides = array<i32>} : memref<6x104x128xf32, #tpu.memory_space<vmem>>, vector<1x1x16xf32>,
        %get3A_828 = vector.shape_cast %get3A_827 : vector<1x1x16xf32> to vector<16xf32>
        %mul3A_829 = arith.constant 11.3137083 : f32
        %mul3A_830 = vector.broadcast %mul3A_829 : f32 to vector<16xf32>
        %mul3A_831 = arith.mulf %get3A_828, %mul3A_830 : vector<16xf32>
        %add3A_832 = arith.constant 104 : i32
        %add3A_833 = arith.addi %add3A_832, %scan3A_732 : i32
        %get3A_834 = arith.index_cast %add3A_833 : i32 to index
        %get3A_835 = arith.constant 64 : index
        %get3A_836 = tpu.vector_load %arg10[%get3A_834, %get3A_835] {strides = array<i32>} : memref<200x128xf32, #tpu.memory_space<vmem>>, vector<1x16xf32>,
        %get3A_837 = vector.shape_cast %get3A_836 : vector<1x16xf32> to vector<16xf32>
        %add3A_838 = arith.addf %mul3A_831, %get3A_837 : vector<16xf32>
        %swap3A_839 = arith.constant 5 : i32
        %swap3A_840 = arith.index_cast %swap3A_839 : i32 to index
        %swap3A_841 = arith.index_cast %scan3A_732 : i32 to index
        %swap3A_842 = arith.constant 64 : index
        %swap3A_843 = tpu.vector_load %arg9[%swap3A_840, %swap3A_841, %swap3A_842] {strides = array<i32>} : memref<6x104x128xf32, #tpu.memory_space<vmem>>, vector<1x1x16xf32>,
        %swap3A_844 = vector.shape_cast %swap3A_843 : vector<1x1x16xf32> to vector<16xf32>
        %swap3A_845 = vector.shape_cast %add3A_838 : vector<16xf32> to vector<1x1x16xf32>
        tpu.vector_store %arg9[%swap3A_840, %swap3A_841, %swap3A_842], %swap3A_845 {strides = array<i32>} : memref<6x104x128xf32, #tpu.memory_space<vmem>>, vector<1x1x16xf32>,
        %get3A_846 = arith.constant 5 : i32
        %get3A_847 = arith.index_cast %get3A_846 : i32 to index
        %get3A_848 = arith.index_cast %scan3A_732 : i32 to index
        %get3A_849 = arith.constant 80 : index
        %get3A_850 = tpu.vector_load %arg9[%get3A_847, %get3A_848, %get3A_849] {strides = array<i32>} : memref<6x104x128xf32, #tpu.memory_space<vmem>>, vector<1x1x16xf32>,
        %get3A_851 = vector.shape_cast %get3A_850 : vector<1x1x16xf32> to vector<16xf32>
        %mul3A_852 = arith.constant 11.3137083 : f32
        %mul3A_853 = vector.broadcast %mul3A_852 : f32 to vector<16xf32>
        %mul3A_854 = arith.mulf %get3A_851, %mul3A_853 : vector<16xf32>
        %add3A_855 = arith.constant 104 : i32
        %add3A_856 = arith.addi %add3A_855, %scan3A_732 : i32
        %get3A_857 = arith.index_cast %add3A_856 : i32 to index
        %get3A_858 = arith.constant 80 : index
        %get3A_859 = tpu.vector_load %arg10[%get3A_857, %get3A_858] {strides = array<i32>} : memref<200x128xf32, #tpu.memory_space<vmem>>, vector<1x16xf32>,
        %get3A_860 = vector.shape_cast %get3A_859 : vector<1x16xf32> to vector<16xf32>
        %add3A_861 = arith.addf %mul3A_854, %get3A_860 : vector<16xf32>
        %swap3A_862 = arith.constant 5 : i32
        %swap3A_863 = arith.index_cast %swap3A_862 : i32 to index
        %swap3A_864 = arith.index_cast %scan3A_732 : i32 to index
        %swap3A_865 = arith.constant 80 : index
        %swap3A_866 = tpu.vector_load %arg9[%swap3A_863, %swap3A_864, %swap3A_865] {strides = array<i32>} : memref<6x104x128xf32, #tpu.memory_space<vmem>>, vector<1x1x16xf32>,
        %swap3A_867 = vector.shape_cast %swap3A_866 : vector<1x1x16xf32> to vector<16xf32>
        %swap3A_868 = vector.shape_cast %add3A_861 : vector<16xf32> to vector<1x1x16xf32>
        tpu.vector_store %arg9[%swap3A_863, %swap3A_864, %swap3A_865], %swap3A_868 {strides = array<i32>} : memref<6x104x128xf32, #tpu.memory_space<vmem>>, vector<1x1x16xf32>,
        %get3A_869 = arith.constant 5 : i32
        %get3A_870 = arith.index_cast %get3A_869 : i32 to index
        %get3A_871 = arith.index_cast %scan3A_732 : i32 to index
        %get3A_872 = arith.constant 96 : index
        %get3A_873 = tpu.vector_load %arg9[%get3A_870, %get3A_871, %get3A_872] {strides = array<i32>} : memref<6x104x128xf32, #tpu.memory_space<vmem>>, vector<1x1x16xf32>,
        %get3A_874 = vector.shape_cast %get3A_873 : vector<1x1x16xf32> to vector<16xf32>
        %mul3A_875 = arith.constant 11.3137083 : f32
        %mul3A_876 = vector.broadcast %mul3A_875 : f32 to vector<16xf32>
        %mul3A_877 = arith.mulf %get3A_874, %mul3A_876 : vector<16xf32>
        %add3A_878 = arith.constant 104 : i32
        %add3A_879 = arith.addi %add3A_878, %scan3A_732 : i32
        %get3A_880 = arith.index_cast %add3A_879 : i32 to index
        %get3A_881 = arith.constant 96 : index
        %get3A_882 = tpu.vector_load %arg10[%get3A_880, %get3A_881] {strides = array<i32>} : memref<200x128xf32, #tpu.memory_space<vmem>>, vector<1x16xf32>,
        %get3A_883 = vector.shape_cast %get3A_882 : vector<1x16xf32> to vector<16xf32>
        %add3A_884 = arith.addf %mul3A_877, %get3A_883 : vector<16xf32>
        %swap3A_885 = arith.constant 5 : i32
        %swap3A_886 = arith.index_cast %swap3A_885 : i32 to index
        %swap3A_887 = arith.index_cast %scan3A_732 : i32 to index
        %swap3A_888 = arith.constant 96 : index
        %swap3A_889 = tpu.vector_load %arg9[%swap3A_886, %swap3A_887, %swap3A_888] {strides = array<i32>} : memref<6x104x128xf32, #tpu.memory_space<vmem>>, vector<1x1x16xf32>,
        %swap3A_890 = vector.shape_cast %swap3A_889 : vector<1x1x16xf32> to vector<16xf32>
        %swap3A_891 = vector.shape_cast %add3A_884 : vector<16xf32> to vector<1x1x16xf32>
        tpu.vector_store %arg9[%swap3A_886, %swap3A_887, %swap3A_888], %swap3A_891 {strides = array<i32>} : memref<6x104x128xf32, #tpu.memory_space<vmem>>, vector<1x1x16xf32>,
        %get3A_892 = arith.constant 5 : i32
        %get3A_893 = arith.index_cast %get3A_892 : i32 to index
        %get3A_894 = arith.index_cast %scan3A_732 : i32 to index
        %get3A_895 = arith.constant 112 : index
        %get3A_896 = tpu.vector_load %arg9[%get3A_893, %get3A_894, %get3A_895] {strides = array<i32>} : memref<6x104x128xf32, #tpu.memory_space<vmem>>, vector<1x1x16xf32>,
        %get3A_897 = vector.shape_cast %get3A_896 : vector<1x1x16xf32> to vector<16xf32>
        %mul3A_898 = arith.constant 11.3137083 : f32
        %mul3A_899 = vector.broadcast %mul3A_898 : f32 to vector<16xf32>
        %mul3A_900 = arith.mulf %get3A_897, %mul3A_899 : vector<16xf32>
        %add3A_901 = arith.constant 104 : i32
        %add3A_902 = arith.addi %add3A_901, %scan3A_732 : i32
        %get3A_903 = arith.index_cast %add3A_902 : i32 to index
        %get3A_904 = arith.constant 112 : index
        %get3A_905 = tpu.vector_load %arg10[%get3A_903, %get3A_904] {strides = array<i32>} : memref<200x128xf32, #tpu.memory_space<vmem>>, vector<1x16xf32>,
        %get3A_906 = vector.shape_cast %get3A_905 : vector<1x16xf32> to vector<16xf32>
        %add3A_907 = arith.addf %mul3A_900, %get3A_906 : vector<16xf32>
        %swap3A_908 = arith.constant 5 : i32
        %swap3A_909 = arith.index_cast %swap3A_908 : i32 to index
        %swap3A_910 = arith.index_cast %scan3A_732 : i32 to index
        %swap3A_911 = arith.constant 112 : index
        %swap3A_912 = tpu.vector_load %arg9[%swap3A_909, %swap3A_910, %swap3A_911] {strides = array<i32>} : memref<6x104x128xf32, #tpu.memory_space<vmem>>, vector<1x1x16xf32>,
        %swap3A_913 = vector.shape_cast %swap3A_912 : vector<1x1x16xf32> to vector<16xf32>
        %swap3A_914 = vector.shape_cast %add3A_907 : vector<16xf32> to vector<1x1x16xf32>
        tpu.vector_store %arg9[%swap3A_909, %swap3A_910, %swap3A_911], %swap3A_914 {strides = array<i32>} : memref<6x104x128xf32, #tpu.memory_space<vmem>>, vector<1x1x16xf32>,
      }
      %scan3A_714 = arith.constant 96 : i32
      %dma_start3A_715 = arith.constant 5 : i32
      %dma_start3A_716 = arith.constant 0 : i32
      %dma_start3A_717 = arith.constant 0 : i32
      %dma_start3A_718 = tpu.memref_slice %arg9[%dma_start3A_715, %dma_start3A_716, %dma_start3A_717] : memref<6x104x128xf32, #tpu.memory_space<vmem>> -> memref<1x96x128xf32, #tpu.memory_space<vmem>>
      %dma_start3A_719 = tpu.memref_squeeze %dma_start3A_718 : memref<1x96x128xf32, #tpu.memory_space<vmem>> -> memref<96x128xf32, #tpu.memory_space<vmem>>
      %dma_start3A_720 = arith.constant 104 : i32
      %dma_start3A_721 = arith.constant 0 : i32
      %dma_start3A_722 = tpu.memref_slice %arg6[%add3A_708, %dma_start3A_720, %dma_start3A_721] : memref<1024x200x128xf32, #tpu.memory_space<hbm>> -> memref<1x96x128xf32, #tpu.memory_space<hbm>>
      %dma_start3A_723 = tpu.memref_squeeze %dma_start3A_722 : memref<1x96x128xf32, #tpu.memory_space<hbm>> -> memref<96x128xf32, #tpu.memory_space<hbm>>
      %dma_start3A_724 = arith.constant 104 : i32
      %dma_start3A_725 = arith.constant 0 : i32
      %dma_start3A_726 = tpu.memref_slice %arg6[%add3A_708, %dma_start3A_724, %dma_start3A_725] : memref<1024x200x128xf32, #tpu.memory_space<hbm>> -> memref<1x96x128xf32, #tpu.memory_space<hbm>>
      %dma_start3A_727 = tpu.memref_squeeze %dma_start3A_726 : memref<1x96x128xf32, #tpu.memory_space<hbm>> -> memref<96x128xf32, #tpu.memory_space<hbm>>
      %dma_start3A_728 = arith.constant 0 : i32
      %dma_start3A_729 = arith.constant 0 : i32
      %dma_start3A_730 = tpu.memref_slice %arg9[%dma_start3A_715, %dma_start3A_728, %dma_start3A_729] : memref<6x104x128xf32, #tpu.memory_space<vmem>> -> memref<1x96x128xf32, #tpu.memory_space<vmem>>
      %dma_start3A_731 = tpu.memref_squeeze %dma_start3A_730 : memref<1x96x128xf32, #tpu.memory_space<vmem>> -> memref<96x128xf32, #tpu.memory_space<vmem>>
      tpu.enqueue_dma source(%dma_start3A_731 : memref<96x128xf32, #tpu.memory_space<vmem>>) target(%dma_start3A_727 : memref<96x128xf32, #tpu.memory_space<hbm>>) target_semaphore(%arg22 : memref<!tpu.dma_semaphore, #tpu.memory_space<semaphore_mem>>)
    }
    %scan3A_54 = arith.constant 10 : i32
    %dma_wait3A = arith.constant 0 : i32
    %dma_wait3A_55 = arith.constant 0 : i32
    %dma_wait3A_56 = arith.constant 0 : i32
    %dma_wait3A_57 = arith.constant 0 : i32
    %dma_wait3A_58 = tpu.memref_slice %arg9[%dma_wait3A_55, %dma_wait3A_56, %dma_wait3A_57] : memref<6x104x128xf32, #tpu.memory_space<vmem>> -> memref<1x104x128xf32, #tpu.memory_space<vmem>>
    %dma_wait3A_59 = tpu.memref_squeeze %dma_wait3A_58 : memref<1x104x128xf32, #tpu.memory_space<vmem>> -> memref<104x128xf32, #tpu.memory_space<vmem>>
    %dma_wait3A_60 = arith.constant 0 : i32
    %dma_wait3A_61 = tpu.memref_slice %arg7[%dma_wait3A, %dma_wait3A_60] : memref<32x104xi32, #tpu.memory_space<vmem>> -> memref<1x104xi32, #tpu.memory_space<vmem>>
    %dma_wait3A_62 = tpu.memref_squeeze %dma_wait3A_61 : memref<1x104xi32, #tpu.memory_space<vmem>> -> memref<104xi32, #tpu.memory_space<vmem>>
    %dma_wait3A_63 = arith.constant 0 : i32
    %dma_wait3A_64 = arith.constant 0 : i32
    %dma_wait3A_65 = tpu.memref_slice %arg4[%dma_wait3A_63, %dma_wait3A_64] : memref<100000x128xf32, #tpu.memory_space<hbm>> -> memref<100000x128xf32, #tpu.memory_space<hbm>>
    tpu.wait_indirect_dma semaphore(%arg11 : memref<!tpu.dma_semaphore, #tpu.memory_space<semaphore_mem>>) src(%dma_wait3A_65 : memref<100000x128xf32, #tpu.memory_space<hbm>>) dst(%dma_wait3A_59 : memref<104x128xf32, #tpu.memory_space<vmem>>)
    %add3A_66 = arith.constant 30 : i32
    %add3A_67 = arith.addi %mul3A_2, %add3A_66 : i32
    %scan3A_68 = arith.constant 0 : i32
    %scan3A_69 = arith.constant 0 : i32
    %scan3A_70 = arith.constant 104 : i32
    %scan3A_71 = arith.addi %scan3A_69, %scan3A_70 : i32
    %scan3A_72 = arith.constant 1 : i32
    scf.for %scan3A_310 = %scan3A_69 to %scan3A_71 step %scan3A_72  : i32 {
      %get3A = arith.constant 0 : i32
      %get3A_311 = arith.index_cast %get3A : i32 to index
      %get3A_312 = arith.index_cast %scan3A_310 : i32 to index
      %get3A_313 = arith.constant 0 : index
      %get3A_314 = tpu.vector_load %arg9[%get3A_311, %get3A_312, %get3A_313] {strides = array<i32>} : memref<6x104x128xf32, #tpu.memory_space<vmem>>, vector<1x1x16xf32>,
      %get3A_315 = vector.shape_cast %get3A_314 : vector<1x1x16xf32> to vector<16xf32>
      %mul3A_316 = arith.constant 11.3137083 : f32
      %mul3A_317 = vector.broadcast %mul3A_316 : f32 to vector<16xf32>
      %mul3A_318 = arith.mulf %get3A_315, %mul3A_317 : vector<16xf32>
      %add3A_319 = arith.constant 0 : i32
      %add3A_320 = arith.addi %add3A_319, %scan3A_310 : i32
      %get3A_321 = arith.index_cast %add3A_320 : i32 to index
      %get3A_322 = arith.constant 0 : index
      %get3A_323 = tpu.vector_load %arg10[%get3A_321, %get3A_322] {strides = array<i32>} : memref<200x128xf32, #tpu.memory_space<vmem>>, vector<1x16xf32>,
      %get3A_324 = vector.shape_cast %get3A_323 : vector<1x16xf32> to vector<16xf32>
      %add3A_325 = arith.addf %mul3A_318, %get3A_324 : vector<16xf32>
      %swap3A = arith.constant 0 : i32
      %swap3A_326 = arith.index_cast %swap3A : i32 to index
      %swap3A_327 = arith.index_cast %scan3A_310 : i32 to index
      %swap3A_328 = arith.constant 0 : index
      %swap3A_329 = tpu.vector_load %arg9[%swap3A_326, %swap3A_327, %swap3A_328] {strides = array<i32>} : memref<6x104x128xf32, #tpu.memory_space<vmem>>, vector<1x1x16xf32>,
      %swap3A_330 = vector.shape_cast %swap3A_329 : vector<1x1x16xf32> to vector<16xf32>
      %swap3A_331 = vector.shape_cast %add3A_325 : vector<16xf32> to vector<1x1x16xf32>
      tpu.vector_store %arg9[%swap3A_326, %swap3A_327, %swap3A_328], %swap3A_331 {strides = array<i32>} : memref<6x104x128xf32, #tpu.memory_space<vmem>>, vector<1x1x16xf32>,
      %get3A_332 = arith.constant 0 : i32
      %get3A_333 = arith.index_cast %get3A_332 : i32 to index
      %get3A_334 = arith.index_cast %scan3A_310 : i32 to index
      %get3A_335 = arith.constant 16 : index
      %get3A_336 = tpu.vector_load %arg9[%get3A_333, %get3A_334, %get3A_335] {strides = array<i32>} : memref<6x104x128xf32, #tpu.memory_space<vmem>>, vector<1x1x16xf32>,
      %get3A_337 = vector.shape_cast %get3A_336 : vector<1x1x16xf32> to vector<16xf32>
      %mul3A_338 = arith.constant 11.3137083 : f32
      %mul3A_339 = vector.broadcast %mul3A_338 : f32 to vector<16xf32>
      %mul3A_340 = arith.mulf %get3A_337, %mul3A_339 : vector<16xf32>
      %add3A_341 = arith.constant 0 : i32
      %add3A_342 = arith.addi %add3A_341, %scan3A_310 : i32
      %get3A_343 = arith.index_cast %add3A_342 : i32 to index
      %get3A_344 = arith.constant 16 : index
      %get3A_345 = tpu.vector_load %arg10[%get3A_343, %get3A_344] {strides = array<i32>} : memref<200x128xf32, #tpu.memory_space<vmem>>, vector<1x16xf32>,
      %get3A_346 = vector.shape_cast %get3A_345 : vector<1x16xf32> to vector<16xf32>
      %add3A_347 = arith.addf %mul3A_340, %get3A_346 : vector<16xf32>
      %swap3A_348 = arith.constant 0 : i32
      %swap3A_349 = arith.index_cast %swap3A_348 : i32 to index
      %swap3A_350 = arith.index_cast %scan3A_310 : i32 to index
      %swap3A_351 = arith.constant 16 : index
      %swap3A_352 = tpu.vector_load %arg9[%swap3A_349, %swap3A_350, %swap3A_351] {strides = array<i32>} : memref<6x104x128xf32, #tpu.memory_space<vmem>>, vector<1x1x16xf32>,
      %swap3A_353 = vector.shape_cast %swap3A_352 : vector<1x1x16xf32> to vector<16xf32>
      %swap3A_354 = vector.shape_cast %add3A_347 : vector<16xf32> to vector<1x1x16xf32>
      tpu.vector_store %arg9[%swap3A_349, %swap3A_350, %swap3A_351], %swap3A_354 {strides = array<i32>} : memref<6x104x128xf32, #tpu.memory_space<vmem>>, vector<1x1x16xf32>,
      %get3A_355 = arith.constant 0 : i32
      %get3A_356 = arith.index_cast %get3A_355 : i32 to index
      %get3A_357 = arith.index_cast %scan3A_310 : i32 to index
      %get3A_358 = arith.constant 32 : index
      %get3A_359 = tpu.vector_load %arg9[%get3A_356, %get3A_357, %get3A_358] {strides = array<i32>} : memref<6x104x128xf32, #tpu.memory_space<vmem>>, vector<1x1x16xf32>,
      %get3A_360 = vector.shape_cast %get3A_359 : vector<1x1x16xf32> to vector<16xf32>
      %mul3A_361 = arith.constant 11.3137083 : f32
      %mul3A_362 = vector.broadcast %mul3A_361 : f32 to vector<16xf32>
      %mul3A_363 = arith.mulf %get3A_360, %mul3A_362 : vector<16xf32>
      %add3A_364 = arith.constant 0 : i32
      %add3A_365 = arith.addi %add3A_364, %scan3A_310 : i32
      %get3A_366 = arith.index_cast %add3A_365 : i32 to index
      %get3A_367 = arith.constant 32 : index
      %get3A_368 = tpu.vector_load %arg10[%get3A_366, %get3A_367] {strides = array<i32>} : memref<200x128xf32, #tpu.memory_space<vmem>>, vector<1x16xf32>,
      %get3A_369 = vector.shape_cast %get3A_368 : vector<1x16xf32> to vector<16xf32>
      %add3A_370 = arith.addf %mul3A_363, %get3A_369 : vector<16xf32>
      %swap3A_371 = arith.constant 0 : i32
      %swap3A_372 = arith.index_cast %swap3A_371 : i32 to index
      %swap3A_373 = arith.index_cast %scan3A_310 : i32 to index
      %swap3A_374 = arith.constant 32 : index
      %swap3A_375 = tpu.vector_load %arg9[%swap3A_372, %swap3A_373, %swap3A_374] {strides = array<i32>} : memref<6x104x128xf32, #tpu.memory_space<vmem>>, vector<1x1x16xf32>,
      %swap3A_376 = vector.shape_cast %swap3A_375 : vector<1x1x16xf32> to vector<16xf32>
      %swap3A_377 = vector.shape_cast %add3A_370 : vector<16xf32> to vector<1x1x16xf32>
      tpu.vector_store %arg9[%swap3A_372, %swap3A_373, %swap3A_374], %swap3A_377 {strides = array<i32>} : memref<6x104x128xf32, #tpu.memory_space<vmem>>, vector<1x1x16xf32>,
      %get3A_378 = arith.constant 0 : i32
      %get3A_379 = arith.index_cast %get3A_378 : i32 to index
      %get3A_380 = arith.index_cast %scan3A_310 : i32 to index
      %get3A_381 = arith.constant 48 : index
      %get3A_382 = tpu.vector_load %arg9[%get3A_379, %get3A_380, %get3A_381] {strides = array<i32>} : memref<6x104x128xf32, #tpu.memory_space<vmem>>, vector<1x1x16xf32>,
      %get3A_383 = vector.shape_cast %get3A_382 : vector<1x1x16xf32> to vector<16xf32>
      %mul3A_384 = arith.constant 11.3137083 : f32
      %mul3A_385 = vector.broadcast %mul3A_384 : f32 to vector<16xf32>
      %mul3A_386 = arith.mulf %get3A_383, %mul3A_385 : vector<16xf32>
      %add3A_387 = arith.constant 0 : i32
      %add3A_388 = arith.addi %add3A_387, %scan3A_310 : i32
      %get3A_389 = arith.index_cast %add3A_388 : i32 to index
      %get3A_390 = arith.constant 48 : index
      %get3A_391 = tpu.vector_load %arg10[%get3A_389, %get3A_390] {strides = array<i32>} : memref<200x128xf32, #tpu.memory_space<vmem>>, vector<1x16xf32>,
      %get3A_392 = vector.shape_cast %get3A_391 : vector<1x16xf32> to vector<16xf32>
      %add3A_393 = arith.addf %mul3A_386, %get3A_392 : vector<16xf32>
      %swap3A_394 = arith.constant 0 : i32
      %swap3A_395 = arith.index_cast %swap3A_394 : i32 to index
      %swap3A_396 = arith.index_cast %scan3A_310 : i32 to index
      %swap3A_397 = arith.constant 48 : index
      %swap3A_398 = tpu.vector_load %arg9[%swap3A_395, %swap3A_396, %swap3A_397] {strides = array<i32>} : memref<6x104x128xf32, #tpu.memory_space<vmem>>, vector<1x1x16xf32>,
      %swap3A_399 = vector.shape_cast %swap3A_398 : vector<1x1x16xf32> to vector<16xf32>
      %swap3A_400 = vector.shape_cast %add3A_393 : vector<16xf32> to vector<1x1x16xf32>
      tpu.vector_store %arg9[%swap3A_395, %swap3A_396, %swap3A_397], %swap3A_400 {strides = array<i32>} : memref<6x104x128xf32, #tpu.memory_space<vmem>>, vector<1x1x16xf32>,
      %get3A_401 = arith.constant 0 : i32
      %get3A_402 = arith.index_cast %get3A_401 : i32 to index
      %get3A_403 = arith.index_cast %scan3A_310 : i32 to index
      %get3A_404 = arith.constant 64 : index
      %get3A_405 = tpu.vector_load %arg9[%get3A_402, %get3A_403, %get3A_404] {strides = array<i32>} : memref<6x104x128xf32, #tpu.memory_space<vmem>>, vector<1x1x16xf32>,
      %get3A_406 = vector.shape_cast %get3A_405 : vector<1x1x16xf32> to vector<16xf32>
      %mul3A_407 = arith.constant 11.3137083 : f32
      %mul3A_408 = vector.broadcast %mul3A_407 : f32 to vector<16xf32>
      %mul3A_409 = arith.mulf %get3A_406, %mul3A_408 : vector<16xf32>
      %add3A_410 = arith.constant 0 : i32
      %add3A_411 = arith.addi %add3A_410, %scan3A_310 : i32
      %get3A_412 = arith.index_cast %add3A_411 : i32 to index
      %get3A_413 = arith.constant 64 : index
      %get3A_414 = tpu.vector_load %arg10[%get3A_412, %get3A_413] {strides = array<i32>} : memref<200x128xf32, #tpu.memory_space<vmem>>, vector<1x16xf32>,
      %get3A_415 = vector.shape_cast %get3A_414 : vector<1x16xf32> to vector<16xf32>
      %add3A_416 = arith.addf %mul3A_409, %get3A_415 : vector<16xf32>
      %swap3A_417 = arith.constant 0 : i32
      %swap3A_418 = arith.index_cast %swap3A_417 : i32 to index
      %swap3A_419 = arith.index_cast %scan3A_310 : i32 to index
      %swap3A_420 = arith.constant 64 : index
      %swap3A_421 = tpu.vector_load %arg9[%swap3A_418, %swap3A_419, %swap3A_420] {strides = array<i32>} : memref<6x104x128xf32, #tpu.memory_space<vmem>>, vector<1x1x16xf32>,
      %swap3A_422 = vector.shape_cast %swap3A_421 : vector<1x1x16xf32> to vector<16xf32>
      %swap3A_423 = vector.shape_cast %add3A_416 : vector<16xf32> to vector<1x1x16xf32>
      tpu.vector_store %arg9[%swap3A_418, %swap3A_419, %swap3A_420], %swap3A_423 {strides = array<i32>} : memref<6x104x128xf32, #tpu.memory_space<vmem>>, vector<1x1x16xf32>,
      %get3A_424 = arith.constant 0 : i32
      %get3A_425 = arith.index_cast %get3A_424 : i32 to index
      %get3A_426 = arith.index_cast %scan3A_310 : i32 to index
      %get3A_427 = arith.constant 80 : index
      %get3A_428 = tpu.vector_load %arg9[%get3A_425, %get3A_426, %get3A_427] {strides = array<i32>} : memref<6x104x128xf32, #tpu.memory_space<vmem>>, vector<1x1x16xf32>,
      %get3A_429 = vector.shape_cast %get3A_428 : vector<1x1x16xf32> to vector<16xf32>
      %mul3A_430 = arith.constant 11.3137083 : f32
      %mul3A_431 = vector.broadcast %mul3A_430 : f32 to vector<16xf32>
      %mul3A_432 = arith.mulf %get3A_429, %mul3A_431 : vector<16xf32>
      %add3A_433 = arith.constant 0 : i32
      %add3A_434 = arith.addi %add3A_433, %scan3A_310 : i32
      %get3A_435 = arith.index_cast %add3A_434 : i32 to index
      %get3A_436 = arith.constant 80 : index
      %get3A_437 = tpu.vector_load %arg10[%get3A_435, %get3A_436] {strides = array<i32>} : memref<200x128xf32, #tpu.memory_space<vmem>>, vector<1x16xf32>,
      %get3A_438 = vector.shape_cast %get3A_437 : vector<1x16xf32> to vector<16xf32>
      %add3A_439 = arith.addf %mul3A_432, %get3A_438 : vector<16xf32>
      %swap3A_440 = arith.constant 0 : i32
      %swap3A_441 = arith.index_cast %swap3A_440 : i32 to index
      %swap3A_442 = arith.index_cast %scan3A_310 : i32 to index
      %swap3A_443 = arith.constant 80 : index
      %swap3A_444 = tpu.vector_load %arg9[%swap3A_441, %swap3A_442, %swap3A_443] {strides = array<i32>} : memref<6x104x128xf32, #tpu.memory_space<vmem>>, vector<1x1x16xf32>,
      %swap3A_445 = vector.shape_cast %swap3A_444 : vector<1x1x16xf32> to vector<16xf32>
      %swap3A_446 = vector.shape_cast %add3A_439 : vector<16xf32> to vector<1x1x16xf32>
      tpu.vector_store %arg9[%swap3A_441, %swap3A_442, %swap3A_443], %swap3A_446 {strides = array<i32>} : memref<6x104x128xf32, #tpu.memory_space<vmem>>, vector<1x1x16xf32>,
      %get3A_447 = arith.constant 0 : i32
      %get3A_448 = arith.index_cast %get3A_447 : i32 to index
      %get3A_449 = arith.index_cast %scan3A_310 : i32 to index
      %get3A_450 = arith.constant 96 : index
      %get3A_451 = tpu.vector_load %arg9[%get3A_448, %get3A_449, %get3A_450] {strides = array<i32>} : memref<6x104x128xf32, #tpu.memory_space<vmem>>, vector<1x1x16xf32>,
      %get3A_452 = vector.shape_cast %get3A_451 : vector<1x1x16xf32> to vector<16xf32>
      %mul3A_453 = arith.constant 11.3137083 : f32
      %mul3A_454 = vector.broadcast %mul3A_453 : f32 to vector<16xf32>
      %mul3A_455 = arith.mulf %get3A_452, %mul3A_454 : vector<16xf32>
      %add3A_456 = arith.constant 0 : i32
      %add3A_457 = arith.addi %add3A_456, %scan3A_310 : i32
      %get3A_458 = arith.index_cast %add3A_457 : i32 to index
      %get3A_459 = arith.constant 96 : index
      %get3A_460 = tpu.vector_load %arg10[%get3A_458, %get3A_459] {strides = array<i32>} : memref<200x128xf32, #tpu.memory_space<vmem>>, vector<1x16xf32>,
      %get3A_461 = vector.shape_cast %get3A_460 : vector<1x16xf32> to vector<16xf32>
      %add3A_462 = arith.addf %mul3A_455, %get3A_461 : vector<16xf32>
      %swap3A_463 = arith.constant 0 : i32
      %swap3A_464 = arith.index_cast %swap3A_463 : i32 to index
      %swap3A_465 = arith.index_cast %scan3A_310 : i32 to index
      %swap3A_466 = arith.constant 96 : index
      %swap3A_467 = tpu.vector_load %arg9[%swap3A_464, %swap3A_465, %swap3A_466] {strides = array<i32>} : memref<6x104x128xf32, #tpu.memory_space<vmem>>, vector<1x1x16xf32>,
      %swap3A_468 = vector.shape_cast %swap3A_467 : vector<1x1x16xf32> to vector<16xf32>
      %swap3A_469 = vector.shape_cast %add3A_462 : vector<16xf32> to vector<1x1x16xf32>
      tpu.vector_store %arg9[%swap3A_464, %swap3A_465, %swap3A_466], %swap3A_469 {strides = array<i32>} : memref<6x104x128xf32, #tpu.memory_space<vmem>>, vector<1x1x16xf32>,
      %get3A_470 = arith.constant 0 : i32
      %get3A_471 = arith.index_cast %get3A_470 : i32 to index
      %get3A_472 = arith.index_cast %scan3A_310 : i32 to index
      %get3A_473 = arith.constant 112 : index
      %get3A_474 = tpu.vector_load %arg9[%get3A_471, %get3A_472, %get3A_473] {strides = array<i32>} : memref<6x104x128xf32, #tpu.memory_space<vmem>>, vector<1x1x16xf32>,
      %get3A_475 = vector.shape_cast %get3A_474 : vector<1x1x16xf32> to vector<16xf32>
      %mul3A_476 = arith.constant 11.3137083 : f32
      %mul3A_477 = vector.broadcast %mul3A_476 : f32 to vector<16xf32>
      %mul3A_478 = arith.mulf %get3A_475, %mul3A_477 : vector<16xf32>
      %add3A_479 = arith.constant 0 : i32
      %add3A_480 = arith.addi %add3A_479, %scan3A_310 : i32
      %get3A_481 = arith.index_cast %add3A_480 : i32 to index
      %get3A_482 = arith.constant 112 : index
      %get3A_483 = tpu.vector_load %arg10[%get3A_481, %get3A_482] {strides = array<i32>} : memref<200x128xf32, #tpu.memory_space<vmem>>, vector<1x16xf32>,
      %get3A_484 = vector.shape_cast %get3A_483 : vector<1x16xf32> to vector<16xf32>
      %add3A_485 = arith.addf %mul3A_478, %get3A_484 : vector<16xf32>
      %swap3A_486 = arith.constant 0 : i32
      %swap3A_487 = arith.index_cast %swap3A_486 : i32 to index
      %swap3A_488 = arith.index_cast %scan3A_310 : i32 to index
      %swap3A_489 = arith.constant 112 : index
      %swap3A_490 = tpu.vector_load %arg9[%swap3A_487, %swap3A_488, %swap3A_489] {strides = array<i32>} : memref<6x104x128xf32, #tpu.memory_space<vmem>>, vector<1x1x16xf32>,
      %swap3A_491 = vector.shape_cast %swap3A_490 : vector<1x1x16xf32> to vector<16xf32>
      %swap3A_492 = vector.shape_cast %add3A_485 : vector<16xf32> to vector<1x1x16xf32>
      tpu.vector_store %arg9[%swap3A_487, %swap3A_488, %swap3A_489], %swap3A_492 {strides = array<i32>} : memref<6x104x128xf32, #tpu.memory_space<vmem>>, vector<1x1x16xf32>,
    }
    %scan3A_73 = arith.constant 104 : i32
    %dma_start3A_74 = arith.constant 0 : i32
    %dma_start3A_75 = arith.constant 0 : i32
    %dma_start3A_76 = arith.constant 0 : i32
    %dma_start3A_77 = tpu.memref_slice %arg9[%dma_start3A_74, %dma_start3A_75, %dma_start3A_76] : memref<6x104x128xf32, #tpu.memory_space<vmem>> -> memref<1x104x128xf32, #tpu.memory_space<vmem>>
    %dma_start3A_78 = tpu.memref_squeeze %dma_start3A_77 : memref<1x104x128xf32, #tpu.memory_space<vmem>> -> memref<104x128xf32, #tpu.memory_space<vmem>>
    %dma_start3A_79 = arith.constant 0 : i32
    %dma_start3A_80 = arith.constant 0 : i32
    %dma_start3A_81 = tpu.memref_slice %arg6[%add3A_67, %dma_start3A_79, %dma_start3A_80] : memref<1024x200x128xf32, #tpu.memory_space<hbm>> -> memref<1x104x128xf32, #tpu.memory_space<hbm>>
    %dma_start3A_82 = tpu.memref_squeeze %dma_start3A_81 : memref<1x104x128xf32, #tpu.memory_space<hbm>> -> memref<104x128xf32, #tpu.memory_space<hbm>>
    %dma_start3A_83 = arith.constant 0 : i32
    %dma_start3A_84 = arith.constant 0 : i32
    %dma_start3A_85 = tpu.memref_slice %arg6[%add3A_67, %dma_start3A_83, %dma_start3A_84] : memref<1024x200x128xf32, #tpu.memory_space<hbm>> -> memref<1x104x128xf32, #tpu.memory_space<hbm>>
    %dma_start3A_86 = tpu.memref_squeeze %dma_start3A_85 : memref<1x104x128xf32, #tpu.memory_space<hbm>> -> memref<104x128xf32, #tpu.memory_space<hbm>>
    %dma_start3A_87 = arith.constant 0 : i32
    %dma_start3A_88 = arith.constant 0 : i32
    %dma_start3A_89 = tpu.memref_slice %arg9[%dma_start3A_74, %dma_start3A_87, %dma_start3A_88] : memref<6x104x128xf32, #tpu.memory_space<vmem>> -> memref<1x104x128xf32, #tpu.memory_space<vmem>>
    %dma_start3A_90 = tpu.memref_squeeze %dma_start3A_89 : memref<1x104x128xf32, #tpu.memory_space<vmem>> -> memref<104x128xf32, #tpu.memory_space<vmem>>
    tpu.enqueue_dma source(%dma_start3A_90 : memref<104x128xf32, #tpu.memory_space<vmem>>) target(%dma_start3A_86 : memref<104x128xf32, #tpu.memory_space<hbm>>) target_semaphore(%arg17 : memref<!tpu.dma_semaphore, #tpu.memory_space<semaphore_mem>>)
    %dma_wait3A_91 = arith.constant 0 : i32
    %dma_wait3A_92 = arith.constant 1 : i32
    %dma_wait3A_93 = arith.constant 0 : i32
    %dma_wait3A_94 = arith.constant 0 : i32
    %dma_wait3A_95 = tpu.memref_slice %arg9[%dma_wait3A_92, %dma_wait3A_93, %dma_wait3A_94] : memref<6x104x128xf32, #tpu.memory_space<vmem>> -> memref<1x96x128xf32, #tpu.memory_space<vmem>>
    %dma_wait3A_96 = tpu.memref_squeeze %dma_wait3A_95 : memref<1x96x128xf32, #tpu.memory_space<vmem>> -> memref<96x128xf32, #tpu.memory_space<vmem>>
    %dma_wait3A_97 = arith.constant 0 : i32
    %dma_wait3A_98 = tpu.memref_slice %arg8[%dma_wait3A_91, %dma_wait3A_97] : memref<32x96xi32, #tpu.memory_space<vmem>> -> memref<1x96xi32, #tpu.memory_space<vmem>>
    %dma_wait3A_99 = tpu.memref_squeeze %dma_wait3A_98 : memref<1x96xi32, #tpu.memory_space<vmem>> -> memref<96xi32, #tpu.memory_space<vmem>>
    %dma_wait3A_100 = arith.constant 0 : i32
    %dma_wait3A_101 = arith.constant 0 : i32
    %dma_wait3A_102 = tpu.memref_slice %arg4[%dma_wait3A_100, %dma_wait3A_101] : memref<100000x128xf32, #tpu.memory_space<hbm>> -> memref<100000x128xf32, #tpu.memory_space<hbm>>
    tpu.wait_indirect_dma semaphore(%arg12 : memref<!tpu.dma_semaphore, #tpu.memory_space<semaphore_mem>>) src(%dma_wait3A_102 : memref<100000x128xf32, #tpu.memory_space<hbm>>) dst(%dma_wait3A_96 : memref<96x128xf32, #tpu.memory_space<vmem>>)
    %add3A_103 = arith.constant 30 : i32
    %add3A_104 = arith.addi %mul3A_2, %add3A_103 : i32
    %scan3A_105 = arith.constant 0 : i32
    %scan3A_106 = arith.constant 0 : i32
    %scan3A_107 = arith.constant 96 : i32
    %scan3A_108 = arith.addi %scan3A_106, %scan3A_107 : i32
    %scan3A_109 = arith.constant 1 : i32
    scf.for %scan3A_310 = %scan3A_106 to %scan3A_108 step %scan3A_109  : i32 {
      %get3A = arith.constant 1 : i32
      %get3A_311 = arith.index_cast %get3A : i32 to index
      %get3A_312 = arith.index_cast %scan3A_310 : i32 to index
      %get3A_313 = arith.constant 0 : index
      %get3A_314 = tpu.vector_load %arg9[%get3A_311, %get3A_312, %get3A_313] {strides = array<i32>} : memref<6x104x128xf32, #tpu.memory_space<vmem>>, vector<1x1x16xf32>,
      %get3A_315 = vector.shape_cast %get3A_314 : vector<1x1x16xf32> to vector<16xf32>
      %mul3A_316 = arith.constant 11.3137083 : f32
      %mul3A_317 = vector.broadcast %mul3A_316 : f32 to vector<16xf32>
      %mul3A_318 = arith.mulf %get3A_315, %mul3A_317 : vector<16xf32>
      %add3A_319 = arith.constant 104 : i32
      %add3A_320 = arith.addi %add3A_319, %scan3A_310 : i32
      %get3A_321 = arith.index_cast %add3A_320 : i32 to index
      %get3A_322 = arith.constant 0 : index
      %get3A_323 = tpu.vector_load %arg10[%get3A_321, %get3A_322] {strides = array<i32>} : memref<200x128xf32, #tpu.memory_space<vmem>>, vector<1x16xf32>,
      %get3A_324 = vector.shape_cast %get3A_323 : vector<1x16xf32> to vector<16xf32>
      %add3A_325 = arith.addf %mul3A_318, %get3A_324 : vector<16xf32>
      %swap3A = arith.constant 1 : i32
      %swap3A_326 = arith.index_cast %swap3A : i32 to index
      %swap3A_327 = arith.index_cast %scan3A_310 : i32 to index
      %swap3A_328 = arith.constant 0 : index
      %swap3A_329 = tpu.vector_load %arg9[%swap3A_326, %swap3A_327, %swap3A_328] {strides = array<i32>} : memref<6x104x128xf32, #tpu.memory_space<vmem>>, vector<1x1x16xf32>,
      %swap3A_330 = vector.shape_cast %swap3A_329 : vector<1x1x16xf32> to vector<16xf32>
      %swap3A_331 = vector.shape_cast %add3A_325 : vector<16xf32> to vector<1x1x16xf32>
      tpu.vector_store %arg9[%swap3A_326, %swap3A_327, %swap3A_328], %swap3A_331 {strides = array<i32>} : memref<6x104x128xf32, #tpu.memory_space<vmem>>, vector<1x1x16xf32>,
      %get3A_332 = arith.constant 1 : i32
      %get3A_333 = arith.index_cast %get3A_332 : i32 to index
      %get3A_334 = arith.index_cast %scan3A_310 : i32 to index
      %get3A_335 = arith.constant 16 : index
      %get3A_336 = tpu.vector_load %arg9[%get3A_333, %get3A_334, %get3A_335] {strides = array<i32>} : memref<6x104x128xf32, #tpu.memory_space<vmem>>, vector<1x1x16xf32>,
      %get3A_337 = vector.shape_cast %get3A_336 : vector<1x1x16xf32> to vector<16xf32>
      %mul3A_338 = arith.constant 11.3137083 : f32
      %mul3A_339 = vector.broadcast %mul3A_338 : f32 to vector<16xf32>
      %mul3A_340 = arith.mulf %get3A_337, %mul3A_339 : vector<16xf32>
      %add3A_341 = arith.constant 104 : i32
      %add3A_342 = arith.addi %add3A_341, %scan3A_310 : i32
      %get3A_343 = arith.index_cast %add3A_342 : i32 to index
      %get3A_344 = arith.constant 16 : index
      %get3A_345 = tpu.vector_load %arg10[%get3A_343, %get3A_344] {strides = array<i32>} : memref<200x128xf32, #tpu.memory_space<vmem>>, vector<1x16xf32>,
      %get3A_346 = vector.shape_cast %get3A_345 : vector<1x16xf32> to vector<16xf32>
      %add3A_347 = arith.addf %mul3A_340, %get3A_346 : vector<16xf32>
      %swap3A_348 = arith.constant 1 : i32
      %swap3A_349 = arith.index_cast %swap3A_348 : i32 to index
      %swap3A_350 = arith.index_cast %scan3A_310 : i32 to index
      %swap3A_351 = arith.constant 16 : index
      %swap3A_352 = tpu.vector_load %arg9[%swap3A_349, %swap3A_350, %swap3A_351] {strides = array<i32>} : memref<6x104x128xf32, #tpu.memory_space<vmem>>, vector<1x1x16xf32>,
      %swap3A_353 = vector.shape_cast %swap3A_352 : vector<1x1x16xf32> to vector<16xf32>
      %swap3A_354 = vector.shape_cast %add3A_347 : vector<16xf32> to vector<1x1x16xf32>
      tpu.vector_store %arg9[%swap3A_349, %swap3A_350, %swap3A_351], %swap3A_354 {strides = array<i32>} : memref<6x104x128xf32, #tpu.memory_space<vmem>>, vector<1x1x16xf32>,
      %get3A_355 = arith.constant 1 : i32
      %get3A_356 = arith.index_cast %get3A_355 : i32 to index
      %get3A_357 = arith.index_cast %scan3A_310 : i32 to index
      %get3A_358 = arith.constant 32 : index
      %get3A_359 = tpu.vector_load %arg9[%get3A_356, %get3A_357, %get3A_358] {strides = array<i32>} : memref<6x104x128xf32, #tpu.memory_space<vmem>>, vector<1x1x16xf32>,
      %get3A_360 = vector.shape_cast %get3A_359 : vector<1x1x16xf32> to vector<16xf32>
      %mul3A_361 = arith.constant 11.3137083 : f32
      %mul3A_362 = vector.broadcast %mul3A_361 : f32 to vector<16xf32>
      %mul3A_363 = arith.mulf %get3A_360, %mul3A_362 : vector<16xf32>
      %add3A_364 = arith.constant 104 : i32
      %add3A_365 = arith.addi %add3A_364, %scan3A_310 : i32
      %get3A_366 = arith.index_cast %add3A_365 : i32 to index
      %get3A_367 = arith.constant 32 : index
      %get3A_368 = tpu.vector_load %arg10[%get3A_366, %get3A_367] {strides = array<i32>} : memref<200x128xf32, #tpu.memory_space<vmem>>, vector<1x16xf32>,
      %get3A_369 = vector.shape_cast %get3A_368 : vector<1x16xf32> to vector<16xf32>
      %add3A_370 = arith.addf %mul3A_363, %get3A_369 : vector<16xf32>
      %swap3A_371 = arith.constant 1 : i32
      %swap3A_372 = arith.index_cast %swap3A_371 : i32 to index
      %swap3A_373 = arith.index_cast %scan3A_310 : i32 to index
      %swap3A_374 = arith.constant 32 : index
      %swap3A_375 = tpu.vector_load %arg9[%swap3A_372, %swap3A_373, %swap3A_374] {strides = array<i32>} : memref<6x104x128xf32, #tpu.memory_space<vmem>>, vector<1x1x16xf32>,
      %swap3A_376 = vector.shape_cast %swap3A_375 : vector<1x1x16xf32> to vector<16xf32>
      %swap3A_377 = vector.shape_cast %add3A_370 : vector<16xf32> to vector<1x1x16xf32>
      tpu.vector_store %arg9[%swap3A_372, %swap3A_373, %swap3A_374], %swap3A_377 {strides = array<i32>} : memref<6x104x128xf32, #tpu.memory_space<vmem>>, vector<1x1x16xf32>,
      %get3A_378 = arith.constant 1 : i32
      %get3A_379 = arith.index_cast %get3A_378 : i32 to index
      %get3A_380 = arith.index_cast %scan3A_310 : i32 to index
      %get3A_381 = arith.constant 48 : index
      %get3A_382 = tpu.vector_load %arg9[%get3A_379, %get3A_380, %get3A_381] {strides = array<i32>} : memref<6x104x128xf32, #tpu.memory_space<vmem>>, vector<1x1x16xf32>,
      %get3A_383 = vector.shape_cast %get3A_382 : vector<1x1x16xf32> to vector<16xf32>
      %mul3A_384 = arith.constant 11.3137083 : f32
      %mul3A_385 = vector.broadcast %mul3A_384 : f32 to vector<16xf32>
      %mul3A_386 = arith.mulf %get3A_383, %mul3A_385 : vector<16xf32>
      %add3A_387 = arith.constant 104 : i32
      %add3A_388 = arith.addi %add3A_387, %scan3A_310 : i32
      %get3A_389 = arith.index_cast %add3A_388 : i32 to index
      %get3A_390 = arith.constant 48 : index
      %get3A_391 = tpu.vector_load %arg10[%get3A_389, %get3A_390] {strides = array<i32>} : memref<200x128xf32, #tpu.memory_space<vmem>>, vector<1x16xf32>,
      %get3A_392 = vector.shape_cast %get3A_391 : vector<1x16xf32> to vector<16xf32>
      %add3A_393 = arith.addf %mul3A_386, %get3A_392 : vector<16xf32>
      %swap3A_394 = arith.constant 1 : i32
      %swap3A_395 = arith.index_cast %swap3A_394 : i32 to index
      %swap3A_396 = arith.index_cast %scan3A_310 : i32 to index
      %swap3A_397 = arith.constant 48 : index
      %swap3A_398 = tpu.vector_load %arg9[%swap3A_395, %swap3A_396, %swap3A_397] {strides = array<i32>} : memref<6x104x128xf32, #tpu.memory_space<vmem>>, vector<1x1x16xf32>,
      %swap3A_399 = vector.shape_cast %swap3A_398 : vector<1x1x16xf32> to vector<16xf32>
      %swap3A_400 = vector.shape_cast %add3A_393 : vector<16xf32> to vector<1x1x16xf32>
      tpu.vector_store %arg9[%swap3A_395, %swap3A_396, %swap3A_397], %swap3A_400 {strides = array<i32>} : memref<6x104x128xf32, #tpu.memory_space<vmem>>, vector<1x1x16xf32>,
      %get3A_401 = arith.constant 1 : i32
      %get3A_402 = arith.index_cast %get3A_401 : i32 to index
      %get3A_403 = arith.index_cast %scan3A_310 : i32 to index
      %get3A_404 = arith.constant 64 : index
      %get3A_405 = tpu.vector_load %arg9[%get3A_402, %get3A_403, %get3A_404] {strides = array<i32>} : memref<6x104x128xf32, #tpu.memory_space<vmem>>, vector<1x1x16xf32>,
      %get3A_406 = vector.shape_cast %get3A_405 : vector<1x1x16xf32> to vector<16xf32>
      %mul3A_407 = arith.constant 11.3137083 : f32
      %mul3A_408 = vector.broadcast %mul3A_407 : f32 to vector<16xf32>
      %mul3A_409 = arith.mulf %get3A_406, %mul3A_408 : vector<16xf32>
      %add3A_410 = arith.constant 104 : i32
      %add3A_411 = arith.addi %add3A_410, %scan3A_310 : i32
      %get3A_412 = arith.index_cast %add3A_411 : i32 to index
      %get3A_413 = arith.constant 64 : index
      %get3A_414 = tpu.vector_load %arg10[%get3A_412, %get3A_413] {strides = array<i32>} : memref<200x128xf32, #tpu.memory_space<vmem>>, vector<1x16xf32>,
      %get3A_415 = vector.shape_cast %get3A_414 : vector<1x16xf32> to vector<16xf32>
      %add3A_416 = arith.addf %mul3A_409, %get3A_415 : vector<16xf32>
      %swap3A_417 = arith.constant 1 : i32
      %swap3A_418 = arith.index_cast %swap3A_417 : i32 to index
      %swap3A_419 = arith.index_cast %scan3A_310 : i32 to index
      %swap3A_420 = arith.constant 64 : index
      %swap3A_421 = tpu.vector_load %arg9[%swap3A_418, %swap3A_419, %swap3A_420] {strides = array<i32>} : memref<6x104x128xf32, #tpu.memory_space<vmem>>, vector<1x1x16xf32>,
      %swap3A_422 = vector.shape_cast %swap3A_421 : vector<1x1x16xf32> to vector<16xf32>
      %swap3A_423 = vector.shape_cast %add3A_416 : vector<16xf32> to vector<1x1x16xf32>
      tpu.vector_store %arg9[%swap3A_418, %swap3A_419, %swap3A_420], %swap3A_423 {strides = array<i32>} : memref<6x104x128xf32, #tpu.memory_space<vmem>>, vector<1x1x16xf32>,
      %get3A_424 = arith.constant 1 : i32
      %get3A_425 = arith.index_cast %get3A_424 : i32 to index
      %get3A_426 = arith.index_cast %scan3A_310 : i32 to index
      %get3A_427 = arith.constant 80 : index
      %get3A_428 = tpu.vector_load %arg9[%get3A_425, %get3A_426, %get3A_427] {strides = array<i32>} : memref<6x104x128xf32, #tpu.memory_space<vmem>>, vector<1x1x16xf32>,
      %get3A_429 = vector.shape_cast %get3A_428 : vector<1x1x16xf32> to vector<16xf32>
      %mul3A_430 = arith.constant 11.3137083 : f32
      %mul3A_431 = vector.broadcast %mul3A_430 : f32 to vector<16xf32>
      %mul3A_432 = arith.mulf %get3A_429, %mul3A_431 : vector<16xf32>
      %add3A_433 = arith.constant 104 : i32
      %add3A_434 = arith.addi %add3A_433, %scan3A_310 : i32
      %get3A_435 = arith.index_cast %add3A_434 : i32 to index
      %get3A_436 = arith.constant 80 : index
      %get3A_437 = tpu.vector_load %arg10[%get3A_435, %get3A_436] {strides = array<i32>} : memref<200x128xf32, #tpu.memory_space<vmem>>, vector<1x16xf32>,
      %get3A_438 = vector.shape_cast %get3A_437 : vector<1x16xf32> to vector<16xf32>
      %add3A_439 = arith.addf %mul3A_432, %get3A_438 : vector<16xf32>
      %swap3A_440 = arith.constant 1 : i32
      %swap3A_441 = arith.index_cast %swap3A_440 : i32 to index
      %swap3A_442 = arith.index_cast %scan3A_310 : i32 to index
      %swap3A_443 = arith.constant 80 : index
      %swap3A_444 = tpu.vector_load %arg9[%swap3A_441, %swap3A_442, %swap3A_443] {strides = array<i32>} : memref<6x104x128xf32, #tpu.memory_space<vmem>>, vector<1x1x16xf32>,
      %swap3A_445 = vector.shape_cast %swap3A_444 : vector<1x1x16xf32> to vector<16xf32>
      %swap3A_446 = vector.shape_cast %add3A_439 : vector<16xf32> to vector<1x1x16xf32>
      tpu.vector_store %arg9[%swap3A_441, %swap3A_442, %swap3A_443], %swap3A_446 {strides = array<i32>} : memref<6x104x128xf32, #tpu.memory_space<vmem>>, vector<1x1x16xf32>,
      %get3A_447 = arith.constant 1 : i32
      %get3A_448 = arith.index_cast %get3A_447 : i32 to index
      %get3A_449 = arith.index_cast %scan3A_310 : i32 to index
      %get3A_450 = arith.constant 96 : index
      %get3A_451 = tpu.vector_load %arg9[%get3A_448, %get3A_449, %get3A_450] {strides = array<i32>} : memref<6x104x128xf32, #tpu.memory_space<vmem>>, vector<1x1x16xf32>,
      %get3A_452 = vector.shape_cast %get3A_451 : vector<1x1x16xf32> to vector<16xf32>
      %mul3A_453 = arith.constant 11.3137083 : f32
      %mul3A_454 = vector.broadcast %mul3A_453 : f32 to vector<16xf32>
      %mul3A_455 = arith.mulf %get3A_452, %mul3A_454 : vector<16xf32>
      %add3A_456 = arith.constant 104 : i32
      %add3A_457 = arith.addi %add3A_456, %scan3A_310 : i32
      %get3A_458 = arith.index_cast %add3A_457 : i32 to index
      %get3A_459 = arith.constant 96 : index
      %get3A_460 = tpu.vector_load %arg10[%get3A_458, %get3A_459] {strides = array<i32>} : memref<200x128xf32, #tpu.memory_space<vmem>>, vector<1x16xf32>,
      %get3A_461 = vector.shape_cast %get3A_460 : vector<1x16xf32> to vector<16xf32>
      %add3A_462 = arith.addf %mul3A_455, %get3A_461 : vector<16xf32>
      %swap3A_463 = arith.constant 1 : i32
      %swap3A_464 = arith.index_cast %swap3A_463 : i32 to index
      %swap3A_465 = arith.index_cast %scan3A_310 : i32 to index
      %swap3A_466 = arith.constant 96 : index
      %swap3A_467 = tpu.vector_load %arg9[%swap3A_464, %swap3A_465, %swap3A_466] {strides = array<i32>} : memref<6x104x128xf32, #tpu.memory_space<vmem>>, vector<1x1x16xf32>,
      %swap3A_468 = vector.shape_cast %swap3A_467 : vector<1x1x16xf32> to vector<16xf32>
      %swap3A_469 = vector.shape_cast %add3A_462 : vector<16xf32> to vector<1x1x16xf32>
      tpu.vector_store %arg9[%swap3A_464, %swap3A_465, %swap3A_466], %swap3A_469 {strides = array<i32>} : memref<6x104x128xf32, #tpu.memory_space<vmem>>, vector<1x1x16xf32>,
      %get3A_470 = arith.constant 1 : i32
      %get3A_471 = arith.index_cast %get3A_470 : i32 to index
      %get3A_472 = arith.index_cast %scan3A_310 : i32 to index
      %get3A_473 = arith.constant 112 : index
      %get3A_474 = tpu.vector_load %arg9[%get3A_471, %get3A_472, %get3A_473] {strides = array<i32>} : memref<6x104x128xf32, #tpu.memory_space<vmem>>, vector<1x1x16xf32>,
      %get3A_475 = vector.shape_cast %get3A_474 : vector<1x1x16xf32> to vector<16xf32>
      %mul3A_476 = arith.constant 11.3137083 : f32
      %mul3A_477 = vector.broadcast %mul3A_476 : f32 to vector<16xf32>
      %mul3A_478 = arith.mulf %get3A_475, %mul3A_477 : vector<16xf32>
      %add3A_479 = arith.constant 104 : i32
      %add3A_480 = arith.addi %add3A_479, %scan3A_310 : i32
      %get3A_481 = arith.index_cast %add3A_480 : i32 to index
      %get3A_482 = arith.constant 112 : index
      %get3A_483 = tpu.vector_load %arg10[%get3A_481, %get3A_482] {strides = array<i32>} : memref<200x128xf32, #tpu.memory_space<vmem>>, vector<1x16xf32>,
      %get3A_484 = vector.shape_cast %get3A_483 : vector<1x16xf32> to vector<16xf32>
      %add3A_485 = arith.addf %mul3A_478, %get3A_484 : vector<16xf32>
      %swap3A_486 = arith.constant 1 : i32
      %swap3A_487 = arith.index_cast %swap3A_486 : i32 to index
      %swap3A_488 = arith.index_cast %scan3A_310 : i32 to index
      %swap3A_489 = arith.constant 112 : index
      %swap3A_490 = tpu.vector_load %arg9[%swap3A_487, %swap3A_488, %swap3A_489] {strides = array<i32>} : memref<6x104x128xf32, #tpu.memory_space<vmem>>, vector<1x1x16xf32>,
      %swap3A_491 = vector.shape_cast %swap3A_490 : vector<1x1x16xf32> to vector<16xf32>
      %swap3A_492 = vector.shape_cast %add3A_485 : vector<16xf32> to vector<1x1x16xf32>
      tpu.vector_store %arg9[%swap3A_487, %swap3A_488, %swap3A_489], %swap3A_492 {strides = array<i32>} : memref<6x104x128xf32, #tpu.memory_space<vmem>>, vector<1x1x16xf32>,
    }
    %scan3A_110 = arith.constant 96 : i32
    %dma_start3A_111 = arith.constant 1 : i32
    %dma_start3A_112 = arith.constant 0 : i32
    %dma_start3A_113 = arith.constant 0 : i32
    %dma_start3A_114 = tpu.memref_slice %arg9[%dma_start3A_111, %dma_start3A_112, %dma_start3A_113] : memref<6x104x128xf32, #tpu.memory_space<vmem>> -> memref<1x96x128xf32, #tpu.memory_space<vmem>>
    %dma_start3A_115 = tpu.memref_squeeze %dma_start3A_114 : memref<1x96x128xf32, #tpu.memory_space<vmem>> -> memref<96x128xf32, #tpu.memory_space<vmem>>
    %dma_start3A_116 = arith.constant 104 : i32
    %dma_start3A_117 = arith.constant 0 : i32
    %dma_start3A_118 = tpu.memref_slice %arg6[%add3A_104, %dma_start3A_116, %dma_start3A_117] : memref<1024x200x128xf32, #tpu.memory_space<hbm>> -> memref<1x96x128xf32, #tpu.memory_space<hbm>>
    %dma_start3A_119 = tpu.memref_squeeze %dma_start3A_118 : memref<1x96x128xf32, #tpu.memory_space<hbm>> -> memref<96x128xf32, #tpu.memory_space<hbm>>
    %dma_start3A_120 = arith.constant 104 : i32
    %dma_start3A_121 = arith.constant 0 : i32
    %dma_start3A_122 = tpu.memref_slice %arg6[%add3A_104, %dma_start3A_120, %dma_start3A_121] : memref<1024x200x128xf32, #tpu.memory_space<hbm>> -> memref<1x96x128xf32, #tpu.memory_space<hbm>>
    %dma_start3A_123 = tpu.memref_squeeze %dma_start3A_122 : memref<1x96x128xf32, #tpu.memory_space<hbm>> -> memref<96x128xf32, #tpu.memory_space<hbm>>
    %dma_start3A_124 = arith.constant 0 : i32
    %dma_start3A_125 = arith.constant 0 : i32
    %dma_start3A_126 = tpu.memref_slice %arg9[%dma_start3A_111, %dma_start3A_124, %dma_start3A_125] : memref<6x104x128xf32, #tpu.memory_space<vmem>> -> memref<1x96x128xf32, #tpu.memory_space<vmem>>
    %dma_start3A_127 = tpu.memref_squeeze %dma_start3A_126 : memref<1x96x128xf32, #tpu.memory_space<vmem>> -> memref<96x128xf32, #tpu.memory_space<vmem>>
    tpu.enqueue_dma source(%dma_start3A_127 : memref<96x128xf32, #tpu.memory_space<vmem>>) target(%dma_start3A_123 : memref<96x128xf32, #tpu.memory_space<hbm>>) target_semaphore(%arg18 : memref<!tpu.dma_semaphore, #tpu.memory_space<semaphore_mem>>)
    %dma_wait3A_128 = arith.constant 0 : i32
    %dma_wait3A_129 = arith.constant 2 : i32
    %dma_wait3A_130 = arith.constant 0 : i32
    %dma_wait3A_131 = arith.constant 0 : i32
    %dma_wait3A_132 = tpu.memref_slice %arg9[%dma_wait3A_129, %dma_wait3A_130, %dma_wait3A_131] : memref<6x104x128xf32, #tpu.memory_space<vmem>> -> memref<1x104x128xf32, #tpu.memory_space<vmem>>
    %dma_wait3A_133 = tpu.memref_squeeze %dma_wait3A_132 : memref<1x104x128xf32, #tpu.memory_space<vmem>> -> memref<104x128xf32, #tpu.memory_space<vmem>>
    %dma_wait3A_134 = arith.constant 0 : i32
    %dma_wait3A_135 = tpu.memref_slice %arg7[%dma_wait3A_128, %dma_wait3A_134] : memref<32x104xi32, #tpu.memory_space<vmem>> -> memref<1x104xi32, #tpu.memory_space<vmem>>
    %dma_wait3A_136 = tpu.memref_squeeze %dma_wait3A_135 : memref<1x104xi32, #tpu.memory_space<vmem>> -> memref<104xi32, #tpu.memory_space<vmem>>
    %dma_wait3A_137 = arith.constant 0 : i32
    %dma_wait3A_138 = arith.constant 0 : i32
    %dma_wait3A_139 = tpu.memref_slice %arg4[%dma_wait3A_137, %dma_wait3A_138] : memref<100000x128xf32, #tpu.memory_space<hbm>> -> memref<100000x128xf32, #tpu.memory_space<hbm>>
    tpu.wait_indirect_dma semaphore(%arg13 : memref<!tpu.dma_semaphore, #tpu.memory_space<semaphore_mem>>) src(%dma_wait3A_139 : memref<100000x128xf32, #tpu.memory_space<hbm>>) dst(%dma_wait3A_133 : memref<104x128xf32, #tpu.memory_space<vmem>>)
    %add3A_140 = arith.constant 31 : i32
    %add3A_141 = arith.addi %mul3A_2, %add3A_140 : i32
    %scan3A_142 = arith.constant 0 : i32
    %scan3A_143 = arith.constant 0 : i32
    %scan3A_144 = arith.constant 104 : i32
    %scan3A_145 = arith.addi %scan3A_143, %scan3A_144 : i32
    %scan3A_146 = arith.constant 1 : i32
    scf.for %scan3A_310 = %scan3A_143 to %scan3A_145 step %scan3A_146  : i32 {
      %get3A = arith.constant 2 : i32
      %get3A_311 = arith.index_cast %get3A : i32 to index
      %get3A_312 = arith.index_cast %scan3A_310 : i32 to index
      %get3A_313 = arith.constant 0 : index
      %get3A_314 = tpu.vector_load %arg9[%get3A_311, %get3A_312, %get3A_313] {strides = array<i32>} : memref<6x104x128xf32, #tpu.memory_space<vmem>>, vector<1x1x16xf32>,
      %get3A_315 = vector.shape_cast %get3A_314 : vector<1x1x16xf32> to vector<16xf32>
      %mul3A_316 = arith.constant 11.3137083 : f32
      %mul3A_317 = vector.broadcast %mul3A_316 : f32 to vector<16xf32>
      %mul3A_318 = arith.mulf %get3A_315, %mul3A_317 : vector<16xf32>
      %add3A_319 = arith.constant 0 : i32
      %add3A_320 = arith.addi %add3A_319, %scan3A_310 : i32
      %get3A_321 = arith.index_cast %add3A_320 : i32 to index
      %get3A_322 = arith.constant 0 : index
      %get3A_323 = tpu.vector_load %arg10[%get3A_321, %get3A_322] {strides = array<i32>} : memref<200x128xf32, #tpu.memory_space<vmem>>, vector<1x16xf32>,
      %get3A_324 = vector.shape_cast %get3A_323 : vector<1x16xf32> to vector<16xf32>
      %add3A_325 = arith.addf %mul3A_318, %get3A_324 : vector<16xf32>
      %swap3A = arith.constant 2 : i32
      %swap3A_326 = arith.index_cast %swap3A : i32 to index
      %swap3A_327 = arith.index_cast %scan3A_310 : i32 to index
      %swap3A_328 = arith.constant 0 : index
      %swap3A_329 = tpu.vector_load %arg9[%swap3A_326, %swap3A_327, %swap3A_328] {strides = array<i32>} : memref<6x104x128xf32, #tpu.memory_space<vmem>>, vector<1x1x16xf32>,
      %swap3A_330 = vector.shape_cast %swap3A_329 : vector<1x1x16xf32> to vector<16xf32>
      %swap3A_331 = vector.shape_cast %add3A_325 : vector<16xf32> to vector<1x1x16xf32>
      tpu.vector_store %arg9[%swap3A_326, %swap3A_327, %swap3A_328], %swap3A_331 {strides = array<i32>} : memref<6x104x128xf32, #tpu.memory_space<vmem>>, vector<1x1x16xf32>,
      %get3A_332 = arith.constant 2 : i32
      %get3A_333 = arith.index_cast %get3A_332 : i32 to index
      %get3A_334 = arith.index_cast %scan3A_310 : i32 to index
      %get3A_335 = arith.constant 16 : index
      %get3A_336 = tpu.vector_load %arg9[%get3A_333, %get3A_334, %get3A_335] {strides = array<i32>} : memref<6x104x128xf32, #tpu.memory_space<vmem>>, vector<1x1x16xf32>,
      %get3A_337 = vector.shape_cast %get3A_336 : vector<1x1x16xf32> to vector<16xf32>
      %mul3A_338 = arith.constant 11.3137083 : f32
      %mul3A_339 = vector.broadcast %mul3A_338 : f32 to vector<16xf32>
      %mul3A_340 = arith.mulf %get3A_337, %mul3A_339 : vector<16xf32>
      %add3A_341 = arith.constant 0 : i32
      %add3A_342 = arith.addi %add3A_341, %scan3A_310 : i32
      %get3A_343 = arith.index_cast %add3A_342 : i32 to index
      %get3A_344 = arith.constant 16 : index
      %get3A_345 = tpu.vector_load %arg10[%get3A_343, %get3A_344] {strides = array<i32>} : memref<200x128xf32, #tpu.memory_space<vmem>>, vector<1x16xf32>,
      %get3A_346 = vector.shape_cast %get3A_345 : vector<1x16xf32> to vector<16xf32>
      %add3A_347 = arith.addf %mul3A_340, %get3A_346 : vector<16xf32>
      %swap3A_348 = arith.constant 2 : i32
      %swap3A_349 = arith.index_cast %swap3A_348 : i32 to index
      %swap3A_350 = arith.index_cast %scan3A_310 : i32 to index
      %swap3A_351 = arith.constant 16 : index
      %swap3A_352 = tpu.vector_load %arg9[%swap3A_349, %swap3A_350, %swap3A_351] {strides = array<i32>} : memref<6x104x128xf32, #tpu.memory_space<vmem>>, vector<1x1x16xf32>,
      %swap3A_353 = vector.shape_cast %swap3A_352 : vector<1x1x16xf32> to vector<16xf32>
      %swap3A_354 = vector.shape_cast %add3A_347 : vector<16xf32> to vector<1x1x16xf32>
      tpu.vector_store %arg9[%swap3A_349, %swap3A_350, %swap3A_351], %swap3A_354 {strides = array<i32>} : memref<6x104x128xf32, #tpu.memory_space<vmem>>, vector<1x1x16xf32>,
      %get3A_355 = arith.constant 2 : i32
      %get3A_356 = arith.index_cast %get3A_355 : i32 to index
      %get3A_357 = arith.index_cast %scan3A_310 : i32 to index
      %get3A_358 = arith.constant 32 : index
      %get3A_359 = tpu.vector_load %arg9[%get3A_356, %get3A_357, %get3A_358] {strides = array<i32>} : memref<6x104x128xf32, #tpu.memory_space<vmem>>, vector<1x1x16xf32>,
      %get3A_360 = vector.shape_cast %get3A_359 : vector<1x1x16xf32> to vector<16xf32>
      %mul3A_361 = arith.constant 11.3137083 : f32
      %mul3A_362 = vector.broadcast %mul3A_361 : f32 to vector<16xf32>
      %mul3A_363 = arith.mulf %get3A_360, %mul3A_362 : vector<16xf32>
      %add3A_364 = arith.constant 0 : i32
      %add3A_365 = arith.addi %add3A_364, %scan3A_310 : i32
      %get3A_366 = arith.index_cast %add3A_365 : i32 to index
      %get3A_367 = arith.constant 32 : index
      %get3A_368 = tpu.vector_load %arg10[%get3A_366, %get3A_367] {strides = array<i32>} : memref<200x128xf32, #tpu.memory_space<vmem>>, vector<1x16xf32>,
      %get3A_369 = vector.shape_cast %get3A_368 : vector<1x16xf32> to vector<16xf32>
      %add3A_370 = arith.addf %mul3A_363, %get3A_369 : vector<16xf32>
      %swap3A_371 = arith.constant 2 : i32
      %swap3A_372 = arith.index_cast %swap3A_371 : i32 to index
      %swap3A_373 = arith.index_cast %scan3A_310 : i32 to index
      %swap3A_374 = arith.constant 32 : index
      %swap3A_375 = tpu.vector_load %arg9[%swap3A_372, %swap3A_373, %swap3A_374] {strides = array<i32>} : memref<6x104x128xf32, #tpu.memory_space<vmem>>, vector<1x1x16xf32>,
      %swap3A_376 = vector.shape_cast %swap3A_375 : vector<1x1x16xf32> to vector<16xf32>
      %swap3A_377 = vector.shape_cast %add3A_370 : vector<16xf32> to vector<1x1x16xf32>
      tpu.vector_store %arg9[%swap3A_372, %swap3A_373, %swap3A_374], %swap3A_377 {strides = array<i32>} : memref<6x104x128xf32, #tpu.memory_space<vmem>>, vector<1x1x16xf32>,
      %get3A_378 = arith.constant 2 : i32
      %get3A_379 = arith.index_cast %get3A_378 : i32 to index
      %get3A_380 = arith.index_cast %scan3A_310 : i32 to index
      %get3A_381 = arith.constant 48 : index
      %get3A_382 = tpu.vector_load %arg9[%get3A_379, %get3A_380, %get3A_381] {strides = array<i32>} : memref<6x104x128xf32, #tpu.memory_space<vmem>>, vector<1x1x16xf32>,
      %get3A_383 = vector.shape_cast %get3A_382 : vector<1x1x16xf32> to vector<16xf32>
      %mul3A_384 = arith.constant 11.3137083 : f32
      %mul3A_385 = vector.broadcast %mul3A_384 : f32 to vector<16xf32>
      %mul3A_386 = arith.mulf %get3A_383, %mul3A_385 : vector<16xf32>
      %add3A_387 = arith.constant 0 : i32
      %add3A_388 = arith.addi %add3A_387, %scan3A_310 : i32
      %get3A_389 = arith.index_cast %add3A_388 : i32 to index
      %get3A_390 = arith.constant 48 : index
      %get3A_391 = tpu.vector_load %arg10[%get3A_389, %get3A_390] {strides = array<i32>} : memref<200x128xf32, #tpu.memory_space<vmem>>, vector<1x16xf32>,
      %get3A_392 = vector.shape_cast %get3A_391 : vector<1x16xf32> to vector<16xf32>
      %add3A_393 = arith.addf %mul3A_386, %get3A_392 : vector<16xf32>
      %swap3A_394 = arith.constant 2 : i32
      %swap3A_395 = arith.index_cast %swap3A_394 : i32 to index
      %swap3A_396 = arith.index_cast %scan3A_310 : i32 to index
      %swap3A_397 = arith.constant 48 : index
      %swap3A_398 = tpu.vector_load %arg9[%swap3A_395, %swap3A_396, %swap3A_397] {strides = array<i32>} : memref<6x104x128xf32, #tpu.memory_space<vmem>>, vector<1x1x16xf32>,
      %swap3A_399 = vector.shape_cast %swap3A_398 : vector<1x1x16xf32> to vector<16xf32>
      %swap3A_400 = vector.shape_cast %add3A_393 : vector<16xf32> to vector<1x1x16xf32>
      tpu.vector_store %arg9[%swap3A_395, %swap3A_396, %swap3A_397], %swap3A_400 {strides = array<i32>} : memref<6x104x128xf32, #tpu.memory_space<vmem>>, vector<1x1x16xf32>,
      %get3A_401 = arith.constant 2 : i32
      %get3A_402 = arith.index_cast %get3A_401 : i32 to index
      %get3A_403 = arith.index_cast %scan3A_310 : i32 to index
      %get3A_404 = arith.constant 64 : index
      %get3A_405 = tpu.vector_load %arg9[%get3A_402, %get3A_403, %get3A_404] {strides = array<i32>} : memref<6x104x128xf32, #tpu.memory_space<vmem>>, vector<1x1x16xf32>,
      %get3A_406 = vector.shape_cast %get3A_405 : vector<1x1x16xf32> to vector<16xf32>
      %mul3A_407 = arith.constant 11.3137083 : f32
      %mul3A_408 = vector.broadcast %mul3A_407 : f32 to vector<16xf32>
      %mul3A_409 = arith.mulf %get3A_406, %mul3A_408 : vector<16xf32>
      %add3A_410 = arith.constant 0 : i32
      %add3A_411 = arith.addi %add3A_410, %scan3A_310 : i32
      %get3A_412 = arith.index_cast %add3A_411 : i32 to index
      %get3A_413 = arith.constant 64 : index
      %get3A_414 = tpu.vector_load %arg10[%get3A_412, %get3A_413] {strides = array<i32>} : memref<200x128xf32, #tpu.memory_space<vmem>>, vector<1x16xf32>,
      %get3A_415 = vector.shape_cast %get3A_414 : vector<1x16xf32> to vector<16xf32>
      %add3A_416 = arith.addf %mul3A_409, %get3A_415 : vector<16xf32>
      %swap3A_417 = arith.constant 2 : i32
      %swap3A_418 = arith.index_cast %swap3A_417 : i32 to index
      %swap3A_419 = arith.index_cast %scan3A_310 : i32 to index
      %swap3A_420 = arith.constant 64 : index
      %swap3A_421 = tpu.vector_load %arg9[%swap3A_418, %swap3A_419, %swap3A_420] {strides = array<i32>} : memref<6x104x128xf32, #tpu.memory_space<vmem>>, vector<1x1x16xf32>,
      %swap3A_422 = vector.shape_cast %swap3A_421 : vector<1x1x16xf32> to vector<16xf32>
      %swap3A_423 = vector.shape_cast %add3A_416 : vector<16xf32> to vector<1x1x16xf32>
      tpu.vector_store %arg9[%swap3A_418, %swap3A_419, %swap3A_420], %swap3A_423 {strides = array<i32>} : memref<6x104x128xf32, #tpu.memory_space<vmem>>, vector<1x1x16xf32>,
      %get3A_424 = arith.constant 2 : i32
      %get3A_425 = arith.index_cast %get3A_424 : i32 to index
      %get3A_426 = arith.index_cast %scan3A_310 : i32 to index
      %get3A_427 = arith.constant 80 : index
      %get3A_428 = tpu.vector_load %arg9[%get3A_425, %get3A_426, %get3A_427] {strides = array<i32>} : memref<6x104x128xf32, #tpu.memory_space<vmem>>, vector<1x1x16xf32>,
      %get3A_429 = vector.shape_cast %get3A_428 : vector<1x1x16xf32> to vector<16xf32>
      %mul3A_430 = arith.constant 11.3137083 : f32
      %mul3A_431 = vector.broadcast %mul3A_430 : f32 to vector<16xf32>
      %mul3A_432 = arith.mulf %get3A_429, %mul3A_431 : vector<16xf32>
      %add3A_433 = arith.constant 0 : i32
      %add3A_434 = arith.addi %add3A_433, %scan3A_310 : i32
      %get3A_435 = arith.index_cast %add3A_434 : i32 to index
      %get3A_436 = arith.constant 80 : index
      %get3A_437 = tpu.vector_load %arg10[%get3A_435, %get3A_436] {strides = array<i32>} : memref<200x128xf32, #tpu.memory_space<vmem>>, vector<1x16xf32>,
      %get3A_438 = vector.shape_cast %get3A_437 : vector<1x16xf32> to vector<16xf32>
      %add3A_439 = arith.addf %mul3A_432, %get3A_438 : vector<16xf32>
      %swap3A_440 = arith.constant 2 : i32
      %swap3A_441 = arith.index_cast %swap3A_440 : i32 to index
      %swap3A_442 = arith.index_cast %scan3A_310 : i32 to index
      %swap3A_443 = arith.constant 80 : index
      %swap3A_444 = tpu.vector_load %arg9[%swap3A_441, %swap3A_442, %swap3A_443] {strides = array<i32>} : memref<6x104x128xf32, #tpu.memory_space<vmem>>, vector<1x1x16xf32>,
      %swap3A_445 = vector.shape_cast %swap3A_444 : vector<1x1x16xf32> to vector<16xf32>
      %swap3A_446 = vector.shape_cast %add3A_439 : vector<16xf32> to vector<1x1x16xf32>
      tpu.vector_store %arg9[%swap3A_441, %swap3A_442, %swap3A_443], %swap3A_446 {strides = array<i32>} : memref<6x104x128xf32, #tpu.memory_space<vmem>>, vector<1x1x16xf32>,
      %get3A_447 = arith.constant 2 : i32
      %get3A_448 = arith.index_cast %get3A_447 : i32 to index
      %get3A_449 = arith.index_cast %scan3A_310 : i32 to index
      %get3A_450 = arith.constant 96 : index
      %get3A_451 = tpu.vector_load %arg9[%get3A_448, %get3A_449, %get3A_450] {strides = array<i32>} : memref<6x104x128xf32, #tpu.memory_space<vmem>>, vector<1x1x16xf32>,
      %get3A_452 = vector.shape_cast %get3A_451 : vector<1x1x16xf32> to vector<16xf32>
      %mul3A_453 = arith.constant 11.3137083 : f32
      %mul3A_454 = vector.broadcast %mul3A_453 : f32 to vector<16xf32>
      %mul3A_455 = arith.mulf %get3A_452, %mul3A_454 : vector<16xf32>
      %add3A_456 = arith.constant 0 : i32
      %add3A_457 = arith.addi %add3A_456, %scan3A_310 : i32
      %get3A_458 = arith.index_cast %add3A_457 : i32 to index
      %get3A_459 = arith.constant 96 : index
      %get3A_460 = tpu.vector_load %arg10[%get3A_458, %get3A_459] {strides = array<i32>} : memref<200x128xf32, #tpu.memory_space<vmem>>, vector<1x16xf32>,
      %get3A_461 = vector.shape_cast %get3A_460 : vector<1x16xf32> to vector<16xf32>
      %add3A_462 = arith.addf %mul3A_455, %get3A_461 : vector<16xf32>
      %swap3A_463 = arith.constant 2 : i32
      %swap3A_464 = arith.index_cast %swap3A_463 : i32 to index
      %swap3A_465 = arith.index_cast %scan3A_310 : i32 to index
      %swap3A_466 = arith.constant 96 : index
      %swap3A_467 = tpu.vector_load %arg9[%swap3A_464, %swap3A_465, %swap3A_466] {strides = array<i32>} : memref<6x104x128xf32, #tpu.memory_space<vmem>>, vector<1x1x16xf32>,
      %swap3A_468 = vector.shape_cast %swap3A_467 : vector<1x1x16xf32> to vector<16xf32>
      %swap3A_469 = vector.shape_cast %add3A_462 : vector<16xf32> to vector<1x1x16xf32>
      tpu.vector_store %arg9[%swap3A_464, %swap3A_465, %swap3A_466], %swap3A_469 {strides = array<i32>} : memref<6x104x128xf32, #tpu.memory_space<vmem>>, vector<1x1x16xf32>,
      %get3A_470 = arith.constant 2 : i32
      %get3A_471 = arith.index_cast %get3A_470 : i32 to index
      %get3A_472 = arith.index_cast %scan3A_310 : i32 to index
      %get3A_473 = arith.constant 112 : index
      %get3A_474 = tpu.vector_load %arg9[%get3A_471, %get3A_472, %get3A_473] {strides = array<i32>} : memref<6x104x128xf32, #tpu.memory_space<vmem>>, vector<1x1x16xf32>,
      %get3A_475 = vector.shape_cast %get3A_474 : vector<1x1x16xf32> to vector<16xf32>
      %mul3A_476 = arith.constant 11.3137083 : f32
      %mul3A_477 = vector.broadcast %mul3A_476 : f32 to vector<16xf32>
      %mul3A_478 = arith.mulf %get3A_475, %mul3A_477 : vector<16xf32>
      %add3A_479 = arith.constant 0 : i32
      %add3A_480 = arith.addi %add3A_479, %scan3A_310 : i32
      %get3A_481 = arith.index_cast %add3A_480 : i32 to index
      %get3A_482 = arith.constant 112 : index
      %get3A_483 = tpu.vector_load %arg10[%get3A_481, %get3A_482] {strides = array<i32>} : memref<200x128xf32, #tpu.memory_space<vmem>>, vector<1x16xf32>,
      %get3A_484 = vector.shape_cast %get3A_483 : vector<1x16xf32> to vector<16xf32>
      %add3A_485 = arith.addf %mul3A_478, %get3A_484 : vector<16xf32>
      %swap3A_486 = arith.constant 2 : i32
      %swap3A_487 = arith.index_cast %swap3A_486 : i32 to index
      %swap3A_488 = arith.index_cast %scan3A_310 : i32 to index
      %swap3A_489 = arith.constant 112 : index
      %swap3A_490 = tpu.vector_load %arg9[%swap3A_487, %swap3A_488, %swap3A_489] {strides = array<i32>} : memref<6x104x128xf32, #tpu.memory_space<vmem>>, vector<1x1x16xf32>,
      %swap3A_491 = vector.shape_cast %swap3A_490 : vector<1x1x16xf32> to vector<16xf32>
      %swap3A_492 = vector.shape_cast %add3A_485 : vector<16xf32> to vector<1x1x16xf32>
      tpu.vector_store %arg9[%swap3A_487, %swap3A_488, %swap3A_489], %swap3A_492 {strides = array<i32>} : memref<6x104x128xf32, #tpu.memory_space<vmem>>, vector<1x1x16xf32>,
    }
    %scan3A_147 = arith.constant 104 : i32
    %dma_start3A_148 = arith.constant 2 : i32
    %dma_start3A_149 = arith.constant 0 : i32
    %dma_start3A_150 = arith.constant 0 : i32
    %dma_start3A_151 = tpu.memref_slice %arg9[%dma_start3A_148, %dma_start3A_149, %dma_start3A_150] : memref<6x104x128xf32, #tpu.memory_space<vmem>> -> memref<1x104x128xf32, #tpu.memory_space<vmem>>
    %dma_start3A_152 = tpu.memref_squeeze %dma_start3A_151 : memref<1x104x128xf32, #tpu.memory_space<vmem>> -> memref<104x128xf32, #tpu.memory_space<vmem>>
    %dma_start3A_153 = arith.constant 0 : i32
    %dma_start3A_154 = arith.constant 0 : i32
    %dma_start3A_155 = tpu.memref_slice %arg6[%add3A_141, %dma_start3A_153, %dma_start3A_154] : memref<1024x200x128xf32, #tpu.memory_space<hbm>> -> memref<1x104x128xf32, #tpu.memory_space<hbm>>
    %dma_start3A_156 = tpu.memref_squeeze %dma_start3A_155 : memref<1x104x128xf32, #tpu.memory_space<hbm>> -> memref<104x128xf32, #tpu.memory_space<hbm>>
    %dma_start3A_157 = arith.constant 0 : i32
    %dma_start3A_158 = arith.constant 0 : i32
    %dma_start3A_159 = tpu.memref_slice %arg6[%add3A_141, %dma_start3A_157, %dma_start3A_158] : memref<1024x200x128xf32, #tpu.memory_space<hbm>> -> memref<1x104x128xf32, #tpu.memory_space<hbm>>
    %dma_start3A_160 = tpu.memref_squeeze %dma_start3A_159 : memref<1x104x128xf32, #tpu.memory_space<hbm>> -> memref<104x128xf32, #tpu.memory_space<hbm>>
    %dma_start3A_161 = arith.constant 0 : i32
    %dma_start3A_162 = arith.constant 0 : i32
    %dma_start3A_163 = tpu.memref_slice %arg9[%dma_start3A_148, %dma_start3A_161, %dma_start3A_162] : memref<6x104x128xf32, #tpu.memory_space<vmem>> -> memref<1x104x128xf32, #tpu.memory_space<vmem>>
    %dma_start3A_164 = tpu.memref_squeeze %dma_start3A_163 : memref<1x104x128xf32, #tpu.memory_space<vmem>> -> memref<104x128xf32, #tpu.memory_space<vmem>>
    tpu.enqueue_dma source(%dma_start3A_164 : memref<104x128xf32, #tpu.memory_space<vmem>>) target(%dma_start3A_160 : memref<104x128xf32, #tpu.memory_space<hbm>>) target_semaphore(%arg19 : memref<!tpu.dma_semaphore, #tpu.memory_space<semaphore_mem>>)
    %dma_wait3A_165 = arith.constant 0 : i32
    %dma_wait3A_166 = arith.constant 3 : i32
    %dma_wait3A_167 = arith.constant 0 : i32
    %dma_wait3A_168 = arith.constant 0 : i32
    %dma_wait3A_169 = tpu.memref_slice %arg9[%dma_wait3A_166, %dma_wait3A_167, %dma_wait3A_168] : memref<6x104x128xf32, #tpu.memory_space<vmem>> -> memref<1x96x128xf32, #tpu.memory_space<vmem>>
    %dma_wait3A_170 = tpu.memref_squeeze %dma_wait3A_169 : memref<1x96x128xf32, #tpu.memory_space<vmem>> -> memref<96x128xf32, #tpu.memory_space<vmem>>
    %dma_wait3A_171 = arith.constant 0 : i32
    %dma_wait3A_172 = tpu.memref_slice %arg8[%dma_wait3A_165, %dma_wait3A_171] : memref<32x96xi32, #tpu.memory_space<vmem>> -> memref<1x96xi32, #tpu.memory_space<vmem>>
    %dma_wait3A_173 = tpu.memref_squeeze %dma_wait3A_172 : memref<1x96xi32, #tpu.memory_space<vmem>> -> memref<96xi32, #tpu.memory_space<vmem>>
    %dma_wait3A_174 = arith.constant 0 : i32
    %dma_wait3A_175 = arith.constant 0 : i32
    %dma_wait3A_176 = tpu.memref_slice %arg4[%dma_wait3A_174, %dma_wait3A_175] : memref<100000x128xf32, #tpu.memory_space<hbm>> -> memref<100000x128xf32, #tpu.memory_space<hbm>>
    tpu.wait_indirect_dma semaphore(%arg14 : memref<!tpu.dma_semaphore, #tpu.memory_space<semaphore_mem>>) src(%dma_wait3A_176 : memref<100000x128xf32, #tpu.memory_space<hbm>>) dst(%dma_wait3A_170 : memref<96x128xf32, #tpu.memory_space<vmem>>)
    %add3A_177 = arith.constant 31 : i32
    %add3A_178 = arith.addi %mul3A_2, %add3A_177 : i32
    %scan3A_179 = arith.constant 0 : i32
    %scan3A_180 = arith.constant 0 : i32
    %scan3A_181 = arith.constant 96 : i32
    %scan3A_182 = arith.addi %scan3A_180, %scan3A_181 : i32
    %scan3A_183 = arith.constant 1 : i32
    scf.for %scan3A_310 = %scan3A_180 to %scan3A_182 step %scan3A_183  : i32 {
      %get3A = arith.constant 3 : i32
      %get3A_311 = arith.index_cast %get3A : i32 to index
      %get3A_312 = arith.index_cast %scan3A_310 : i32 to index
      %get3A_313 = arith.constant 0 : index
      %get3A_314 = tpu.vector_load %arg9[%get3A_311, %get3A_312, %get3A_313] {strides = array<i32>} : memref<6x104x128xf32, #tpu.memory_space<vmem>>, vector<1x1x16xf32>,
      %get3A_315 = vector.shape_cast %get3A_314 : vector<1x1x16xf32> to vector<16xf32>
      %mul3A_316 = arith.constant 11.3137083 : f32
      %mul3A_317 = vector.broadcast %mul3A_316 : f32 to vector<16xf32>
      %mul3A_318 = arith.mulf %get3A_315, %mul3A_317 : vector<16xf32>
      %add3A_319 = arith.constant 104 : i32
      %add3A_320 = arith.addi %add3A_319, %scan3A_310 : i32
      %get3A_321 = arith.index_cast %add3A_320 : i32 to index
      %get3A_322 = arith.constant 0 : index
      %get3A_323 = tpu.vector_load %arg10[%get3A_321, %get3A_322] {strides = array<i32>} : memref<200x128xf32, #tpu.memory_space<vmem>>, vector<1x16xf32>,
      %get3A_324 = vector.shape_cast %get3A_323 : vector<1x16xf32> to vector<16xf32>
      %add3A_325 = arith.addf %mul3A_318, %get3A_324 : vector<16xf32>
      %swap3A = arith.constant 3 : i32
      %swap3A_326 = arith.index_cast %swap3A : i32 to index
      %swap3A_327 = arith.index_cast %scan3A_310 : i32 to index
      %swap3A_328 = arith.constant 0 : index
      %swap3A_329 = tpu.vector_load %arg9[%swap3A_326, %swap3A_327, %swap3A_328] {strides = array<i32>} : memref<6x104x128xf32, #tpu.memory_space<vmem>>, vector<1x1x16xf32>,
      %swap3A_330 = vector.shape_cast %swap3A_329 : vector<1x1x16xf32> to vector<16xf32>
      %swap3A_331 = vector.shape_cast %add3A_325 : vector<16xf32> to vector<1x1x16xf32>
      tpu.vector_store %arg9[%swap3A_326, %swap3A_327, %swap3A_328], %swap3A_331 {strides = array<i32>} : memref<6x104x128xf32, #tpu.memory_space<vmem>>, vector<1x1x16xf32>,
      %get3A_332 = arith.constant 3 : i32
      %get3A_333 = arith.index_cast %get3A_332 : i32 to index
      %get3A_334 = arith.index_cast %scan3A_310 : i32 to index
      %get3A_335 = arith.constant 16 : index
      %get3A_336 = tpu.vector_load %arg9[%get3A_333, %get3A_334, %get3A_335] {strides = array<i32>} : memref<6x104x128xf32, #tpu.memory_space<vmem>>, vector<1x1x16xf32>,
      %get3A_337 = vector.shape_cast %get3A_336 : vector<1x1x16xf32> to vector<16xf32>
      %mul3A_338 = arith.constant 11.3137083 : f32
      %mul3A_339 = vector.broadcast %mul3A_338 : f32 to vector<16xf32>
      %mul3A_340 = arith.mulf %get3A_337, %mul3A_339 : vector<16xf32>
      %add3A_341 = arith.constant 104 : i32
      %add3A_342 = arith.addi %add3A_341, %scan3A_310 : i32
      %get3A_343 = arith.index_cast %add3A_342 : i32 to index
      %get3A_344 = arith.constant 16 : index
      %get3A_345 = tpu.vector_load %arg10[%get3A_343, %get3A_344] {strides = array<i32>} : memref<200x128xf32, #tpu.memory_space<vmem>>, vector<1x16xf32>,
      %get3A_346 = vector.shape_cast %get3A_345 : vector<1x16xf32> to vector<16xf32>
      %add3A_347 = arith.addf %mul3A_340, %get3A_346 : vector<16xf32>
      %swap3A_348 = arith.constant 3 : i32
      %swap3A_349 = arith.index_cast %swap3A_348 : i32 to index
      %swap3A_350 = arith.index_cast %scan3A_310 : i32 to index
      %swap3A_351 = arith.constant 16 : index
      %swap3A_352 = tpu.vector_load %arg9[%swap3A_349, %swap3A_350, %swap3A_351] {strides = array<i32>} : memref<6x104x128xf32, #tpu.memory_space<vmem>>, vector<1x1x16xf32>,
      %swap3A_353 = vector.shape_cast %swap3A_352 : vector<1x1x16xf32> to vector<16xf32>
      %swap3A_354 = vector.shape_cast %add3A_347 : vector<16xf32> to vector<1x1x16xf32>
      tpu.vector_store %arg9[%swap3A_349, %swap3A_350, %swap3A_351], %swap3A_354 {strides = array<i32>} : memref<6x104x128xf32, #tpu.memory_space<vmem>>, vector<1x1x16xf32>,
      %get3A_355 = arith.constant 3 : i32
      %get3A_356 = arith.index_cast %get3A_355 : i32 to index
      %get3A_357 = arith.index_cast %scan3A_310 : i32 to index
      %get3A_358 = arith.constant 32 : index
      %get3A_359 = tpu.vector_load %arg9[%get3A_356, %get3A_357, %get3A_358] {strides = array<i32>} : memref<6x104x128xf32, #tpu.memory_space<vmem>>, vector<1x1x16xf32>,
      %get3A_360 = vector.shape_cast %get3A_359 : vector<1x1x16xf32> to vector<16xf32>
      %mul3A_361 = arith.constant 11.3137083 : f32
      %mul3A_362 = vector.broadcast %mul3A_361 : f32 to vector<16xf32>
      %mul3A_363 = arith.mulf %get3A_360, %mul3A_362 : vector<16xf32>
      %add3A_364 = arith.constant 104 : i32
      %add3A_365 = arith.addi %add3A_364, %scan3A_310 : i32
      %get3A_366 = arith.index_cast %add3A_365 : i32 to index
      %get3A_367 = arith.constant 32 : index
      %get3A_368 = tpu.vector_load %arg10[%get3A_366, %get3A_367] {strides = array<i32>} : memref<200x128xf32, #tpu.memory_space<vmem>>, vector<1x16xf32>,
      %get3A_369 = vector.shape_cast %get3A_368 : vector<1x16xf32> to vector<16xf32>
      %add3A_370 = arith.addf %mul3A_363, %get3A_369 : vector<16xf32>
      %swap3A_371 = arith.constant 3 : i32
      %swap3A_372 = arith.index_cast %swap3A_371 : i32 to index
      %swap3A_373 = arith.index_cast %scan3A_310 : i32 to index
      %swap3A_374 = arith.constant 32 : index
      %swap3A_375 = tpu.vector_load %arg9[%swap3A_372, %swap3A_373, %swap3A_374] {strides = array<i32>} : memref<6x104x128xf32, #tpu.memory_space<vmem>>, vector<1x1x16xf32>,
      %swap3A_376 = vector.shape_cast %swap3A_375 : vector<1x1x16xf32> to vector<16xf32>
      %swap3A_377 = vector.shape_cast %add3A_370 : vector<16xf32> to vector<1x1x16xf32>
      tpu.vector_store %arg9[%swap3A_372, %swap3A_373, %swap3A_374], %swap3A_377 {strides = array<i32>} : memref<6x104x128xf32, #tpu.memory_space<vmem>>, vector<1x1x16xf32>,
      %get3A_378 = arith.constant 3 : i32
      %get3A_379 = arith.index_cast %get3A_378 : i32 to index
      %get3A_380 = arith.index_cast %scan3A_310 : i32 to index
      %get3A_381 = arith.constant 48 : index
      %get3A_382 = tpu.vector_load %arg9[%get3A_379, %get3A_380, %get3A_381] {strides = array<i32>} : memref<6x104x128xf32, #tpu.memory_space<vmem>>, vector<1x1x16xf32>,
      %get3A_383 = vector.shape_cast %get3A_382 : vector<1x1x16xf32> to vector<16xf32>
      %mul3A_384 = arith.constant 11.3137083 : f32
      %mul3A_385 = vector.broadcast %mul3A_384 : f32 to vector<16xf32>
      %mul3A_386 = arith.mulf %get3A_383, %mul3A_385 : vector<16xf32>
      %add3A_387 = arith.constant 104 : i32
      %add3A_388 = arith.addi %add3A_387, %scan3A_310 : i32
      %get3A_389 = arith.index_cast %add3A_388 : i32 to index
      %get3A_390 = arith.constant 48 : index
      %get3A_391 = tpu.vector_load %arg10[%get3A_389, %get3A_390] {strides = array<i32>} : memref<200x128xf32, #tpu.memory_space<vmem>>, vector<1x16xf32>,
      %get3A_392 = vector.shape_cast %get3A_391 : vector<1x16xf32> to vector<16xf32>
      %add3A_393 = arith.addf %mul3A_386, %get3A_392 : vector<16xf32>
      %swap3A_394 = arith.constant 3 : i32
      %swap3A_395 = arith.index_cast %swap3A_394 : i32 to index
      %swap3A_396 = arith.index_cast %scan3A_310 : i32 to index
      %swap3A_397 = arith.constant 48 : index
      %swap3A_398 = tpu.vector_load %arg9[%swap3A_395, %swap3A_396, %swap3A_397] {strides = array<i32>} : memref<6x104x128xf32, #tpu.memory_space<vmem>>, vector<1x1x16xf32>,
      %swap3A_399 = vector.shape_cast %swap3A_398 : vector<1x1x16xf32> to vector<16xf32>
      %swap3A_400 = vector.shape_cast %add3A_393 : vector<16xf32> to vector<1x1x16xf32>
      tpu.vector_store %arg9[%swap3A_395, %swap3A_396, %swap3A_397], %swap3A_400 {strides = array<i32>} : memref<6x104x128xf32, #tpu.memory_space<vmem>>, vector<1x1x16xf32>,
      %get3A_401 = arith.constant 3 : i32
      %get3A_402 = arith.index_cast %get3A_401 : i32 to index
      %get3A_403 = arith.index_cast %scan3A_310 : i32 to index
      %get3A_404 = arith.constant 64 : index
      %get3A_405 = tpu.vector_load %arg9[%get3A_402, %get3A_403, %get3A_404] {strides = array<i32>} : memref<6x104x128xf32, #tpu.memory_space<vmem>>, vector<1x1x16xf32>,
      %get3A_406 = vector.shape_cast %get3A_405 : vector<1x1x16xf32> to vector<16xf32>
      %mul3A_407 = arith.constant 11.3137083 : f32
      %mul3A_408 = vector.broadcast %mul3A_407 : f32 to vector<16xf32>
      %mul3A_409 = arith.mulf %get3A_406, %mul3A_408 : vector<16xf32>
      %add3A_410 = arith.constant 104 : i32
      %add3A_411 = arith.addi %add3A_410, %scan3A_310 : i32
      %get3A_412 = arith.index_cast %add3A_411 : i32 to index
      %get3A_413 = arith.constant 64 : index
      %get3A_414 = tpu.vector_load %arg10[%get3A_412, %get3A_413] {strides = array<i32>} : memref<200x128xf32, #tpu.memory_space<vmem>>, vector<1x16xf32>,
      %get3A_415 = vector.shape_cast %get3A_414 : vector<1x16xf32> to vector<16xf32>
      %add3A_416 = arith.addf %mul3A_409, %get3A_415 : vector<16xf32>
      %swap3A_417 = arith.constant 3 : i32
      %swap3A_418 = arith.index_cast %swap3A_417 : i32 to index
      %swap3A_419 = arith.index_cast %scan3A_310 : i32 to index
      %swap3A_420 = arith.constant 64 : index
      %swap3A_421 = tpu.vector_load %arg9[%swap3A_418, %swap3A_419, %swap3A_420] {strides = array<i32>} : memref<6x104x128xf32, #tpu.memory_space<vmem>>, vector<1x1x16xf32>,
      %swap3A_422 = vector.shape_cast %swap3A_421 : vector<1x1x16xf32> to vector<16xf32>
      %swap3A_423 = vector.shape_cast %add3A_416 : vector<16xf32> to vector<1x1x16xf32>
      tpu.vector_store %arg9[%swap3A_418, %swap3A_419, %swap3A_420], %swap3A_423 {strides = array<i32>} : memref<6x104x128xf32, #tpu.memory_space<vmem>>, vector<1x1x16xf32>,
      %get3A_424 = arith.constant 3 : i32
      %get3A_425 = arith.index_cast %get3A_424 : i32 to index
      %get3A_426 = arith.index_cast %scan3A_310 : i32 to index
      %get3A_427 = arith.constant 80 : index
      %get3A_428 = tpu.vector_load %arg9[%get3A_425, %get3A_426, %get3A_427] {strides = array<i32>} : memref<6x104x128xf32, #tpu.memory_space<vmem>>, vector<1x1x16xf32>,
      %get3A_429 = vector.shape_cast %get3A_428 : vector<1x1x16xf32> to vector<16xf32>
      %mul3A_430 = arith.constant 11.3137083 : f32
      %mul3A_431 = vector.broadcast %mul3A_430 : f32 to vector<16xf32>
      %mul3A_432 = arith.mulf %get3A_429, %mul3A_431 : vector<16xf32>
      %add3A_433 = arith.constant 104 : i32
      %add3A_434 = arith.addi %add3A_433, %scan3A_310 : i32
      %get3A_435 = arith.index_cast %add3A_434 : i32 to index
      %get3A_436 = arith.constant 80 : index
      %get3A_437 = tpu.vector_load %arg10[%get3A_435, %get3A_436] {strides = array<i32>} : memref<200x128xf32, #tpu.memory_space<vmem>>, vector<1x16xf32>,
      %get3A_438 = vector.shape_cast %get3A_437 : vector<1x16xf32> to vector<16xf32>
      %add3A_439 = arith.addf %mul3A_432, %get3A_438 : vector<16xf32>
      %swap3A_440 = arith.constant 3 : i32
      %swap3A_441 = arith.index_cast %swap3A_440 : i32 to index
      %swap3A_442 = arith.index_cast %scan3A_310 : i32 to index
      %swap3A_443 = arith.constant 80 : index
      %swap3A_444 = tpu.vector_load %arg9[%swap3A_441, %swap3A_442, %swap3A_443] {strides = array<i32>} : memref<6x104x128xf32, #tpu.memory_space<vmem>>, vector<1x1x16xf32>,
      %swap3A_445 = vector.shape_cast %swap3A_444 : vector<1x1x16xf32> to vector<16xf32>
      %swap3A_446 = vector.shape_cast %add3A_439 : vector<16xf32> to vector<1x1x16xf32>
      tpu.vector_store %arg9[%swap3A_441, %swap3A_442, %swap3A_443], %swap3A_446 {strides = array<i32>} : memref<6x104x128xf32, #tpu.memory_space<vmem>>, vector<1x1x16xf32>,
      %get3A_447 = arith.constant 3 : i32
      %get3A_448 = arith.index_cast %get3A_447 : i32 to index
      %get3A_449 = arith.index_cast %scan3A_310 : i32 to index
      %get3A_450 = arith.constant 96 : index
      %get3A_451 = tpu.vector_load %arg9[%get3A_448, %get3A_449, %get3A_450] {strides = array<i32>} : memref<6x104x128xf32, #tpu.memory_space<vmem>>, vector<1x1x16xf32>,
      %get3A_452 = vector.shape_cast %get3A_451 : vector<1x1x16xf32> to vector<16xf32>
      %mul3A_453 = arith.constant 11.3137083 : f32
      %mul3A_454 = vector.broadcast %mul3A_453 : f32 to vector<16xf32>
      %mul3A_455 = arith.mulf %get3A_452, %mul3A_454 : vector<16xf32>
      %add3A_456 = arith.constant 104 : i32
      %add3A_457 = arith.addi %add3A_456, %scan3A_310 : i32
      %get3A_458 = arith.index_cast %add3A_457 : i32 to index
      %get3A_459 = arith.constant 96 : index
      %get3A_460 = tpu.vector_load %arg10[%get3A_458, %get3A_459] {strides = array<i32>} : memref<200x128xf32, #tpu.memory_space<vmem>>, vector<1x16xf32>,
      %get3A_461 = vector.shape_cast %get3A_460 : vector<1x16xf32> to vector<16xf32>
      %add3A_462 = arith.addf %mul3A_455, %get3A_461 : vector<16xf32>
      %swap3A_463 = arith.constant 3 : i32
      %swap3A_464 = arith.index_cast %swap3A_463 : i32 to index
      %swap3A_465 = arith.index_cast %scan3A_310 : i32 to index
      %swap3A_466 = arith.constant 96 : index
      %swap3A_467 = tpu.vector_load %arg9[%swap3A_464, %swap3A_465, %swap3A_466] {strides = array<i32>} : memref<6x104x128xf32, #tpu.memory_space<vmem>>, vector<1x1x16xf32>,
      %swap3A_468 = vector.shape_cast %swap3A_467 : vector<1x1x16xf32> to vector<16xf32>
      %swap3A_469 = vector.shape_cast %add3A_462 : vector<16xf32> to vector<1x1x16xf32>
      tpu.vector_store %arg9[%swap3A_464, %swap3A_465, %swap3A_466], %swap3A_469 {strides = array<i32>} : memref<6x104x128xf32, #tpu.memory_space<vmem>>, vector<1x1x16xf32>,
      %get3A_470 = arith.constant 3 : i32
      %get3A_471 = arith.index_cast %get3A_470 : i32 to index
      %get3A_472 = arith.index_cast %scan3A_310 : i32 to index
      %get3A_473 = arith.constant 112 : index
      %get3A_474 = tpu.vector_load %arg9[%get3A_471, %get3A_472, %get3A_473] {strides = array<i32>} : memref<6x104x128xf32, #tpu.memory_space<vmem>>, vector<1x1x16xf32>,
      %get3A_475 = vector.shape_cast %get3A_474 : vector<1x1x16xf32> to vector<16xf32>
      %mul3A_476 = arith.constant 11.3137083 : f32
      %mul3A_477 = vector.broadcast %mul3A_476 : f32 to vector<16xf32>
      %mul3A_478 = arith.mulf %get3A_475, %mul3A_477 : vector<16xf32>
      %add3A_479 = arith.constant 104 : i32
      %add3A_480 = arith.addi %add3A_479, %scan3A_310 : i32
      %get3A_481 = arith.index_cast %add3A_480 : i32 to index
      %get3A_482 = arith.constant 112 : index
      %get3A_483 = tpu.vector_load %arg10[%get3A_481, %get3A_482] {strides = array<i32>} : memref<200x128xf32, #tpu.memory_space<vmem>>, vector<1x16xf32>,
      %get3A_484 = vector.shape_cast %get3A_483 : vector<1x16xf32> to vector<16xf32>
      %add3A_485 = arith.addf %mul3A_478, %get3A_484 : vector<16xf32>
      %swap3A_486 = arith.constant 3 : i32
      %swap3A_487 = arith.index_cast %swap3A_486 : i32 to index
      %swap3A_488 = arith.index_cast %scan3A_310 : i32 to index
      %swap3A_489 = arith.constant 112 : index
      %swap3A_490 = tpu.vector_load %arg9[%swap3A_487, %swap3A_488, %swap3A_489] {strides = array<i32>} : memref<6x104x128xf32, #tpu.memory_space<vmem>>, vector<1x1x16xf32>,
      %swap3A_491 = vector.shape_cast %swap3A_490 : vector<1x1x16xf32> to vector<16xf32>
      %swap3A_492 = vector.shape_cast %add3A_485 : vector<16xf32> to vector<1x1x16xf32>
      tpu.vector_store %arg9[%swap3A_487, %swap3A_488, %swap3A_489], %swap3A_492 {strides = array<i32>} : memref<6x104x128xf32, #tpu.memory_space<vmem>>, vector<1x1x16xf32>,
    }
    %scan3A_184 = arith.constant 96 : i32
    %dma_start3A_185 = arith.constant 3 : i32
    %dma_start3A_186 = arith.constant 0 : i32
    %dma_start3A_187 = arith.constant 0 : i32
    %dma_start3A_188 = tpu.memref_slice %arg9[%dma_start3A_185, %dma_start3A_186, %dma_start3A_187] : memref<6x104x128xf32, #tpu.memory_space<vmem>> -> memref<1x96x128xf32, #tpu.memory_space<vmem>>
    %dma_start3A_189 = tpu.memref_squeeze %dma_start3A_188 : memref<1x96x128xf32, #tpu.memory_space<vmem>> -> memref<96x128xf32, #tpu.memory_space<vmem>>
    %dma_start3A_190 = arith.constant 104 : i32
    %dma_start3A_191 = arith.constant 0 : i32
    %dma_start3A_192 = tpu.memref_slice %arg6[%add3A_178, %dma_start3A_190, %dma_start3A_191] : memref<1024x200x128xf32, #tpu.memory_space<hbm>> -> memref<1x96x128xf32, #tpu.memory_space<hbm>>
    %dma_start3A_193 = tpu.memref_squeeze %dma_start3A_192 : memref<1x96x128xf32, #tpu.memory_space<hbm>> -> memref<96x128xf32, #tpu.memory_space<hbm>>
    %dma_start3A_194 = arith.constant 104 : i32
    %dma_start3A_195 = arith.constant 0 : i32
    %dma_start3A_196 = tpu.memref_slice %arg6[%add3A_178, %dma_start3A_194, %dma_start3A_195] : memref<1024x200x128xf32, #tpu.memory_space<hbm>> -> memref<1x96x128xf32, #tpu.memory_space<hbm>>
    %dma_start3A_197 = tpu.memref_squeeze %dma_start3A_196 : memref<1x96x128xf32, #tpu.memory_space<hbm>> -> memref<96x128xf32, #tpu.memory_space<hbm>>
    %dma_start3A_198 = arith.constant 0 : i32
    %dma_start3A_199 = arith.constant 0 : i32
    %dma_start3A_200 = tpu.memref_slice %arg9[%dma_start3A_185, %dma_start3A_198, %dma_start3A_199] : memref<6x104x128xf32, #tpu.memory_space<vmem>> -> memref<1x96x128xf32, #tpu.memory_space<vmem>>
    %dma_start3A_201 = tpu.memref_squeeze %dma_start3A_200 : memref<1x96x128xf32, #tpu.memory_space<vmem>> -> memref<96x128xf32, #tpu.memory_space<vmem>>
    tpu.enqueue_dma source(%dma_start3A_201 : memref<96x128xf32, #tpu.memory_space<vmem>>) target(%dma_start3A_197 : memref<96x128xf32, #tpu.memory_space<hbm>>) target_semaphore(%arg20 : memref<!tpu.dma_semaphore, #tpu.memory_space<semaphore_mem>>)
    %dma_wait3A_202 = arith.constant 4 : i32
    %dma_wait3A_203 = arith.constant 0 : i32
    %dma_wait3A_204 = arith.constant 0 : i32
    %dma_wait3A_205 = arith.constant 0 : i32
    %dma_wait3A_206 = tpu.memref_slice %arg9[%dma_wait3A_202, %dma_wait3A_204, %dma_wait3A_205] : memref<6x104x128xf32, #tpu.memory_space<vmem>> -> memref<1x104x128xf32, #tpu.memory_space<vmem>>
    %dma_wait3A_207 = tpu.memref_squeeze %dma_wait3A_206 : memref<1x104x128xf32, #tpu.memory_space<vmem>> -> memref<104x128xf32, #tpu.memory_space<vmem>>
    %dma_wait3A_208 = arith.constant 0 : i32
    %dma_wait3A_209 = arith.constant 0 : i32
    %dma_wait3A_210 = tpu.memref_slice %arg6[%dma_wait3A_203, %dma_wait3A_208, %dma_wait3A_209] : memref<1024x200x128xf32, #tpu.memory_space<hbm>> -> memref<1x104x128xf32, #tpu.memory_space<hbm>>
    %dma_wait3A_211 = tpu.memref_squeeze %dma_wait3A_210 : memref<1x104x128xf32, #tpu.memory_space<hbm>> -> memref<104x128xf32, #tpu.memory_space<hbm>>
    %dma_wait3A_212 = arith.constant 0 : i32
    %dma_wait3A_213 = arith.constant 0 : i32
    %dma_wait3A_214 = tpu.memref_slice %arg6[%dma_wait3A_203, %dma_wait3A_212, %dma_wait3A_213] : memref<1024x200x128xf32, #tpu.memory_space<hbm>> -> memref<1x104x128xf32, #tpu.memory_space<hbm>>
    %dma_wait3A_215 = tpu.memref_squeeze %dma_wait3A_214 : memref<1x104x128xf32, #tpu.memory_space<hbm>> -> memref<104x128xf32, #tpu.memory_space<hbm>>
    %dma_wait3A_216 = arith.constant 0 : i32
    %dma_wait3A_217 = arith.constant 0 : i32
    %dma_wait3A_218 = tpu.memref_slice %arg9[%dma_wait3A_202, %dma_wait3A_216, %dma_wait3A_217] : memref<6x104x128xf32, #tpu.memory_space<vmem>> -> memref<1x104x128xf32, #tpu.memory_space<vmem>>
    %dma_wait3A_219 = tpu.memref_squeeze %dma_wait3A_218 : memref<1x104x128xf32, #tpu.memory_space<vmem>> -> memref<104x128xf32, #tpu.memory_space<vmem>>
    tpu.wait_dma2 semaphore(%arg21 : memref<!tpu.dma_semaphore, #tpu.memory_space<semaphore_mem>>) src(%dma_wait3A_219 : memref<104x128xf32, #tpu.memory_space<vmem>>) dst(%dma_wait3A_215 : memref<104x128xf32, #tpu.memory_space<hbm>>)
    %dma_wait3A_220 = arith.constant 5 : i32
    %dma_wait3A_221 = arith.constant 0 : i32
    %dma_wait3A_222 = arith.constant 0 : i32
    %dma_wait3A_223 = arith.constant 0 : i32
    %dma_wait3A_224 = tpu.memref_slice %arg9[%dma_wait3A_220, %dma_wait3A_222, %dma_wait3A_223] : memref<6x104x128xf32, #tpu.memory_space<vmem>> -> memref<1x96x128xf32, #tpu.memory_space<vmem>>
    %dma_wait3A_225 = tpu.memref_squeeze %dma_wait3A_224 : memref<1x96x128xf32, #tpu.memory_space<vmem>> -> memref<96x128xf32, #tpu.memory_space<vmem>>
    %dma_wait3A_226 = arith.constant 104 : i32
    %dma_wait3A_227 = arith.constant 0 : i32
    %dma_wait3A_228 = tpu.memref_slice %arg6[%dma_wait3A_221, %dma_wait3A_226, %dma_wait3A_227] : memref<1024x200x128xf32, #tpu.memory_space<hbm>> -> memref<1x96x128xf32, #tpu.memory_space<hbm>>
    %dma_wait3A_229 = tpu.memref_squeeze %dma_wait3A_228 : memref<1x96x128xf32, #tpu.memory_space<hbm>> -> memref<96x128xf32, #tpu.memory_space<hbm>>
    %dma_wait3A_230 = arith.constant 104 : i32
    %dma_wait3A_231 = arith.constant 0 : i32
    %dma_wait3A_232 = tpu.memref_slice %arg6[%dma_wait3A_221, %dma_wait3A_230, %dma_wait3A_231] : memref<1024x200x128xf32, #tpu.memory_space<hbm>> -> memref<1x96x128xf32, #tpu.memory_space<hbm>>
    %dma_wait3A_233 = tpu.memref_squeeze %dma_wait3A_232 : memref<1x96x128xf32, #tpu.memory_space<hbm>> -> memref<96x128xf32, #tpu.memory_space<hbm>>
    %dma_wait3A_234 = arith.constant 0 : i32
    %dma_wait3A_235 = arith.constant 0 : i32
    %dma_wait3A_236 = tpu.memref_slice %arg9[%dma_wait3A_220, %dma_wait3A_234, %dma_wait3A_235] : memref<6x104x128xf32, #tpu.memory_space<vmem>> -> memref<1x96x128xf32, #tpu.memory_space<vmem>>
    %dma_wait3A_237 = tpu.memref_squeeze %dma_wait3A_236 : memref<1x96x128xf32, #tpu.memory_space<vmem>> -> memref<96x128xf32, #tpu.memory_space<vmem>>
    tpu.wait_dma2 semaphore(%arg22 : memref<!tpu.dma_semaphore, #tpu.memory_space<semaphore_mem>>) src(%dma_wait3A_237 : memref<96x128xf32, #tpu.memory_space<vmem>>) dst(%dma_wait3A_233 : memref<96x128xf32, #tpu.memory_space<hbm>>)
    %dma_wait3A_238 = arith.constant 0 : i32
    %dma_wait3A_239 = arith.constant 0 : i32
    %dma_wait3A_240 = arith.constant 0 : i32
    %dma_wait3A_241 = arith.constant 0 : i32
    %dma_wait3A_242 = tpu.memref_slice %arg9[%dma_wait3A_238, %dma_wait3A_240, %dma_wait3A_241] : memref<6x104x128xf32, #tpu.memory_space<vmem>> -> memref<1x104x128xf32, #tpu.memory_space<vmem>>
    %dma_wait3A_243 = tpu.memref_squeeze %dma_wait3A_242 : memref<1x104x128xf32, #tpu.memory_space<vmem>> -> memref<104x128xf32, #tpu.memory_space<vmem>>
    %dma_wait3A_244 = arith.constant 0 : i32
    %dma_wait3A_245 = arith.constant 0 : i32
    %dma_wait3A_246 = tpu.memref_slice %arg6[%dma_wait3A_239, %dma_wait3A_244, %dma_wait3A_245] : memref<1024x200x128xf32, #tpu.memory_space<hbm>> -> memref<1x104x128xf32, #tpu.memory_space<hbm>>
    %dma_wait3A_247 = tpu.memref_squeeze %dma_wait3A_246 : memref<1x104x128xf32, #tpu.memory_space<hbm>> -> memref<104x128xf32, #tpu.memory_space<hbm>>
    %dma_wait3A_248 = arith.constant 0 : i32
    %dma_wait3A_249 = arith.constant 0 : i32
    %dma_wait3A_250 = tpu.memref_slice %arg6[%dma_wait3A_239, %dma_wait3A_248, %dma_wait3A_249] : memref<1024x200x128xf32, #tpu.memory_space<hbm>> -> memref<1x104x128xf32, #tpu.memory_space<hbm>>
    %dma_wait3A_251 = tpu.memref_squeeze %dma_wait3A_250 : memref<1x104x128xf32, #tpu.memory_space<hbm>> -> memref<104x128xf32, #tpu.memory_space<hbm>>
    %dma_wait3A_252 = arith.constant 0 : i32
    %dma_wait3A_253 = arith.constant 0 : i32
    %dma_wait3A_254 = tpu.memref_slice %arg9[%dma_wait3A_238, %dma_wait3A_252, %dma_wait3A_253] : memref<6x104x128xf32, #tpu.memory_space<vmem>> -> memref<1x104x128xf32, #tpu.memory_space<vmem>>
    %dma_wait3A_255 = tpu.memref_squeeze %dma_wait3A_254 : memref<1x104x128xf32, #tpu.memory_space<vmem>> -> memref<104x128xf32, #tpu.memory_space<vmem>>
    tpu.wait_dma2 semaphore(%arg17 : memref<!tpu.dma_semaphore, #tpu.memory_space<semaphore_mem>>) src(%dma_wait3A_255 : memref<104x128xf32, #tpu.memory_space<vmem>>) dst(%dma_wait3A_251 : memref<104x128xf32, #tpu.memory_space<hbm>>)
    %dma_wait3A_256 = arith.constant 1 : i32
    %dma_wait3A_257 = arith.constant 0 : i32
    %dma_wait3A_258 = arith.constant 0 : i32
    %dma_wait3A_259 = arith.constant 0 : i32
    %dma_wait3A_260 = tpu.memref_slice %arg9[%dma_wait3A_256, %dma_wait3A_258, %dma_wait3A_259] : memref<6x104x128xf32, #tpu.memory_space<vmem>> -> memref<1x96x128xf32, #tpu.memory_space<vmem>>
    %dma_wait3A_261 = tpu.memref_squeeze %dma_wait3A_260 : memref<1x96x128xf32, #tpu.memory_space<vmem>> -> memref<96x128xf32, #tpu.memory_space<vmem>>
    %dma_wait3A_262 = arith.constant 104 : i32
    %dma_wait3A_263 = arith.constant 0 : i32
    %dma_wait3A_264 = tpu.memref_slice %arg6[%dma_wait3A_257, %dma_wait3A_262, %dma_wait3A_263] : memref<1024x200x128xf32, #tpu.memory_space<hbm>> -> memref<1x96x128xf32, #tpu.memory_space<hbm>>
    %dma_wait3A_265 = tpu.memref_squeeze %dma_wait3A_264 : memref<1x96x128xf32, #tpu.memory_space<hbm>> -> memref<96x128xf32, #tpu.memory_space<hbm>>
    %dma_wait3A_266 = arith.constant 104 : i32
    %dma_wait3A_267 = arith.constant 0 : i32
    %dma_wait3A_268 = tpu.memref_slice %arg6[%dma_wait3A_257, %dma_wait3A_266, %dma_wait3A_267] : memref<1024x200x128xf32, #tpu.memory_space<hbm>> -> memref<1x96x128xf32, #tpu.memory_space<hbm>>
    %dma_wait3A_269 = tpu.memref_squeeze %dma_wait3A_268 : memref<1x96x128xf32, #tpu.memory_space<hbm>> -> memref<96x128xf32, #tpu.memory_space<hbm>>
    %dma_wait3A_270 = arith.constant 0 : i32
    %dma_wait3A_271 = arith.constant 0 : i32
    %dma_wait3A_272 = tpu.memref_slice %arg9[%dma_wait3A_256, %dma_wait3A_270, %dma_wait3A_271] : memref<6x104x128xf32, #tpu.memory_space<vmem>> -> memref<1x96x128xf32, #tpu.memory_space<vmem>>
    %dma_wait3A_273 = tpu.memref_squeeze %dma_wait3A_272 : memref<1x96x128xf32, #tpu.memory_space<vmem>> -> memref<96x128xf32, #tpu.memory_space<vmem>>
    tpu.wait_dma2 semaphore(%arg18 : memref<!tpu.dma_semaphore, #tpu.memory_space<semaphore_mem>>) src(%dma_wait3A_273 : memref<96x128xf32, #tpu.memory_space<vmem>>) dst(%dma_wait3A_269 : memref<96x128xf32, #tpu.memory_space<hbm>>)
    %dma_wait3A_274 = arith.constant 2 : i32
    %dma_wait3A_275 = arith.constant 0 : i32
    %dma_wait3A_276 = arith.constant 0 : i32
    %dma_wait3A_277 = arith.constant 0 : i32
    %dma_wait3A_278 = tpu.memref_slice %arg9[%dma_wait3A_274, %dma_wait3A_276, %dma_wait3A_277] : memref<6x104x128xf32, #tpu.memory_space<vmem>> -> memref<1x104x128xf32, #tpu.memory_space<vmem>>
    %dma_wait3A_279 = tpu.memref_squeeze %dma_wait3A_278 : memref<1x104x128xf32, #tpu.memory_space<vmem>> -> memref<104x128xf32, #tpu.memory_space<vmem>>
    %dma_wait3A_280 = arith.constant 0 : i32
    %dma_wait3A_281 = arith.constant 0 : i32
    %dma_wait3A_282 = tpu.memref_slice %arg6[%dma_wait3A_275, %dma_wait3A_280, %dma_wait3A_281] : memref<1024x200x128xf32, #tpu.memory_space<hbm>> -> memref<1x104x128xf32, #tpu.memory_space<hbm>>
    %dma_wait3A_283 = tpu.memref_squeeze %dma_wait3A_282 : memref<1x104x128xf32, #tpu.memory_space<hbm>> -> memref<104x128xf32, #tpu.memory_space<hbm>>
    %dma_wait3A_284 = arith.constant 0 : i32
    %dma_wait3A_285 = arith.constant 0 : i32
    %dma_wait3A_286 = tpu.memref_slice %arg6[%dma_wait3A_275, %dma_wait3A_284, %dma_wait3A_285] : memref<1024x200x128xf32, #tpu.memory_space<hbm>> -> memref<1x104x128xf32, #tpu.memory_space<hbm>>
    %dma_wait3A_287 = tpu.memref_squeeze %dma_wait3A_286 : memref<1x104x128xf32, #tpu.memory_space<hbm>> -> memref<104x128xf32, #tpu.memory_space<hbm>>
    %dma_wait3A_288 = arith.constant 0 : i32
    %dma_wait3A_289 = arith.constant 0 : i32
    %dma_wait3A_290 = tpu.memref_slice %arg9[%dma_wait3A_274, %dma_wait3A_288, %dma_wait3A_289] : memref<6x104x128xf32, #tpu.memory_space<vmem>> -> memref<1x104x128xf32, #tpu.memory_space<vmem>>
    %dma_wait3A_291 = tpu.memref_squeeze %dma_wait3A_290 : memref<1x104x128xf32, #tpu.memory_space<vmem>> -> memref<104x128xf32, #tpu.memory_space<vmem>>
    tpu.wait_dma2 semaphore(%arg19 : memref<!tpu.dma_semaphore, #tpu.memory_space<semaphore_mem>>) src(%dma_wait3A_291 : memref<104x128xf32, #tpu.memory_space<vmem>>) dst(%dma_wait3A_287 : memref<104x128xf32, #tpu.memory_space<hbm>>)
    %dma_wait3A_292 = arith.constant 3 : i32
    %dma_wait3A_293 = arith.constant 0 : i32
    %dma_wait3A_294 = arith.constant 0 : i32
    %dma_wait3A_295 = arith.constant 0 : i32
    %dma_wait3A_296 = tpu.memref_slice %arg9[%dma_wait3A_292, %dma_wait3A_294, %dma_wait3A_295] : memref<6x104x128xf32, #tpu.memory_space<vmem>> -> memref<1x96x128xf32, #tpu.memory_space<vmem>>
    %dma_wait3A_297 = tpu.memref_squeeze %dma_wait3A_296 : memref<1x96x128xf32, #tpu.memory_space<vmem>> -> memref<96x128xf32, #tpu.memory_space<vmem>>
    %dma_wait3A_298 = arith.constant 104 : i32
    %dma_wait3A_299 = arith.constant 0 : i32
    %dma_wait3A_300 = tpu.memref_slice %arg6[%dma_wait3A_293, %dma_wait3A_298, %dma_wait3A_299] : memref<1024x200x128xf32, #tpu.memory_space<hbm>> -> memref<1x96x128xf32, #tpu.memory_space<hbm>>
    %dma_wait3A_301 = tpu.memref_squeeze %dma_wait3A_300 : memref<1x96x128xf32, #tpu.memory_space<hbm>> -> memref<96x128xf32, #tpu.memory_space<hbm>>
    %dma_wait3A_302 = arith.constant 104 : i32
    %dma_wait3A_303 = arith.constant 0 : i32
    %dma_wait3A_304 = tpu.memref_slice %arg6[%dma_wait3A_293, %dma_wait3A_302, %dma_wait3A_303] : memref<1024x200x128xf32, #tpu.memory_space<hbm>> -> memref<1x96x128xf32, #tpu.memory_space<hbm>>
    %dma_wait3A_305 = tpu.memref_squeeze %dma_wait3A_304 : memref<1x96x128xf32, #tpu.memory_space<hbm>> -> memref<96x128xf32, #tpu.memory_space<hbm>>
    %dma_wait3A_306 = arith.constant 0 : i32
    %dma_wait3A_307 = arith.constant 0 : i32
    %dma_wait3A_308 = tpu.memref_slice %arg9[%dma_wait3A_292, %dma_wait3A_306, %dma_wait3A_307] : memref<6x104x128xf32, #tpu.memory_space<vmem>> -> memref<1x96x128xf32, #tpu.memory_space<vmem>>
    %dma_wait3A_309 = tpu.memref_squeeze %dma_wait3A_308 : memref<1x96x128xf32, #tpu.memory_space<vmem>> -> memref<96x128xf32, #tpu.memory_space<vmem>>
    tpu.wait_dma2 semaphore(%arg20 : memref<!tpu.dma_semaphore, #tpu.memory_space<semaphore_mem>>) src(%dma_wait3A_309 : memref<96x128xf32, #tpu.memory_space<vmem>>) dst(%dma_wait3A_305 : memref<96x128xf32, #tpu.memory_space<hbm>>)
    return
  }
}

</mosaic_0001>

<sc_bundles>
// kernel: kernel.3.cloned.1.call-start
scs
__scs_entry_jumppad:
0x0: {  	(pc) =	sbr.rel $0x88, $3  }
0x1: {  	(tag) =	ssettag $0x0;
	lr =	simm.s32 $0x1  }
0x2: {  	[smem:$0x3F9E] =	sst lr;
	_ =	strace $0xD0000000  }
0x3: {  	_ = 	snop  }
0x4: {  	_ = 	snop  }
0x5: {  	_ = 	snop  }
0x6: {  	_ = 	snop  }
0x7: {  	_ = 	snop  }
__scs_overlays_trampoline_lowered:
0x8: {  	[smem:$0x3FAD] =	sst s0  }
0x9: {  	[smem:$0x3FAE] =	sst s1  }
0xa: {  	[smem:$0x3FAF] =	sst s2  }
0xb: {  	[smem:$0x3FB0] =	sst s3  }
0xc: {  	[smem:$0x3FB1] =	sst s4  }
0xd: {  	[smem:$0x3FB2] =	sst s5  }
0xe: {  	[smem:$0x3FB3] =	sst s6  }
0xf: {  	[smem:$0x3FB4] =	sst s7  }
0x10: {  	[smem:$0x3FB5] =	sst s8  }
0x11: {  	[smem:$0x3FB6] =	sst s9;
	s0 =	simm.s32 @!p0 $0x0  }
0x12: {  	s1 =	sld [smem:$0x3F9C];
	s0 =	simm.s32 @p0 $0x1  }
0x13: {  	[smem:$0x3FB7] =	sst s0;
	s0 =	simm.s32 @!p1 $0x0  }
0x14: {  	s2 =	sld [smem:$0x3F9B];
	s0 =	simm.s32 @p1 $0x1  }
0x15: {  	[smem:$0x3FB8] =	sst s0;
	s0 =	simm.s32 @!p2 $0x0  }
0x16: {  	s3 =	sld [smem:$0x3FDB];
	s0 =	simm.s32 @p2 $0x1  }
0x17: {  	s4 =	simm.s32 $0x1BF5;
	[smem:$0x3FBA] =	sst s0  }
0x18: {  	s0 =	sld [smem:$0x3F9D];
	_ =	swait.ge [sflag:s4], $0x0  }
0x19: {  	s7 =	sld [smem:$0x3F9E]  }
0x1a: {  	s8 =	sadd.s32 $0xFFFFE003, lr  }
0x1b: {  	s9 =	sadd.s32 $0xFFFFFEF7, lr;
	s5 =	simm.s32 $0xFFFFFFFF;
	p2 =	slt.u32 s8, $0xFFFFF086  }
0x1c: {  	p1 =	slt.u32 s9, $0xF7A;
	s5 =	simm.s32 @!p2 $0x0  }
0x1d: {  	s5 =	simm.s32 @p1 $0x1;
	p0 =	seq.s32 s7, s2  }
0x1e: {  	s7 =	smul.u32 @!p0 $0xF7A, s2;
	p2 =	seq.s32 @!p0 s5, $0x0  }
0x1f: {  	s9 =	smul.u32 $0xF7A, s1;
	s8 =	simm.s32 @!p0 $0x1BF5;
	p2 =	por !p2, p0  }
0x20: {  	[sflag:s8] =	ssyncset.s32 @!p0 $0xFFFFF086;
	s6 =	sadd.s32 @!p0 s3, s7;
	s7 =	simm.s32 @!p0 $0x108  }
0x21: {  	s3 =	sadd.s32 s3, s9;
	s6 =	sadd.s32 @!p0 $0x88, s6;
	s7 =	simm.s32 @p2 $0x1082  }
0x22: {  	[simem:s7], [sflag:s8] =	dma.local @!p0 [hbm:s6], $0xF7A  }
0x23: {  	s9 =	sor.u32 $0xD0000000, s2;
	s6 =	simm.s32 $0x108;
	_ =	swait.ge @!p0 [sflag:s8], $0x0  }
0x24: {  	s3 =	sadd.s32 $0x88, s3;
	s6 =	simm.s32 @!p1 $0x1082;
	[sflag:s4] =	ssyncset.s32 $0xFFFFF086  }
0x25: {  	[simem:s6], [sflag:s4] =	dma.local [hbm:s3], $0xF7A  }
0x26: {  	[smem:$0x3F9E] =	sst s1;
	(tag) =	ssettag s2;
	_ =	strace s9  }
0x27: {  	s1 =	sld [smem:$0x3FAE]  }
0x28: {  	s2 =	sld [smem:$0x3FAF]  }
0x29: {  	s4 =	sld [smem:$0x3FB1]  }
0x2a: {  	p0 =	seq.s32 s5, $0x0;
	s5 =	sld [smem:$0x3FB2]  }
0x2b: {  	s6 =	sld [smem:$0x3FB3]  }
0x2c: {  	s7 =	sld [smem:$0x3FB4]  }
0x2d: {  	s3 =	simm.s32 $0x108;
	s8 =	sld [smem:$0x3FB5]  }
0x2e: {  	s3 =	simm.s32 @!p0 $0x1082;
	s9 =	sld [smem:$0x3FB6]  }
0x2f: {  	lr =	sadd.s32 s0, s3;
	s0 =	sld [smem:$0x3FAD]  }
0x30: {  	s3 =	sld [smem:$0x3FB0]  }
0x31: {  	[smem:$0x3FB9] =	sst s10  }
0x32: {  	s10 =	sld [smem:$0x3FB7];
	_ =	sdelay $0x3  }
0x33: {  	p0 =	seq.s32 s10, $0x1;
	s10 =	sld [smem:$0x3FB9];
	_ =	sdelay $0x3  }
0x34: {  	[smem:$0x3FB9] =	sst s10  }
0x35: {  	s10 =	sld [smem:$0x3FB8];
	_ =	sdelay $0x3  }
0x36: {  	p1 =	seq.s32 s10, $0x1;
	s10 =	sld [smem:$0x3FB9];
	_ =	sdelay $0x3  }
0x37: {  	[smem:$0x3FB9] =	sst s10  }
0x38: {  	s10 =	sld [smem:$0x3FBA]  }
0x39: {  	_ = 	snop;
	(pc) =	sbr.ind lr, $3  }
0x3a: {  	_ = 	snop  }
0x3b: {  	_ = 	snop  }
0x3c: {  	p2 =	seq.s32 s10, $0x1;
	s10 =	sld [smem:$0x3FB9]  }
0x3d: {  	_ =	shalt  }
0x3e: {  	_ =	shalt  }
0x3f: {  	_ =	shalt  }
0x40: {  	_ =	shalt  }
0x41: {  	_ =	shalt  }
0x42: {  	_ =	shalt  }
0x43: {  	_ =	shalt  }
0x44: {  	_ =	shalt  }
0x45: {  	_ =	shalt  }
0x46: {  	_ =	shalt  }
0x47: {  	_ =	shalt  }
0x48: {  	_ =	shalt  }
0x49: {  	_ =	shalt  }
0x4a: {  	_ =	shalt  }
0x4b: {  	_ =	shalt  }
0x4c: {  	_ =	shalt  }
0x4d: {  	_ =	shalt  }
0x4e: {  	_ =	shalt  }
0x4f: {  	_ =	shalt  }
0x50: {  	_ =	shalt  }
0x51: {  	_ =	shalt  }
0x52: {  	_ =	shalt  }
0x53: {  	_ =	shalt  }
0x54: {  	_ =	shalt  }
0x55: {  	_ =	shalt  }
0x56: {  	_ =	shalt  }
0x57: {  	_ =	shalt  }
0x58: {  	_ =	shalt  }
0x59: {  	_ =	shalt  }
0x5a: {  	_ =	shalt  }
0x5b: {  	_ =	shalt  }
0x5c: {  	_ =	shalt  }
0x5d: {  	_ =	shalt  }
0x5e: {  	_ =	shalt  }
0x5f: {  	_ =	shalt  }
0x60: {  	_ =	shalt  }
0x61: {  	_ =	shalt  }
0x62: {  	_ =	shalt  }
0x63: {  	_ =	shalt  }
0x64: {  	_ =	shalt  }
0x65: {  	_ =	shalt  }
0x66: {  	_ =	shalt  }
0x67: {  	_ =	shalt  }
0x68: {  	_ =	shalt  }
0x69: {  	_ =	shalt  }
0x6a: {  	_ =	shalt  }
0x6b: {  	_ =	shalt  }
0x6c: {  	_ =	shalt  }
0x6d: {  	_ =	shalt  }
0x6e: {  	_ =	shalt  }
0x6f: {  	_ =	shalt  }
0x70: {  	_ =	shalt  }
0x71: {  	_ =	shalt  }
0x72: {  	_ =	shalt  }
0x73: {  	_ =	shalt  }
0x74: {  	_ =	shalt  }
0x75: {  	_ =	shalt  }
0x76: {  	_ =	shalt  }
0x77: {  	_ =	shalt  }
0x78: {  	_ =	shalt  }
0x79: {  	_ =	shalt  }
0x7a: {  	_ =	shalt  }
0x7b: {  	_ =	shalt  }
0x7c: {  	_ =	shalt  }
0x7d: {  	_ =	shalt  }
0x7e: {  	_ =	shalt  }
0x7f: {  	_ =	shalt  }
0x80: {  	_ =	shalt  }
0x81: {  	_ =	shalt  }
0x82: {  	_ =	shalt  }
0x83: {  	_ =	shalt  }
0x84: {  	_ =	shalt  }
0x85: {  	_ =	shalt  }
0x86: {  	_ =	shalt  }
0x87: {  	_ =	shalt  }
.Lfunc_end0:
.L_simem_size_0:
called_computation_lowered:
.L_overlay_start_0:
0x88: {  	s2 =	sld [smem:$0x3FD9]  }
0x89: {  	s3 =	sld [smem:$0x3FFE];
	_ =	sdelay $0x1  }
0x8a: {  	s1 =	srdreg.scid  }
0x8b: {  	s0 =	sand.u32 $0x1, s1  }
0x8c: {  	s17 =	sshll.u32 s0, $0xA;
	s2 =	sadd.s32 s3, s2  }
0x8d: {  	s2 =	sadd.s32 s2, s17  }
0x8e: {  	[smem:$0x3FC5] =	sst s2  }
0x8f: {  	_ = 	snop  }
0x90: {  	s2 =	sld [smem:$0x3FC8]  }
0x91: {  	s18 =	sld [smem:$0x3FC7]  }
0x92: {  	s4 =	sld [smem:$0x3FD0];
	(tm) =	ssettm $0x1  }
0x93: {  	s5 =	sld [smem:$0x3FFB];
	_ =	sdelay $0x3  }
0x94: {  	_ =	strace s5  }
0x95: {  	s5 =	sld [smem:$0x3FFC];
	_ =	sdelay $0x3  }
0x96: {  	_ =	strace s5  }
0x97: {  	s5 =	sld [smem:$0x3FFD];
	_ =	sdelay $0x3  }
0x98: {  	_ =	strace s5  }
0x99: {  	_ =	strace $0x8FFFFFFF  }
0x9a: {  	s19 =	sld [smem:$0x3FDB];
	_ =	sdelay $0x1  }
0x9b: {  	s6 =	simm.s32 $_scs_section_size  }
0x9c: {  	s7 =	simm.s32 $_size__tile_overlayer_lowered;
	s8 =	simm.s32 $_tile_overlayer_lowered  }
0x9d: {  	s22 =	simm.s32 $0x1BFF;
	s21 =	sshll.u32 s8, $0x1;
	s5 =	sadd.s32 s6, s19  }
0x9e: {  	s9 =	simm.s32 $0x0;
	s20 =	sshll.u32 s7, $0x1;
	s7 =	sadd.s32 s21, s5  }
0x9f: {  	[timem:s9], [sflag:s22] =	dma.local [hbm:s7], s20  }
0xa0: {  	_ =	swait.ge [sflag:s22], s20  }
0xa1: {  	s6 =	ssub.s32 $0x0, s20;
	[sflag:s22] =	ssyncset.done $0x0  }
0xa2: {  	[sflag:s22] =	ssyncadd.s32 s6;
	_ =	sdelay $0x1  }
0xa3: {  	s23 =	simm.s32 $0x1B8B  }
0xa4: {  	_ =	swait.ge [sflag:s23], $0x1  }
0xa5: {  	[sflag:s23] =	ssyncset.done $0x0  }
0xa6: {  	s25 =	simm.s32 $0x1B8E;
	s24 =	sld [smem:$0x3FFE];
	[sflag:s23] =	ssyncadd.s32 $0xFFFFFFFF  }
0xa7: {  	s26 =	simm.s32 $execute0_lowered;
	[smem:$0x3FD2] =	sst s25  }
0xa8: {  	s7 =	sshll.u32 s26, $0x1;
	_ =	strace $0x80000046;
	[dreg:$0x1] =	wrdreg $0xFFFFFFFF  }
0xa9: {  	s28 =	simm.s32 $_size_execute0_lowered;
	s5 =	sadd.s32 s5, s7;
	[dreg:$0x0] =	wrdreg $0x0  }
0xaa: {  	s7 =	sshll.u32 s28, $0x1;
	[dreg:$0x2] =	wrdreg s5  }
0xab: {  	[dreg:$0x3] =	wrdreg s7  }
0xac: {  	[dreg:$0x4] =	wrdreg $0xC0  }
0xad: {  	_ =	task [dreg:s9], $0x5FFFF  }
0xae: {  	[dreg:$0x1] =	wrdreg $0xFFFFFFFF  }
0xaf: {  	[dreg:$0x0] =	wrdreg $0x60  }
0xb0: {  	[dreg:$0x2] =	wrdreg s24  }
0xb1: {  	[dreg:$0x3] =	wrdreg s2  }
0xb2: {  	[dreg:$0x4] =	wrdreg s18  }
0xb3: {  	[dreg:$0x5] =	wrdreg s4  }
0xb4: {  	[dreg:$0x6] =	wrdreg $0x9  }
0xb5: {  	_ =	task.clear_ibuf [dreg:s9], $0x7FFFF;
	_ =	strace $0x90000046  }
0xb6: {  	s29 =	simm.s32 $0x9;
	_ =	strace $0x80000048  }
0xb7: {  	_ =	swait.ge [sflag:s29], $0x1  }
0xb8: {  	[sflag:s29] =	ssyncadd.s32 $0xFFFFFFFF  }
0xb9: {  	_ =	strace $0x90000048  }
0xba: {  	_ =	sfence  }
0xbb: {  	s30 =	sld [smem:$0x0];
	_ =	sdelay $0x2  }
0xbc: {  	s31 =	sshll.u32 s1, $0xD;
	s1 =	sshrl.u32 s1, $0x2  }
0xbd: {  	s3 =	sand.u32 $0x4000, s31;
	s1 =	sadd.s32 s1, s30  }
0xbe: {  	s0 =	sor.u32 s3, s0;
	s1 =	sshll.u32 s1, $0x11  }
0xbf: {  	s0 =	sor.u32 s1, s0  }
0xc0: {  	s0 =	sadd.s32 $0x8F2B, s0  }
0xc1: {  	[sflag:s0] =	ssyncadd.remote.s32 $0x1  }
0xc2: {  	_ =	sfence.sel $0xFFFF  }
0xc3: {  	[dreg:$0x0] =	wrdreg $0xFFFFFFFF;
	(pc) =	sbr.abs _section_cstart, $3  }
0xc4: {  	[dreg:$0x1] =	wrdreg $0xFFFFFFFF  }
0xc5: {  	_ =	task.clear_ibuf [dreg:s9], $0x2FFFF;
	_ =	strace $0x9FFFFFFF  }
0xc6: {  	(tm) =	ssettm $0x7FFFFFFF  }
0xc7: {  	_ =	shalt  }
tec
execute0_lowered:
.L_overlay_start_1:
0x0: {  	(tag) =	ssettag $0x1  }
0x1: {  	s0 =	rddreg [dreg:$0x0]  }
0x2: {  	s1 =	rddreg [dreg:$0x1];
	s2 =	srdreg.scid  }
0x3: {  	s3 =	stileid.u32;
	s4 =	rddreg [dreg:$0x3];
	s5 =	simm.s32 $0x0  }
0x4: {  	s17 =	simm.s32 $0x68;
	s18 =	simm.s32 $0x2000;
	s19 =	simm.s32 $0x60  }
0x5: {  	s20 =	simm.s32 $0x5400;
	s22 =	simm.s32 $0x8800;
	s28 =	simm.s32 $0x1  }
0x6: {  	s29 =	simm.s32 $0xF000;
	s30 =	simm.s32 $0x2;
	s31 =	simm.s32 $0x12400  }
0x7: {  	s21 =	simm.s32 $0x8;
	s16 =	simm.s32 $0x6;
	s2 =	sand.u32 $0x1, s2  }
0x8: {  	s3 =	sshll.u32 s3, $0x6;
	s6 =	sshll.u32 s2, $0x5;
	s2 =	ssub.s32 $0x2, s2  }
0x9: {  	[smem:$0x7FF] =	sst s5;
	s6 =	sor.u32 s6, s3;
	s8 =	sshrl.u32 s2, $0x1  }
0xa: {  	s3 =	smul.u32 $0x6400, s6;
	s7 =	sshll.u32 s6, $0x4;
	s2 =	ssub.s32 s2, s8  }
0xb: {  	_ =	strace $0x80000047;
	s0 =	sadd.s32 s7, s0;
	s26 =	smax.u32 s2, $0x1  }
0xc: {  	s3 =	sshrl.u32 s3, $0x3;
	s7 =	sadd.s32 $0x4400, s0;
	[dreg:$0xb] =	wrdreg s26  }
0xd: {  	s0 =	sadd.s32 $0x400, s0;
	[dreg:$0x5] =	wrdreg s7;
	s23 =	sadd.s32 s4, s3  }
0xe: {  	s10 =	simm.s32 $0x0;
	[dreg:$0x6] =	wrdreg s0;
	s3 =	sadd.s32 $0x17700, s23  }
0xf: {  	s9 =	sor.u32 $0x1, s6;
	s24 =	sadd.s32 $0x17D80, s23;
	[dreg:$0x7] =	wrdreg s3  }
0x10: {  	s2 =	simm.s32 $0x3;
	s25 =	sadd.s32 $0x18380, s23;
	[dreg:$0x8] =	wrdreg s24  }
0x11: {  	s7 =	simm.s32 $0xA;
	s0 =	sadd.s32 $0x18A00, s23;
	[dreg:$0x9] =	wrdreg s25  }
0x12: {  	s23 =	simm.s32 $0x5;
	[dreg:$0xa] =	wrdreg s0;
	s24 =	simm.s32 $0xBC00  }
0x13: {  	s0 =	simm.s32 $0x7;
	s3 =	simm.s32 $0x4;
	s25 =	simm.s32 $0x9  }
.LBB2_1:
0x14: {  	[dreg:$0xc] =	wrdreg s10  }
0x15: {  	s8 =	rddreg [dreg:$0x5];
	s15 =	simm.s32 $0xE  }
0x16: {  	[tilespmem:s5], [sflag:$0xE] =	stream.linear.gather [hbm4b:s8+s5], $0x1000, $0x38;
	[tilespmem:$0x1BC00] =	vst v63  }
0x17: {  	_ =	swait.ge [sflag:s15], $0x1000  }
0x18: {  	[sflag:s15] =	ssyncset.done $0x0  }
0x19: {  	s11 =	simm.s32 $0x1000;
	s26 =	rddreg [dreg:$0x6];
	[sflag:s15] =	ssyncadd.s32 $0xFFFFF000  }
0x1a: {  	[tilespmem:s11], [sflag:$0xE] =	stream.linear.gather [hbm4b:s26+s5], $0x1000, $0x38;
	[tilespmem:$0x1BC00] =	vst v63  }
0x1b: {  	_ =	swait.ge [sflag:s15], $0x1000  }
0x1c: {  	[sflag:s15] =	ssyncset.done $0x0  }
0x1d: {  	[sflag:s15] =	ssyncadd.s32 $0xFFFFF000  }
0x1e: {  	[tilespmem:s18], [sflag:$0x1] =	stream.indirect.gather [hbm4b:s1+s17], $0x80, s5, s17, $0xb8;
	[tilespmem:$0x1BC00] =	vst v63  }
0x1f: {  	_ = 	snop  }
0x20: {  	[tilespmem:s20], [sflag:$0x2] =	stream.indirect.gather [hbm4b:s1+s19], $0x80, s11, s19, $0xb8;
	[tilespmem:$0x1BC00] =	vst v63  }
0x21: {  	s12 =	simm.s32 $0x80  }
0x22: {  	[tilespmem:s22], [sflag:$0x3] =	stream.indirect.gather [hbm4b:s1+s17], $0x80, s12, s17, $0xb8;
	[tilespmem:$0x1BC00] =	vst v63  }
0x23: {  	s13 =	simm.s32 $0x1080  }
0x24: {  	[tilespmem:s24], [sflag:$0x4] =	stream.indirect.gather [hbm4b:s1+s19], $0x80, s13, s19, $0xb8;
	[tilespmem:$0x1BC00] =	vst v63  }
0x25: {  	s26 =	simm.s32 $0xD;
	s15 =	simm.s32 $0x15800;
	s14 =	rddreg [dreg:$0x2]  }
0x26: {  	[tilespmem:s15], [sflag:$0xD] =	stream.linear.gather [hbm4b:s14+s5], $0x6400, $0x38;
	[tilespmem:$0x1BC00] =	vst v63  }
0x27: {  	_ =	swait.ge [sflag:s26], $0x6400  }
0x28: {  	[sflag:s26] =	ssyncset.done $0x0  }
0x29: {  	s12 =	simm.s32 $0x0;
	[sflag:s26] =	ssyncadd.s32 $0xFFFF9C00  }
.LBB2_2:
0x2a: {  	_ =	swait.ge [sflag:s28], $0x3400  }
0x2b: {  	p0 =	seq.s32 s12, $0x0;
	[sflag:s28] =	ssyncset.done $0x0  }
0x2c: {  	s14 =	smul.u32 $0x3, s12;
	s8 =	simm.s32 @!p0 $0xB;
	[sflag:s28] =	ssyncadd.s32 $0xFFFFCC00  }
0x2d: {  	_ =	swait.ge @!p0 [sflag:s8], $0x3400  }
0x2e: {  	s13 =	sadd.s32 $0x2, s14;
	[sflag:s8] =	ssyncset.done @!p0 $0x0  }
0x2f: {  	s26 =	sshll.u32 s13, $0x7;
	[sflag:s8] =	ssyncadd.s32 @!p0 $0xFFFFCC00;
	s8 =	simm.s32 $0x0  }
0x30: {  	[tilespmem:s29], [sflag:$0x5] =	stream.indirect.gather [hbm4b:s1+s17], $0x80, s26, s17, $0xb8;
	[tilespmem:$0x1BC00] =	vst v63  }
0x31: {  	v5 =	vld [tilespmem:s8+$0x15800]  }
0x32: {  	v4 =	vld [tilespmem:s8+$0x15810]  }
0x33: {  	v3 =	vld [tilespmem:s8+$0x15820]  }
0x34: {  	v2 =	vld [tilespmem:s8+$0x15830]  }
0x35: {  	v1 =	vld [tilespmem:s8+$0x15840]  }
0x36: {  	v0 =	vld [tilespmem:s8+$0x15850]  }
0x37: {  	v6 =	vld [tilespmem:s8+$0x2000]  }
0x38: {  	v11 =	vld [tilespmem:s8+$0x2010]  }
0x39: {  	v10 =	vld [tilespmem:s8+$0x2020]  }
0x3a: {  	v9 =	vld [tilespmem:s8+$0x2030]  }
0x3b: {  	v8 =	vld [tilespmem:s8+$0x2040]  }
0x3c: {  	v7 =	vld [tilespmem:s8+$0x2050];
	v12 =	vmul.f32 $1.131370830e+01, v6  }
0x3d: {  	s10 =	simm.s32 $0x200;
	v11 =	vmul.f32 $1.131370830e+01, v11;
	v6 =	vld [tilespmem:s8+$0x2060]  }
.LBB2_3:
0x3e: {  	p1 =	sne.s32 s10, $0xCE00;
	v5 =	vadd.f32 v5, v12;
	v10 =	vmul.f32 $1.131370830e+01, v10;
	v12 =	vld [tilespmem:s8+$0x2070]  }
0x3f: {  	v4 =	vadd.f32 v4, v11;
	v9 =	vmul.f32 $1.131370830e+01, v9;
	v11 =	vld [tilespmem:s8+$0x15860]  }
0x40: {  	s15 =	sshra.s32 s10, $0x2;
	[tilespmem:s8+$0x2000] =	vst v5;
	v3 =	vadd.f32 v3, v10;
	v8 =	vmul.f32 $1.131370830e+01, v8;
	v10 =	vld [tilespmem:s8+$0x15870]  }
0x41: {  	v5 =	vld [tilespmem:s15+$0x15800];
	[tilespmem:s8+$0x2010] =	vst v4;
	v2 =	vadd.f32 v2, v9;
	v7 =	vmul.f32 $1.131370830e+01, v7  }
0x42: {  	v4 =	vld [tilespmem:s15+$0x15810];
	[tilespmem:s8+$0x2020] =	vst v3;
	v1 =	vadd.f32 v1, v8;
	v6 =	vmul.f32 $1.131370830e+01, v6  }
0x43: {  	v3 =	vld [tilespmem:s15+$0x15820];
	[tilespmem:s8+$0x2030] =	vst v2;
	v0 =	vadd.f32 v0, v7;
	v7 =	vmul.f32 $1.131370830e+01, v12  }
0x44: {  	v2 =	vld [tilespmem:s15+$0x15830];
	[tilespmem:s8+$0x2040] =	vst v1;
	v6 =	vadd.f32 v11, v6  }
0x45: {  	v1 =	vld [tilespmem:s15+$0x15840];
	[tilespmem:s8+$0x2050] =	vst v0;
	v7 =	vadd.f32 v10, v7  }
0x46: {  	v0 =	vld [tilespmem:s15+$0x15850];
	[tilespmem:s8+$0x2060] =	vst v6  }
0x47: {  	v6 =	vld [tilespmem:s15+$0x2000];
	[tilespmem:s8+$0x2070] =	vst v7;
	s8 =	smov.u32 s15  }
0x48: {  	v11 =	vld [tilespmem:s8+$0x2010]  }
.Ltmp0:
0x49: {  	v10 =	vld [tilespmem:s8+$0x2020];
	(pc) =	sbr.rel @p1 .LBB2_3-.Ltmp0, $4  }
0x4a: {  	v9 =	vld [tilespmem:s8+$0x2030]  }
0x4b: {  	v8 =	vld [tilespmem:s8+$0x2040]  }
0x4c: {  	v12 =	vmul.f32 $1.131370830e+01, v6;
	v7 =	vld [tilespmem:s8+$0x2050]  }
0x4d: {  	s10 =	sadd.s32 $0x200, s10;
	v11 =	vmul.f32 $1.131370830e+01, v11;
	v6 =	vld [tilespmem:s8+$0x2060]  }
0x4e: {  	v5 =	vadd.f32 v5, v12;
	v12 =	vld [tilespmem:s8+$0x2070];
	v10 =	vmul.f32 $1.131370830e+01, v10  }
0x4f: {  	v13 =	vld [tilespmem:s8+$0x15860];
	v4 =	vadd.f32 v4, v11;
	v9 =	vmul.f32 $1.131370830e+01, v9  }
0x50: {  	[tilespmem:s8+$0x2000] =	vst v5;
	v3 =	vadd.f32 v3, v10;
	v5 =	vmul.f32 $1.131370830e+01, v8;
	v8 =	vld [tilespmem:s8+$0x15870]  }
0x51: {  	[tilespmem:s8+$0x2010] =	vst v4;
	v2 =	vadd.f32 v2, v9;
	v4 =	vmul.f32 $1.131370830e+01, v7  }
0x52: {  	[tilespmem:s8+$0x2020] =	vst v3;
	v1 =	vadd.f32 v1, v5;
	v3 =	vmul.f32 $1.131370830e+01, v6  }
0x53: {  	s10 =	sadd.s32 s6, s14;
	[tilespmem:s8+$0x2030] =	vst v2;
	v0 =	vadd.f32 v0, v4;
	v2 =	vmul.f32 $1.131370830e+01, v12  }
0x54: {  	s10 =	smul.u32 $0x6400, s10;
	[tilespmem:s8+$0x2040] =	vst v1;
	v1 =	vadd.f32 v13, v3  }
0x55: {  	[tilespmem:s8+$0x2050] =	vst v0;
	v0 =	vadd.f32 v8, v2  }
0x56: {  	s10 =	sshrl.u32 s10, $0x3;
	[tilespmem:s8+$0x2060] =	vst v1  }
0x57: {  	[tilespmem:s8+$0x2070] =	vst v0;
	s8 =	sadd.s32 s4, s10  }
0x58: {  	[hbm4b:s8+s5] =	stream.linear.scatter [tilespmem:s18], [sflag:$0x7], $0x3400, $0x38;
	[tilespmem:$0x1BC00] =	vst v63  }
0x59: {  	_ =	swait.ge [sflag:s30], $0x3000  }
0x5a: {  	[sflag:s30] =	ssyncset.done $0x0  }
0x5b: {  	s10 =	simm.s32 @!p0 $0xC;
	[sflag:s30] =	ssyncadd.s32 $0xFFFFD000  }
0x5c: {  	_ =	swait.ge @!p0 [sflag:s10], $0x3000  }
0x5d: {  	[sflag:s10] =	ssyncset.done @!p0 $0x0  }
0x5e: {  	s26 =	sadd.s32 $0x1000, s26;
	[sflag:s10] =	ssyncadd.s32 @!p0 $0xFFFFD000;
	s10 =	simm.s32 $0x0  }
0x5f: {  	[tilespmem:s31], [sflag:$0x6] =	stream.indirect.gather [hbm4b:s1+s19], $0x80, s26, s19, $0xb8;
	[tilespmem:$0x1BC00] =	vst v63  }
0x60: {  	v5 =	vld [tilespmem:s10+$0x18C00]  }
0x61: {  	v4 =	vld [tilespmem:s10+$0x18C10]  }
0x62: {  	v3 =	vld [tilespmem:s10+$0x18C20]  }
0x63: {  	v2 =	vld [tilespmem:s10+$0x18C30]  }
0x64: {  	v1 =	vld [tilespmem:s10+$0x18C40]  }
0x65: {  	v0 =	vld [tilespmem:s10+$0x18C50]  }
0x66: {  	v6 =	vld [tilespmem:s10+$0x5400]  }
0x67: {  	v11 =	vld [tilespmem:s10+$0x5410]  }
0x68: {  	v10 =	vld [tilespmem:s10+$0x5420]  }
0x69: {  	v9 =	vld [tilespmem:s10+$0x5430]  }
0x6a: {  	v8 =	vld [tilespmem:s10+$0x5440]  }
0x6b: {  	v7 =	vld [tilespmem:s10+$0x5450];
	v12 =	vmul.f32 $1.131370830e+01, v6  }
0x6c: {  	s26 =	simm.s32 $0x200;
	v11 =	vmul.f32 $1.131370830e+01, v11;
	v6 =	vld [tilespmem:s10+$0x5460]  }
.LBB2_5:
0x6d: {  	p0 =	sne.s32 s26, $0xBE00;
	v5 =	vadd.f32 v5, v12;
	v10 =	vmul.f32 $1.131370830e+01, v10;
	v12 =	vld [tilespmem:s10+$0x5470]  }
0x6e: {  	v4 =	vadd.f32 v4, v11;
	v9 =	vmul.f32 $1.131370830e+01, v9;
	v11 =	vld [tilespmem:s10+$0x18C60]  }
0x6f: {  	s15 =	sshra.s32 s26, $0x2;
	[tilespmem:s10+$0x5400] =	vst v5;
	v3 =	vadd.f32 v3, v10;
	v8 =	vmul.f32 $1.131370830e+01, v8;
	v10 =	vld [tilespmem:s10+$0x18C70]  }
0x70: {  	v5 =	vld [tilespmem:s15+$0x18C00];
	[tilespmem:s10+$0x5410] =	vst v4;
	v2 =	vadd.f32 v2, v9;
	v7 =	vmul.f32 $1.131370830e+01, v7  }
0x71: {  	v4 =	vld [tilespmem:s15+$0x18C10];
	[tilespmem:s10+$0x5420] =	vst v3;
	v1 =	vadd.f32 v1, v8;
	v6 =	vmul.f32 $1.131370830e+01, v6  }
0x72: {  	v3 =	vld [tilespmem:s15+$0x18C20];
	[tilespmem:s10+$0x5430] =	vst v2;
	v0 =	vadd.f32 v0, v7;
	v7 =	vmul.f32 $1.131370830e+01, v12  }
0x73: {  	v2 =	vld [tilespmem:s15+$0x18C30];
	[tilespmem:s10+$0x5440] =	vst v1;
	v6 =	vadd.f32 v11, v6  }
0x74: {  	v1 =	vld [tilespmem:s15+$0x18C40];
	[tilespmem:s10+$0x5450] =	vst v0;
	v7 =	vadd.f32 v10, v7  }
0x75: {  	v0 =	vld [tilespmem:s15+$0x18C50];
	[tilespmem:s10+$0x5460] =	vst v6  }
0x76: {  	v6 =	vld [tilespmem:s15+$0x5400];
	[tilespmem:s10+$0x5470] =	vst v7;
	s10 =	smov.u32 s15  }
0x77: {  	v11 =	vld [tilespmem:s10+$0x5410]  }
.Ltmp1:
0x78: {  	v10 =	vld [tilespmem:s10+$0x5420];
	(pc) =	sbr.rel @p0 .LBB2_5-.Ltmp1, $4  }
0x79: {  	v9 =	vld [tilespmem:s10+$0x5430]  }
0x7a: {  	v8 =	vld [tilespmem:s10+$0x5440]  }
0x7b: {  	v12 =	vmul.f32 $1.131370830e+01, v6;
	v7 =	vld [tilespmem:s10+$0x5450]  }
0x7c: {  	s26 =	sadd.s32 $0x200, s26;
	v11 =	vmul.f32 $1.131370830e+01, v11;
	v6 =	vld [tilespmem:s10+$0x5460]  }
0x7d: {  	v5 =	vadd.f32 v5, v12;
	v12 =	vld [tilespmem:s10+$0x5470];
	v10 =	vmul.f32 $1.131370830e+01, v10  }
0x7e: {  	v13 =	vld [tilespmem:s10+$0x18C60];
	v4 =	vadd.f32 v4, v11;
	v9 =	vmul.f32 $1.131370830e+01, v9  }
0x7f: {  	[tilespmem:s10+$0x5400] =	vst v5;
	v3 =	vadd.f32 v3, v10;
	v5 =	vmul.f32 $1.131370830e+01, v8;
	v8 =	vld [tilespmem:s10+$0x18C70]  }
0x80: {  	[tilespmem:s10+$0x5410] =	vst v4;
	v2 =	vadd.f32 v2, v9;
	v4 =	vmul.f32 $1.131370830e+01, v7  }
0x81: {  	[tilespmem:s10+$0x5420] =	vst v3;
	v1 =	vadd.f32 v1, v5;
	v3 =	vmul.f32 $1.131370830e+01, v6  }
0x82: {  	[tilespmem:s10+$0x5430] =	vst v2;
	v0 =	vadd.f32 v0, v4;
	v2 =	vmul.f32 $1.131370830e+01, v12  }
0x83: {  	[tilespmem:s10+$0x5440] =	vst v1;
	v1 =	vadd.f32 v13, v3  }
0x84: {  	[tilespmem:s10+$0x5450] =	vst v0;
	v0 =	vadd.f32 v8, v2  }
0x85: {  	[tilespmem:s10+$0x5460] =	vst v1  }
0x86: {  	s8 =	sadd.s32 $0x680, s8;
	s26 =	simm.s32 $0x0;
	[tilespmem:s10+$0x5470] =	vst v0  }
0x87: {  	[hbm4b:s8+s26] =	stream.linear.scatter [tilespmem:s20], [sflag:$0x8], $0x3000, $0x38;
	[tilespmem:$0x1BC00] =	vst v63  }
0x88: {  	_ =	swait.ge [sflag:s2], $0x3400  }
0x89: {  	[sflag:s2] =	ssyncset.done $0x0  }
0x8a: {  	[sflag:s2] =	ssyncadd.s32 $0xFFFFCC00  }
0x8b: {  	s26 =	smul.u32 $0x180, s12;
	_ =	swait.ge [sflag:s0], $0x3400  }
0x8c: {  	[sflag:s0] =	ssyncset.done $0x0  }
0x8d: {  	s10 =	simm.s32 $0x0;
	s8 =	sadd.s32 $0x180, s26;
	[sflag:s0] =	ssyncadd.s32 $0xFFFFCC00  }
0x8e: {  	[tilespmem:s18], [sflag:$0x1] =	stream.indirect.gather [hbm4b:s1+s17], $0x80, s8, s17, $0xb8;
	[tilespmem:$0x1BC00] =	vst v63  }
0x8f: {  	v5 =	vld [tilespmem:s10+$0x15800]  }
0x90: {  	v4 =	vld [tilespmem:s10+$0x15810]  }
0x91: {  	v3 =	vld [tilespmem:s10+$0x15820]  }
0x92: {  	v2 =	vld [tilespmem:s10+$0x15830]  }
0x93: {  	v1 =	vld [tilespmem:s10+$0x15840]  }
0x94: {  	v0 =	vld [tilespmem:s10+$0x15850]  }
0x95: {  	v6 =	vld [tilespmem:s10+$0x8800]  }
0x96: {  	v11 =	vld [tilespmem:s10+$0x8810]  }
0x97: {  	v10 =	vld [tilespmem:s10+$0x8820]  }
0x98: {  	v9 =	vld [tilespmem:s10+$0x8830]  }
0x99: {  	v8 =	vld [tilespmem:s10+$0x8840]  }
0x9a: {  	v7 =	vld [tilespmem:s10+$0x8850];
	v12 =	vmul.f32 $1.131370830e+01, v6  }
0x9b: {  	s15 =	simm.s32 $0x200;
	v11 =	vmul.f32 $1.131370830e+01, v11;
	v6 =	vld [tilespmem:s10+$0x8860]  }
.LBB2_7:
0x9c: {  	p0 =	sne.s32 s15, $0xCE00;
	v5 =	vadd.f32 v5, v12;
	v10 =	vmul.f32 $1.131370830e+01, v10;
	v12 =	vld [tilespmem:s10+$0x8870]  }
0x9d: {  	v4 =	vadd.f32 v4, v11;
	v9 =	vmul.f32 $1.131370830e+01, v9;
	v11 =	vld [tilespmem:s10+$0x15860]  }
0x9e: {  	s11 =	sshra.s32 s15, $0x2;
	[tilespmem:s10+$0x8800] =	vst v5;
	v3 =	vadd.f32 v3, v10;
	v8 =	vmul.f32 $1.131370830e+01, v8;
	v10 =	vld [tilespmem:s10+$0x15870]  }
0x9f: {  	v5 =	vld [tilespmem:s11+$0x15800];
	[tilespmem:s10+$0x8810] =	vst v4;
	v2 =	vadd.f32 v2, v9;
	v7 =	vmul.f32 $1.131370830e+01, v7  }
0xa0: {  	v4 =	vld [tilespmem:s11+$0x15810];
	[tilespmem:s10+$0x8820] =	vst v3;
	v1 =	vadd.f32 v1, v8;
	v6 =	vmul.f32 $1.131370830e+01, v6  }
0xa1: {  	v3 =	vld [tilespmem:s11+$0x15820];
	[tilespmem:s10+$0x8830] =	vst v2;
	v0 =	vadd.f32 v0, v7;
	v7 =	vmul.f32 $1.131370830e+01, v12  }
0xa2: {  	v2 =	vld [tilespmem:s11+$0x15830];
	[tilespmem:s10+$0x8840] =	vst v1;
	v6 =	vadd.f32 v11, v6  }
0xa3: {  	v1 =	vld [tilespmem:s11+$0x15840];
	[tilespmem:s10+$0x8850] =	vst v0;
	v7 =	vadd.f32 v10, v7  }
0xa4: {  	v0 =	vld [tilespmem:s11+$0x15850];
	[tilespmem:s10+$0x8860] =	vst v6  }
0xa5: {  	v6 =	vld [tilespmem:s11+$0x8800];
	[tilespmem:s10+$0x8870] =	vst v7;
	s10 =	smov.u32 s11  }
0xa6: {  	v11 =	vld [tilespmem:s10+$0x8810]  }
.Ltmp2:
0xa7: {  	v10 =	vld [tilespmem:s10+$0x8820];
	(pc) =	sbr.rel @p0 .LBB2_7-.Ltmp2, $4  }
0xa8: {  	v9 =	vld [tilespmem:s10+$0x8830]  }
0xa9: {  	v8 =	vld [tilespmem:s10+$0x8840]  }
0xaa: {  	v12 =	vmul.f32 $1.131370830e+01, v6;
	v7 =	vld [tilespmem:s10+$0x8850]  }
0xab: {  	s15 =	sadd.s32 $0x200, s15;
	v11 =	vmul.f32 $1.131370830e+01, v11;
	v6 =	vld [tilespmem:s10+$0x8860]  }
0xac: {  	v5 =	vadd.f32 v5, v12;
	v12 =	vld [tilespmem:s10+$0x8870];
	v10 =	vmul.f32 $1.131370830e+01, v10  }
0xad: {  	v13 =	vld [tilespmem:s10+$0x15860];
	v4 =	vadd.f32 v4, v11;
	v9 =	vmul.f32 $1.131370830e+01, v9  }
0xae: {  	[tilespmem:s10+$0x8800] =	vst v5;
	v3 =	vadd.f32 v3, v10;
	v5 =	vmul.f32 $1.131370830e+01, v8;
	v8 =	vld [tilespmem:s10+$0x15870]  }
0xaf: {  	[tilespmem:s10+$0x8810] =	vst v4;
	v2 =	vadd.f32 v2, v9;
	v4 =	vmul.f32 $1.131370830e+01, v7  }
0xb0: {  	[tilespmem:s10+$0x8820] =	vst v3;
	v1 =	vadd.f32 v1, v5;
	v3 =	vmul.f32 $1.131370830e+01, v6  }
0xb1: {  	s11 =	sadd.s32 s14, s9;
	[tilespmem:s10+$0x8830] =	vst v2;
	v0 =	vadd.f32 v0, v4;
	v2 =	vmul.f32 $1.131370830e+01, v12  }
0xb2: {  	s11 =	smul.u32 $0x6400, s11;
	[tilespmem:s10+$0x8840] =	vst v1;
	v1 =	vadd.f32 v13, v3  }
0xb3: {  	[tilespmem:s10+$0x8850] =	vst v0;
	v0 =	vadd.f32 v8, v2  }
0xb4: {  	s11 =	sshrl.u32 s11, $0x3;
	[tilespmem:s10+$0x8860] =	vst v1  }
0xb5: {  	s15 =	simm.s32 $0x0;
	s14 =	sadd.s32 s4, s11;
	[tilespmem:s10+$0x8870] =	vst v0  }
0xb6: {  	[hbm4b:s14+s15] =	stream.linear.scatter [tilespmem:s22], [sflag:$0x9], $0x3400, $0x38;
	[tilespmem:$0x1BC00] =	vst v63  }
0xb7: {  	_ =	swait.ge [sflag:s3], $0x3000  }
0xb8: {  	[sflag:s3] =	ssyncset.done $0x0  }
0xb9: {  	[sflag:s3] =	ssyncadd.s32 $0xFFFFD000  }
0xba: {  	_ =	swait.ge [sflag:s21], $0x3000  }
0xbb: {  	[sflag:s21] =	ssyncset.done $0x0  }
0xbc: {  	s8 =	sadd.s32 $0x1000, s8;
	[sflag:s21] =	ssyncadd.s32 $0xFFFFD000  }
0xbd: {  	[tilespmem:s20], [sflag:$0x2] =	stream.indirect.gather [hbm4b:s1+s19], $0x80, s8, s19, $0xb8;
	[tilespmem:$0x1BC00] =	vst v63  }
0xbe: {  	s8 =	simm.s32 $0x0  }
0xbf: {  	v5 =	vld [tilespmem:s8+$0x18C00]  }
0xc0: {  	v4 =	vld [tilespmem:s8+$0x18C10]  }
0xc1: {  	v3 =	vld [tilespmem:s8+$0x18C20]  }
0xc2: {  	v2 =	vld [tilespmem:s8+$0x18C30]  }
0xc3: {  	v1 =	vld [tilespmem:s8+$0x18C40]  }
0xc4: {  	v0 =	vld [tilespmem:s8+$0x18C50]  }
0xc5: {  	v6 =	vld [tilespmem:s8+$0xBC00]  }
0xc6: {  	v11 =	vld [tilespmem:s8+$0xBC10]  }
0xc7: {  	v10 =	vld [tilespmem:s8+$0xBC20]  }
0xc8: {  	v9 =	vld [tilespmem:s8+$0xBC30]  }
0xc9: {  	v8 =	vld [tilespmem:s8+$0xBC40]  }
0xca: {  	v7 =	vld [tilespmem:s8+$0xBC50];
	v12 =	vmul.f32 $1.131370830e+01, v6  }
0xcb: {  	s10 =	simm.s32 $0x200;
	v11 =	vmul.f32 $1.131370830e+01, v11;
	v6 =	vld [tilespmem:s8+$0xBC60]  }
.LBB2_9:
0xcc: {  	p0 =	sne.s32 s10, $0xBE00;
	v5 =	vadd.f32 v5, v12;
	v10 =	vmul.f32 $1.131370830e+01, v10;
	v12 =	vld [tilespmem:s8+$0xBC70]  }
0xcd: {  	v4 =	vadd.f32 v4, v11;
	v9 =	vmul.f32 $1.131370830e+01, v9;
	v11 =	vld [tilespmem:s8+$0x18C60]  }
0xce: {  	s11 =	sshra.s32 s10, $0x2;
	[tilespmem:s8+$0xBC00] =	vst v5;
	v3 =	vadd.f32 v3, v10;
	v8 =	vmul.f32 $1.131370830e+01, v8;
	v10 =	vld [tilespmem:s8+$0x18C70]  }
0xcf: {  	v5 =	vld [tilespmem:s11+$0x18C00];
	[tilespmem:s8+$0xBC10] =	vst v4;
	v2 =	vadd.f32 v2, v9;
	v7 =	vmul.f32 $1.131370830e+01, v7  }
0xd0: {  	v4 =	vld [tilespmem:s11+$0x18C10];
	[tilespmem:s8+$0xBC20] =	vst v3;
	v1 =	vadd.f32 v1, v8;
	v6 =	vmul.f32 $1.131370830e+01, v6  }
0xd1: {  	v3 =	vld [tilespmem:s11+$0x18C20];
	[tilespmem:s8+$0xBC30] =	vst v2;
	v0 =	vadd.f32 v0, v7;
	v7 =	vmul.f32 $1.131370830e+01, v12  }
0xd2: {  	v2 =	vld [tilespmem:s11+$0x18C30];
	[tilespmem:s8+$0xBC40] =	vst v1;
	v6 =	vadd.f32 v11, v6  }
0xd3: {  	v1 =	vld [tilespmem:s11+$0x18C40];
	[tilespmem:s8+$0xBC50] =	vst v0;
	v7 =	vadd.f32 v10, v7  }
0xd4: {  	v0 =	vld [tilespmem:s11+$0x18C50];
	[tilespmem:s8+$0xBC60] =	vst v6  }
0xd5: {  	v6 =	vld [tilespmem:s11+$0xBC00];
	[tilespmem:s8+$0xBC70] =	vst v7;
	s8 =	smov.u32 s11  }
0xd6: {  	v11 =	vld [tilespmem:s8+$0xBC10]  }
.Ltmp3:
0xd7: {  	v10 =	vld [tilespmem:s8+$0xBC20];
	(pc) =	sbr.rel @p0 .LBB2_9-.Ltmp3, $4  }
0xd8: {  	v9 =	vld [tilespmem:s8+$0xBC30]  }
0xd9: {  	v8 =	vld [tilespmem:s8+$0xBC40]  }
0xda: {  	v12 =	vmul.f32 $1.131370830e+01, v6;
	v7 =	vld [tilespmem:s8+$0xBC50]  }
0xdb: {  	s10 =	sadd.s32 $0x200, s10;
	v11 =	vmul.f32 $1.131370830e+01, v11;
	v6 =	vld [tilespmem:s8+$0xBC60]  }
0xdc: {  	v5 =	vadd.f32 v5, v12;
	v12 =	vld [tilespmem:s8+$0xBC70];
	v10 =	vmul.f32 $1.131370830e+01, v10  }
0xdd: {  	v13 =	vld [tilespmem:s8+$0x18C60];
	v4 =	vadd.f32 v4, v11;
	v9 =	vmul.f32 $1.131370830e+01, v9  }
0xde: {  	[tilespmem:s8+$0xBC00] =	vst v5;
	v3 =	vadd.f32 v3, v10;
	v5 =	vmul.f32 $1.131370830e+01, v8;
	v8 =	vld [tilespmem:s8+$0x18C70]  }
0xdf: {  	[tilespmem:s8+$0xBC10] =	vst v4;
	v2 =	vadd.f32 v2, v9;
	v4 =	vmul.f32 $1.131370830e+01, v7  }
0xe0: {  	[tilespmem:s8+$0xBC20] =	vst v3;
	v1 =	vadd.f32 v1, v5;
	v3 =	vmul.f32 $1.131370830e+01, v6  }
0xe1: {  	[tilespmem:s8+$0xBC30] =	vst v2;
	v0 =	vadd.f32 v0, v4;
	v2 =	vmul.f32 $1.131370830e+01, v12  }
0xe2: {  	[tilespmem:s8+$0xBC40] =	vst v1;
	v1 =	vadd.f32 v13, v3  }
0xe3: {  	[tilespmem:s8+$0xBC50] =	vst v0;
	v0 =	vadd.f32 v8, v2  }
0xe4: {  	[tilespmem:s8+$0xBC60] =	vst v1  }
0xe5: {  	s15 =	sadd.s32 $0x680, s14;
	s10 =	simm.s32 $0x0;
	[tilespmem:s8+$0xBC70] =	vst v0  }
0xe6: {  	[hbm4b:s15+s10] =	stream.linear.scatter [tilespmem:s24], [sflag:$0xA], $0x3000, $0x38;
	[tilespmem:$0x1BC00] =	vst v63  }
0xe7: {  	_ =	swait.ge [sflag:s23], $0x3400  }
0xe8: {  	[sflag:s23] =	ssyncset.done $0x0  }
0xe9: {  	[sflag:s23] =	ssyncadd.s32 $0xFFFFCC00  }
0xea: {  	_ =	swait.ge [sflag:s25], $0x3400  }
0xeb: {  	[sflag:s25] =	ssyncset.done $0x0  }
0xec: {  	s8 =	sadd.s32 $0x200, s26;
	s10 =	simm.s32 $0x0;
	[sflag:s25] =	ssyncadd.s32 $0xFFFFCC00  }
0xed: {  	[tilespmem:s22], [sflag:$0x3] =	stream.indirect.gather [hbm4b:s1+s17], $0x80, s8, s17, $0xb8;
	[tilespmem:$0x1BC00] =	vst v63  }
0xee: {  	v5 =	vld [tilespmem:s10+$0x15800]  }
0xef: {  	v4 =	vld [tilespmem:s10+$0x15810]  }
0xf0: {  	v3 =	vld [tilespmem:s10+$0x15820]  }
0xf1: {  	v2 =	vld [tilespmem:s10+$0x15830]  }
0xf2: {  	v1 =	vld [tilespmem:s10+$0x15840]  }
0xf3: {  	v0 =	vld [tilespmem:s10+$0x15850]  }
0xf4: {  	v6 =	vld [tilespmem:s10+$0xF000]  }
0xf5: {  	v11 =	vld [tilespmem:s10+$0xF010]  }
0xf6: {  	v10 =	vld [tilespmem:s10+$0xF020]  }
0xf7: {  	v9 =	vld [tilespmem:s10+$0xF030]  }
0xf8: {  	v8 =	vld [tilespmem:s10+$0xF040]  }
0xf9: {  	v7 =	vld [tilespmem:s10+$0xF050];
	v12 =	vmul.f32 $1.131370830e+01, v6  }
0xfa: {  	s14 =	simm.s32 $0x200;
	v11 =	vmul.f32 $1.131370830e+01, v11;
	v6 =	vld [tilespmem:s10+$0xF060]  }
.LBB2_11:
0xfb: {  	p0 =	sne.s32 s14, $0xCE00;
	v5 =	vadd.f32 v5, v12;
	v10 =	vmul.f32 $1.131370830e+01, v10;
	v12 =	vld [tilespmem:s10+$0xF070]  }
0xfc: {  	v4 =	vadd.f32 v4, v11;
	v9 =	vmul.f32 $1.131370830e+01, v9;
	v11 =	vld [tilespmem:s10+$0x15860]  }
0xfd: {  	s11 =	sshra.s32 s14, $0x2;
	[tilespmem:s10+$0xF000] =	vst v5;
	v3 =	vadd.f32 v3, v10;
	v8 =	vmul.f32 $1.131370830e+01, v8;
	v10 =	vld [tilespmem:s10+$0x15870]  }
0xfe: {  	v5 =	vld [tilespmem:s11+$0x15800];
	[tilespmem:s10+$0xF010] =	vst v4;
	v2 =	vadd.f32 v2, v9;
	v7 =	vmul.f32 $1.131370830e+01, v7  }
0xff: {  	v4 =	vld [tilespmem:s11+$0x15810];
	[tilespmem:s10+$0xF020] =	vst v3;
	v1 =	vadd.f32 v1, v8;
	v6 =	vmul.f32 $1.131370830e+01, v6  }
0x100: {  	v3 =	vld [tilespmem:s11+$0x15820];
	[tilespmem:s10+$0xF030] =	vst v2;
	v0 =	vadd.f32 v0, v7;
	v7 =	vmul.f32 $1.131370830e+01, v12  }
0x101: {  	v2 =	vld [tilespmem:s11+$0x15830];
	[tilespmem:s10+$0xF040] =	vst v1;
	v6 =	vadd.f32 v11, v6  }
0x102: {  	v1 =	vld [tilespmem:s11+$0x15840];
	[tilespmem:s10+$0xF050] =	vst v0;
	v7 =	vadd.f32 v10, v7  }
0x103: {  	v0 =	vld [tilespmem:s11+$0x15850];
	[tilespmem:s10+$0xF060] =	vst v6  }
0x104: {  	v6 =	vld [tilespmem:s11+$0xF000];
	[tilespmem:s10+$0xF070] =	vst v7;
	s10 =	smov.u32 s11  }
0x105: {  	v11 =	vld [tilespmem:s10+$0xF010]  }
.Ltmp4:
0x106: {  	v10 =	vld [tilespmem:s10+$0xF020];
	(pc) =	sbr.rel @p0 .LBB2_11-.Ltmp4, $4  }
0x107: {  	v9 =	vld [tilespmem:s10+$0xF030]  }
0x108: {  	v8 =	vld [tilespmem:s10+$0xF040]  }
0x109: {  	v12 =	vmul.f32 $1.131370830e+01, v6;
	v7 =	vld [tilespmem:s10+$0xF050]  }
0x10a: {  	s14 =	sadd.s32 $0x200, s14;
	v11 =	vmul.f32 $1.131370830e+01, v11;
	v6 =	vld [tilespmem:s10+$0xF060]  }
0x10b: {  	v5 =	vadd.f32 v5, v12;
	v12 =	vld [tilespmem:s10+$0xF070];
	v10 =	vmul.f32 $1.131370830e+01, v10  }
0x10c: {  	v13 =	vld [tilespmem:s10+$0x15860];
	v4 =	vadd.f32 v4, v11;
	v9 =	vmul.f32 $1.131370830e+01, v9  }
0x10d: {  	[tilespmem:s10+$0xF000] =	vst v5;
	v3 =	vadd.f32 v3, v10;
	v5 =	vmul.f32 $1.131370830e+01, v8;
	v8 =	vld [tilespmem:s10+$0x15870]  }
0x10e: {  	[tilespmem:s10+$0xF010] =	vst v4;
	v2 =	vadd.f32 v2, v9;
	v4 =	vmul.f32 $1.131370830e+01, v7  }
0x10f: {  	[tilespmem:s10+$0xF020] =	vst v3;
	v1 =	vadd.f32 v1, v5;
	v3 =	vmul.f32 $1.131370830e+01, v6  }
0x110: {  	s11 =	sadd.s32 s6, s13;
	[tilespmem:s10+$0xF030] =	vst v2;
	v0 =	vadd.f32 v0, v4;
	v2 =	vmul.f32 $1.131370830e+01, v12  }
0x111: {  	s11 =	smul.u32 $0x6400, s11;
	[tilespmem:s10+$0xF040] =	vst v1;
	v1 =	vadd.f32 v13, v3  }
0x112: {  	[tilespmem:s10+$0xF050] =	vst v0;
	v0 =	vadd.f32 v8, v2  }
0x113: {  	s11 =	sshrl.u32 s11, $0x3;
	[tilespmem:s10+$0xF060] =	vst v1  }
0x114: {  	s26 =	simm.s32 $0x0;
	s13 =	sadd.s32 s4, s11;
	[tilespmem:s10+$0xF070] =	vst v0  }
0x115: {  	[hbm4b:s13+s26] =	stream.linear.scatter [tilespmem:s29], [sflag:$0xB], $0x3400, $0x38;
	[tilespmem:$0x1BC00] =	vst v63  }
0x116: {  	_ =	swait.ge [sflag:s16], $0x3000  }
0x117: {  	[sflag:s16] =	ssyncset.done $0x0  }
0x118: {  	[sflag:s16] =	ssyncadd.s32 $0xFFFFD000  }
0x119: {  	_ =	swait.ge [sflag:s7], $0x3000  }
0x11a: {  	[sflag:s7] =	ssyncset.done $0x0  }
0x11b: {  	s8 =	sadd.s32 $0x1000, s8;
	[sflag:s7] =	ssyncadd.s32 $0xFFFFD000  }
0x11c: {  	[tilespmem:s24], [sflag:$0x4] =	stream.indirect.gather [hbm4b:s1+s19], $0x80, s8, s19, $0xb8;
	[tilespmem:$0x1BC00] =	vst v63  }
0x11d: {  	s8 =	simm.s32 $0x0  }
0x11e: {  	v5 =	vld [tilespmem:s8+$0x18C00]  }
0x11f: {  	v4 =	vld [tilespmem:s8+$0x18C10]  }
0x120: {  	v3 =	vld [tilespmem:s8+$0x18C20]  }
0x121: {  	v2 =	vld [tilespmem:s8+$0x18C30]  }
0x122: {  	v1 =	vld [tilespmem:s8+$0x18C40]  }
0x123: {  	v0 =	vld [tilespmem:s8+$0x18C50]  }
0x124: {  	v6 =	vld [tilespmem:s8+$0x12400]  }
0x125: {  	v11 =	vld [tilespmem:s8+$0x12410]  }
0x126: {  	v10 =	vld [tilespmem:s8+$0x12420]  }
0x127: {  	v9 =	vld [tilespmem:s8+$0x12430]  }
0x128: {  	v8 =	vld [tilespmem:s8+$0x12440]  }
0x129: {  	v7 =	vld [tilespmem:s8+$0x12450];
	v12 =	vmul.f32 $1.131370830e+01, v6  }
0x12a: {  	s10 =	simm.s32 $0x200;
	v11 =	vmul.f32 $1.131370830e+01, v11;
	v6 =	vld [tilespmem:s8+$0x12460]  }
.LBB2_13:
0x12b: {  	p0 =	sne.s32 s10, $0xBE00;
	v5 =	vadd.f32 v5, v12;
	v10 =	vmul.f32 $1.131370830e+01, v10;
	v12 =	vld [tilespmem:s8+$0x12470]  }
0x12c: {  	v4 =	vadd.f32 v4, v11;
	v9 =	vmul.f32 $1.131370830e+01, v9;
	v11 =	vld [tilespmem:s8+$0x18C60]  }
0x12d: {  	s11 =	sshra.s32 s10, $0x2;
	[tilespmem:s8+$0x12400] =	vst v5;
	v3 =	vadd.f32 v3, v10;
	v8 =	vmul.f32 $1.131370830e+01, v8;
	v10 =	vld [tilespmem:s8+$0x18C70]  }
0x12e: {  	v5 =	vld [tilespmem:s11+$0x18C00];
	[tilespmem:s8+$0x12410] =	vst v4;
	v2 =	vadd.f32 v2, v9;
	v7 =	vmul.f32 $1.131370830e+01, v7  }
0x12f: {  	v4 =	vld [tilespmem:s11+$0x18C10];
	[tilespmem:s8+$0x12420] =	vst v3;
	v1 =	vadd.f32 v1, v8;
	v6 =	vmul.f32 $1.131370830e+01, v6  }
0x130: {  	v3 =	vld [tilespmem:s11+$0x18C20];
	[tilespmem:s8+$0x12430] =	vst v2;
	v0 =	vadd.f32 v0, v7;
	v7 =	vmul.f32 $1.131370830e+01, v12  }
0x131: {  	v2 =	vld [tilespmem:s11+$0x18C30];
	[tilespmem:s8+$0x12440] =	vst v1;
	v6 =	vadd.f32 v11, v6  }
0x132: {  	v1 =	vld [tilespmem:s11+$0x18C40];
	[tilespmem:s8+$0x12450] =	vst v0;
	v7 =	vadd.f32 v10, v7  }
0x133: {  	v0 =	vld [tilespmem:s11+$0x18C50];
	[tilespmem:s8+$0x12460] =	vst v6  }
0x134: {  	v6 =	vld [tilespmem:s11+$0x12400];
	[tilespmem:s8+$0x12470] =	vst v7;
	s8 =	smov.u32 s11  }
0x135: {  	v11 =	vld [tilespmem:s8+$0x12410]  }
.Ltmp5:
0x136: {  	v10 =	vld [tilespmem:s8+$0x12420];
	(pc) =	sbr.rel @p0 .LBB2_13-.Ltmp5, $4  }
0x137: {  	v9 =	vld [tilespmem:s8+$0x12430]  }
0x138: {  	v8 =	vld [tilespmem:s8+$0x12440]  }
0x139: {  	v12 =	vmul.f32 $1.131370830e+01, v6;
	v7 =	vld [tilespmem:s8+$0x12450]  }
0x13a: {  	s10 =	sadd.s32 $0x200, s10;
	v11 =	vmul.f32 $1.131370830e+01, v11;
	v6 =	vld [tilespmem:s8+$0x12460]  }
0x13b: {  	v5 =	vadd.f32 v5, v12;
	v56 =	vld [tilespmem:s8+$0x12470];
	v10 =	vmul.f32 $1.131370830e+01, v10  }
0x13c: {  	v13 =	vld [tilespmem:s8+$0x18C60];
	v4 =	vadd.f32 v4, v11;
	v9 =	vmul.f32 $1.131370830e+01, v9  }
0x13d: {  	v58 =	vld [tilespmem:s8+$0x18C70];
	[tilespmem:s8+$0x12400] =	vst v5;
	v3 =	vadd.f32 v3, v10;
	v57 =	vmul.f32 $1.131370830e+01, v8  }
0x13e: {  	[tilespmem:s8+$0x12410] =	vst v4;
	v2 =	vadd.f32 v2, v9;
	v59 =	vmul.f32 $1.131370830e+01, v7  }
0x13f: {  	s12 =	sadd.s32 $0x1, s12;
	[tilespmem:s8+$0x12420] =	vst v3;
	v1 =	vadd.f32 v1, v57;
	v60 =	vmul.f32 $1.131370830e+01, v6  }
0x140: {  	p0 =	sne.s32 s12, $0xA;
	[tilespmem:s8+$0x12430] =	vst v2;
	v0 =	vadd.f32 v0, v59;
	v61 =	vmul.f32 $1.131370830e+01, v56  }
.Ltmp6:
0x141: {  	[tilespmem:s8+$0x12440] =	vst v1;
	v62 =	vadd.f32 v13, v60;
	(pc) =	sbr.rel @p0 .LBB2_2-.Ltmp6, $4  }
0x142: {  	[tilespmem:s8+$0x12450] =	vst v0;
	v63 =	vadd.f32 v58, v61  }
0x143: {  	[tilespmem:s8+$0x12460] =	vst v62  }
0x144: {  	s26 =	sadd.s32 $0x680, s13;
	[tilespmem:s8+$0x12470] =	vst v63  }
0x145: {  	[hbm4b:s26+s5] =	stream.linear.scatter [tilespmem:s31], [sflag:$0xC], $0x3000, $0x38;
	[tilespmem:$0x1BC00] =	vst v63  }
0x146: {  	_ =	swait.ge [sflag:s28], $0x3400  }
0x147: {  	[sflag:s28] =	ssyncset.done $0x0  }
0x148: {  	s8 =	simm.s32 $0x0;
	[sflag:s28] =	ssyncadd.s32 $0xFFFFCC00  }
0x149: {  	v5 =	vld [tilespmem:s8+$0x15800]  }
0x14a: {  	v4 =	vld [tilespmem:s8+$0x15810]  }
0x14b: {  	v3 =	vld [tilespmem:s8+$0x15820]  }
0x14c: {  	v2 =	vld [tilespmem:s8+$0x15830]  }
0x14d: {  	v1 =	vld [tilespmem:s8+$0x15840]  }
0x14e: {  	v0 =	vld [tilespmem:s8+$0x15850]  }
0x14f: {  	v6 =	vld [tilespmem:s8+$0x2000]  }
0x150: {  	v11 =	vld [tilespmem:s8+$0x2010]  }
0x151: {  	v10 =	vld [tilespmem:s8+$0x2020]  }
0x152: {  	v9 =	vld [tilespmem:s8+$0x2030]  }
0x153: {  	v8 =	vld [tilespmem:s8+$0x2040]  }
0x154: {  	v7 =	vld [tilespmem:s8+$0x2050];
	v12 =	vmul.f32 $1.131370830e+01, v6  }
0x155: {  	s10 =	simm.s32 $0x200;
	v11 =	vmul.f32 $1.131370830e+01, v11;
	v6 =	vld [tilespmem:s8+$0x2060]  }
.LBB2_16:
0x156: {  	p0 =	sne.s32 s10, $0xCE00;
	v5 =	vadd.f32 v5, v12;
	v10 =	vmul.f32 $1.131370830e+01, v10;
	v12 =	vld [tilespmem:s8+$0x2070]  }
0x157: {  	v4 =	vadd.f32 v4, v11;
	v9 =	vmul.f32 $1.131370830e+01, v9;
	v11 =	vld [tilespmem:s8+$0x15860]  }
0x158: {  	s11 =	sshra.s32 s10, $0x2;
	[tilespmem:s8+$0x2000] =	vst v5;
	v3 =	vadd.f32 v3, v10;
	v8 =	vmul.f32 $1.131370830e+01, v8;
	v10 =	vld [tilespmem:s8+$0x15870]  }
0x159: {  	v5 =	vld [tilespmem:s11+$0x15800];
	[tilespmem:s8+$0x2010] =	vst v4;
	v2 =	vadd.f32 v2, v9;
	v7 =	vmul.f32 $1.131370830e+01, v7  }
0x15a: {  	v4 =	vld [tilespmem:s11+$0x15810];
	[tilespmem:s8+$0x2020] =	vst v3;
	v1 =	vadd.f32 v1, v8;
	v6 =	vmul.f32 $1.131370830e+01, v6  }
0x15b: {  	v3 =	vld [tilespmem:s11+$0x15820];
	[tilespmem:s8+$0x2030] =	vst v2;
	v0 =	vadd.f32 v0, v7;
	v7 =	vmul.f32 $1.131370830e+01, v12  }
0x15c: {  	v2 =	vld [tilespmem:s11+$0x15830];
	[tilespmem:s8+$0x2040] =	vst v1;
	v6 =	vadd.f32 v11, v6  }
0x15d: {  	v1 =	vld [tilespmem:s11+$0x15840];
	[tilespmem:s8+$0x2050] =	vst v0;
	v7 =	vadd.f32 v10, v7  }
0x15e: {  	v0 =	vld [tilespmem:s11+$0x15850];
	[tilespmem:s8+$0x2060] =	vst v6  }
0x15f: {  	v6 =	vld [tilespmem:s11+$0x2000];
	[tilespmem:s8+$0x2070] =	vst v7;
	s8 =	smov.u32 s11  }
0x160: {  	v11 =	vld [tilespmem:s8+$0x2010]  }
.Ltmp7:
0x161: {  	v10 =	vld [tilespmem:s8+$0x2020];
	(pc) =	sbr.rel @p0 .LBB2_16-.Ltmp7, $4  }
0x162: {  	v9 =	vld [tilespmem:s8+$0x2030]  }
0x163: {  	v8 =	vld [tilespmem:s8+$0x2040]  }
0x164: {  	v12 =	vmul.f32 $1.131370830e+01, v6;
	v7 =	vld [tilespmem:s8+$0x2050]  }
0x165: {  	s10 =	sadd.s32 $0x200, s10;
	v11 =	vmul.f32 $1.131370830e+01, v11;
	v6 =	vld [tilespmem:s8+$0x2060]  }
0x166: {  	v5 =	vadd.f32 v5, v12;
	v12 =	vld [tilespmem:s8+$0x2070];
	v10 =	vmul.f32 $1.131370830e+01, v10  }
0x167: {  	v13 =	vld [tilespmem:s8+$0x15860];
	v4 =	vadd.f32 v4, v11;
	v9 =	vmul.f32 $1.131370830e+01, v9  }
0x168: {  	[tilespmem:s8+$0x2000] =	vst v5;
	v3 =	vadd.f32 v3, v10;
	v5 =	vmul.f32 $1.131370830e+01, v8;
	v8 =	vld [tilespmem:s8+$0x15870]  }
0x169: {  	[tilespmem:s8+$0x2010] =	vst v4;
	v2 =	vadd.f32 v2, v9;
	v4 =	vmul.f32 $1.131370830e+01, v7  }
0x16a: {  	[tilespmem:s8+$0x2020] =	vst v3;
	v1 =	vadd.f32 v1, v5;
	v3 =	vmul.f32 $1.131370830e+01, v6  }
0x16b: {  	[tilespmem:s8+$0x2030] =	vst v2;
	v0 =	vadd.f32 v0, v4;
	v2 =	vmul.f32 $1.131370830e+01, v12  }
0x16c: {  	[tilespmem:s8+$0x2040] =	vst v1;
	v1 =	vadd.f32 v13, v3  }
0x16d: {  	[tilespmem:s8+$0x2050] =	vst v0;
	v0 =	vadd.f32 v8, v2  }
0x16e: {  	[tilespmem:s8+$0x2060] =	vst v1  }
0x16f: {  	s26 =	simm.s32 $0x0;
	s10 =	rddreg [dreg:$0x7];
	[tilespmem:s8+$0x2070] =	vst v0  }
0x170: {  	[hbm4b:s10+s26] =	stream.linear.scatter [tilespmem:s18], [sflag:$0x7], $0x3400, $0x38;
	[tilespmem:$0x1BC00] =	vst v63  }
0x171: {  	_ =	swait.ge [sflag:s30], $0x3000  }
0x172: {  	[sflag:s30] =	ssyncset.done $0x0  }
0x173: {  	s8 =	simm.s32 $0x0;
	[sflag:s30] =	ssyncadd.s32 $0xFFFFD000  }
0x174: {  	v5 =	vld [tilespmem:s8+$0x18C00]  }
0x175: {  	v4 =	vld [tilespmem:s8+$0x18C10]  }
0x176: {  	v3 =	vld [tilespmem:s8+$0x18C20]  }
0x177: {  	v2 =	vld [tilespmem:s8+$0x18C30]  }
0x178: {  	v1 =	vld [tilespmem:s8+$0x18C40]  }
0x179: {  	v0 =	vld [tilespmem:s8+$0x18C50]  }
0x17a: {  	v6 =	vld [tilespmem:s8+$0x5400]  }
0x17b: {  	v11 =	vld [tilespmem:s8+$0x5410]  }
0x17c: {  	v10 =	vld [tilespmem:s8+$0x5420]  }
0x17d: {  	v9 =	vld [tilespmem:s8+$0x5430]  }
0x17e: {  	v8 =	vld [tilespmem:s8+$0x5440]  }
0x17f: {  	v7 =	vld [tilespmem:s8+$0x5450];
	v12 =	vmul.f32 $1.131370830e+01, v6  }
0x180: {  	s10 =	simm.s32 $0x200;
	v11 =	vmul.f32 $1.131370830e+01, v11;
	v6 =	vld [tilespmem:s8+$0x5460]  }
.LBB2_18:
0x181: {  	p0 =	sne.s32 s10, $0xBE00;
	v5 =	vadd.f32 v5, v12;
	v10 =	vmul.f32 $1.131370830e+01, v10;
	v12 =	vld [tilespmem:s8+$0x5470]  }
0x182: {  	v4 =	vadd.f32 v4, v11;
	v9 =	vmul.f32 $1.131370830e+01, v9;
	v11 =	vld [tilespmem:s8+$0x18C60]  }
0x183: {  	s11 =	sshra.s32 s10, $0x2;
	[tilespmem:s8+$0x5400] =	vst v5;
	v3 =	vadd.f32 v3, v10;
	v8 =	vmul.f32 $1.131370830e+01, v8;
	v10 =	vld [tilespmem:s8+$0x18C70]  }
0x184: {  	v5 =	vld [tilespmem:s11+$0x18C00];
	[tilespmem:s8+$0x5410] =	vst v4;
	v2 =	vadd.f32 v2, v9;
	v7 =	vmul.f32 $1.131370830e+01, v7  }
0x185: {  	v4 =	vld [tilespmem:s11+$0x18C10];
	[tilespmem:s8+$0x5420] =	vst v3;
	v1 =	vadd.f32 v1, v8;
	v6 =	vmul.f32 $1.131370830e+01, v6  }
0x186: {  	v3 =	vld [tilespmem:s11+$0x18C20];
	[tilespmem:s8+$0x5430] =	vst v2;
	v0 =	vadd.f32 v0, v7;
	v7 =	vmul.f32 $1.131370830e+01, v12  }
0x187: {  	v2 =	vld [tilespmem:s11+$0x18C30];
	[tilespmem:s8+$0x5440] =	vst v1;
	v6 =	vadd.f32 v11, v6  }
0x188: {  	v1 =	vld [tilespmem:s11+$0x18C40];
	[tilespmem:s8+$0x5450] =	vst v0;
	v7 =	vadd.f32 v10, v7  }
0x189: {  	v0 =	vld [tilespmem:s11+$0x18C50];
	[tilespmem:s8+$0x5460] =	vst v6  }
0x18a: {  	v6 =	vld [tilespmem:s11+$0x5400];
	[tilespmem:s8+$0x5470] =	vst v7;
	s8 =	smov.u32 s11  }
0x18b: {  	v11 =	vld [tilespmem:s8+$0x5410]  }
.Ltmp8:
0x18c: {  	v10 =	vld [tilespmem:s8+$0x5420];
	(pc) =	sbr.rel @p0 .LBB2_18-.Ltmp8, $4  }
0x18d: {  	v9 =	vld [tilespmem:s8+$0x5430]  }
0x18e: {  	v8 =	vld [tilespmem:s8+$0x5440]  }
0x18f: {  	v12 =	vmul.f32 $1.131370830e+01, v6;
	v7 =	vld [tilespmem:s8+$0x5450]  }
0x190: {  	s10 =	sadd.s32 $0x200, s10;
	v11 =	vmul.f32 $1.131370830e+01, v11;
	v6 =	vld [tilespmem:s8+$0x5460]  }
0x191: {  	v5 =	vadd.f32 v5, v12;
	v12 =	vld [tilespmem:s8+$0x5470];
	v10 =	vmul.f32 $1.131370830e+01, v10  }
0x192: {  	v13 =	vld [tilespmem:s8+$0x18C60];
	v4 =	vadd.f32 v4, v11;
	v9 =	vmul.f32 $1.131370830e+01, v9  }
0x193: {  	[tilespmem:s8+$0x5400] =	vst v5;
	v3 =	vadd.f32 v3, v10;
	v5 =	vmul.f32 $1.131370830e+01, v8;
	v8 =	vld [tilespmem:s8+$0x18C70]  }
0x194: {  	[tilespmem:s8+$0x5410] =	vst v4;
	v2 =	vadd.f32 v2, v9;
	v4 =	vmul.f32 $1.131370830e+01, v7  }
0x195: {  	[tilespmem:s8+$0x5420] =	vst v3;
	v1 =	vadd.f32 v1, v5;
	v3 =	vmul.f32 $1.131370830e+01, v6  }
0x196: {  	[tilespmem:s8+$0x5430] =	vst v2;
	v0 =	vadd.f32 v0, v4;
	v2 =	vmul.f32 $1.131370830e+01, v12  }
0x197: {  	[tilespmem:s8+$0x5440] =	vst v1;
	v1 =	vadd.f32 v13, v3  }
0x198: {  	[tilespmem:s8+$0x5450] =	vst v0;
	v0 =	vadd.f32 v8, v2  }
0x199: {  	[tilespmem:s8+$0x5460] =	vst v1  }
0x19a: {  	s26 =	simm.s32 $0x0;
	s10 =	rddreg [dreg:$0x8];
	[tilespmem:s8+$0x5470] =	vst v0  }
0x19b: {  	[hbm4b:s10+s26] =	stream.linear.scatter [tilespmem:s20], [sflag:$0x8], $0x3000, $0x38;
	[tilespmem:$0x1BC00] =	vst v63  }
0x19c: {  	_ =	swait.ge [sflag:s2], $0x3400  }
0x19d: {  	[sflag:s2] =	ssyncset.done $0x0  }
0x19e: {  	s8 =	simm.s32 $0x0;
	[sflag:s2] =	ssyncadd.s32 $0xFFFFCC00  }
0x19f: {  	v5 =	vld [tilespmem:s8+$0x15800]  }
0x1a0: {  	v4 =	vld [tilespmem:s8+$0x15810]  }
0x1a1: {  	v3 =	vld [tilespmem:s8+$0x15820]  }
0x1a2: {  	v2 =	vld [tilespmem:s8+$0x15830]  }
0x1a3: {  	v1 =	vld [tilespmem:s8+$0x15840]  }
0x1a4: {  	v0 =	vld [tilespmem:s8+$0x15850]  }
0x1a5: {  	v6 =	vld [tilespmem:s8+$0x8800]  }
0x1a6: {  	v11 =	vld [tilespmem:s8+$0x8810]  }
0x1a7: {  	v10 =	vld [tilespmem:s8+$0x8820]  }
0x1a8: {  	v9 =	vld [tilespmem:s8+$0x8830]  }
0x1a9: {  	v8 =	vld [tilespmem:s8+$0x8840]  }
0x1aa: {  	v7 =	vld [tilespmem:s8+$0x8850];
	v12 =	vmul.f32 $1.131370830e+01, v6  }
0x1ab: {  	s10 =	simm.s32 $0x200;
	v11 =	vmul.f32 $1.131370830e+01, v11;
	v6 =	vld [tilespmem:s8+$0x8860]  }
.LBB2_20:
0x1ac: {  	p0 =	sne.s32 s10, $0xCE00;
	v5 =	vadd.f32 v5, v12;
	v10 =	vmul.f32 $1.131370830e+01, v10;
	v12 =	vld [tilespmem:s8+$0x8870]  }
0x1ad: {  	v4 =	vadd.f32 v4, v11;
	v9 =	vmul.f32 $1.131370830e+01, v9;
	v11 =	vld [tilespmem:s8+$0x15860]  }
0x1ae: {  	s11 =	sshra.s32 s10, $0x2;
	[tilespmem:s8+$0x8800] =	vst v5;
	v3 =	vadd.f32 v3, v10;
	v8 =	vmul.f32 $1.131370830e+01, v8;
	v10 =	vld [tilespmem:s8+$0x15870]  }
0x1af: {  	v5 =	vld [tilespmem:s11+$0x15800];
	[tilespmem:s8+$0x8810] =	vst v4;
	v2 =	vadd.f32 v2, v9;
	v7 =	vmul.f32 $1.131370830e+01, v7  }
0x1b0: {  	v4 =	vld [tilespmem:s11+$0x15810];
	[tilespmem:s8+$0x8820] =	vst v3;
	v1 =	vadd.f32 v1, v8;
	v6 =	vmul.f32 $1.131370830e+01, v6  }
0x1b1: {  	v3 =	vld [tilespmem:s11+$0x15820];
	[tilespmem:s8+$0x8830] =	vst v2;
	v0 =	vadd.f32 v0, v7;
	v7 =	vmul.f32 $1.131370830e+01, v12  }
0x1b2: {  	v2 =	vld [tilespmem:s11+$0x15830];
	[tilespmem:s8+$0x8840] =	vst v1;
	v6 =	vadd.f32 v11, v6  }
0x1b3: {  	v1 =	vld [tilespmem:s11+$0x15840];
	[tilespmem:s8+$0x8850] =	vst v0;
	v7 =	vadd.f32 v10, v7  }
0x1b4: {  	v0 =	vld [tilespmem:s11+$0x15850];
	[tilespmem:s8+$0x8860] =	vst v6  }
0x1b5: {  	v6 =	vld [tilespmem:s11+$0x8800];
	[tilespmem:s8+$0x8870] =	vst v7;
	s8 =	smov.u32 s11  }
0x1b6: {  	v11 =	vld [tilespmem:s8+$0x8810]  }
.Ltmp9:
0x1b7: {  	v10 =	vld [tilespmem:s8+$0x8820];
	(pc) =	sbr.rel @p0 .LBB2_20-.Ltmp9, $4  }
0x1b8: {  	v9 =	vld [tilespmem:s8+$0x8830]  }
0x1b9: {  	v8 =	vld [tilespmem:s8+$0x8840]  }
0x1ba: {  	v12 =	vmul.f32 $1.131370830e+01, v6;
	v7 =	vld [tilespmem:s8+$0x8850]  }
0x1bb: {  	s10 =	sadd.s32 $0x200, s10;
	v11 =	vmul.f32 $1.131370830e+01, v11;
	v6 =	vld [tilespmem:s8+$0x8860]  }
0x1bc: {  	v5 =	vadd.f32 v5, v12;
	v12 =	vld [tilespmem:s8+$0x8870];
	v10 =	vmul.f32 $1.131370830e+01, v10  }
0x1bd: {  	v13 =	vld [tilespmem:s8+$0x15860];
	v4 =	vadd.f32 v4, v11;
	v9 =	vmul.f32 $1.131370830e+01, v9  }
0x1be: {  	[tilespmem:s8+$0x8800] =	vst v5;
	v3 =	vadd.f32 v3, v10;
	v5 =	vmul.f32 $1.131370830e+01, v8;
	v8 =	vld [tilespmem:s8+$0x15870]  }
0x1bf: {  	[tilespmem:s8+$0x8810] =	vst v4;
	v2 =	vadd.f32 v2, v9;
	v4 =	vmul.f32 $1.131370830e+01, v7  }
0x1c0: {  	[tilespmem:s8+$0x8820] =	vst v3;
	v1 =	vadd.f32 v1, v5;
	v3 =	vmul.f32 $1.131370830e+01, v6  }
0x1c1: {  	[tilespmem:s8+$0x8830] =	vst v2;
	v0 =	vadd.f32 v0, v4;
	v2 =	vmul.f32 $1.131370830e+01, v12  }
0x1c2: {  	[tilespmem:s8+$0x8840] =	vst v1;
	v1 =	vadd.f32 v13, v3  }
0x1c3: {  	[tilespmem:s8+$0x8850] =	vst v0;
	v0 =	vadd.f32 v8, v2  }
0x1c4: {  	[tilespmem:s8+$0x8860] =	vst v1  }
0x1c5: {  	s26 =	simm.s32 $0x0;
	s10 =	rddreg [dreg:$0x9];
	[tilespmem:s8+$0x8870] =	vst v0  }
0x1c6: {  	[hbm4b:s10+s26] =	stream.linear.scatter [tilespmem:s22], [sflag:$0x9], $0x3400, $0x38;
	[tilespmem:$0x1BC00] =	vst v63  }
0x1c7: {  	_ =	swait.ge [sflag:s3], $0x3000  }
0x1c8: {  	[sflag:s3] =	ssyncset.done $0x0  }
0x1c9: {  	s8 =	simm.s32 $0x0;
	[sflag:s3] =	ssyncadd.s32 $0xFFFFD000  }
0x1ca: {  	v5 =	vld [tilespmem:s8+$0x18C00]  }
0x1cb: {  	v4 =	vld [tilespmem:s8+$0x18C10]  }
0x1cc: {  	v3 =	vld [tilespmem:s8+$0x18C20]  }
0x1cd: {  	v2 =	vld [tilespmem:s8+$0x18C30]  }
0x1ce: {  	v1 =	vld [tilespmem:s8+$0x18C40]  }
0x1cf: {  	v0 =	vld [tilespmem:s8+$0x18C50]  }
0x1d0: {  	v6 =	vld [tilespmem:s8+$0xBC00]  }
0x1d1: {  	v11 =	vld [tilespmem:s8+$0xBC10]  }
0x1d2: {  	v10 =	vld [tilespmem:s8+$0xBC20]  }
0x1d3: {  	v9 =	vld [tilespmem:s8+$0xBC30]  }
0x1d4: {  	v8 =	vld [tilespmem:s8+$0xBC40]  }
0x1d5: {  	v7 =	vld [tilespmem:s8+$0xBC50];
	v12 =	vmul.f32 $1.131370830e+01, v6  }
0x1d6: {  	s10 =	simm.s32 $0x200;
	v11 =	vmul.f32 $1.131370830e+01, v11;
	v6 =	vld [tilespmem:s8+$0xBC60]  }
.LBB2_22:
0x1d7: {  	p0 =	sne.s32 s10, $0xBE00;
	v5 =	vadd.f32 v5, v12;
	v10 =	vmul.f32 $1.131370830e+01, v10;
	v12 =	vld [tilespmem:s8+$0xBC70]  }
0x1d8: {  	v4 =	vadd.f32 v4, v11;
	v9 =	vmul.f32 $1.131370830e+01, v9;
	v11 =	vld [tilespmem:s8+$0x18C60]  }
0x1d9: {  	s11 =	sshra.s32 s10, $0x2;
	[tilespmem:s8+$0xBC00] =	vst v5;
	v3 =	vadd.f32 v3, v10;
	v8 =	vmul.f32 $1.131370830e+01, v8;
	v10 =	vld [tilespmem:s8+$0x18C70]  }
0x1da: {  	v5 =	vld [tilespmem:s11+$0x18C00];
	[tilespmem:s8+$0xBC10] =	vst v4;
	v2 =	vadd.f32 v2, v9;
	v7 =	vmul.f32 $1.131370830e+01, v7  }
0x1db: {  	v4 =	vld [tilespmem:s11+$0x18C10];
	[tilespmem:s8+$0xBC20] =	vst v3;
	v1 =	vadd.f32 v1, v8;
	v6 =	vmul.f32 $1.131370830e+01, v6  }
0x1dc: {  	v3 =	vld [tilespmem:s11+$0x18C20];
	[tilespmem:s8+$0xBC30] =	vst v2;
	v0 =	vadd.f32 v0, v7;
	v7 =	vmul.f32 $1.131370830e+01, v12  }
0x1dd: {  	v2 =	vld [tilespmem:s11+$0x18C30];
	[tilespmem:s8+$0xBC40] =	vst v1;
	v6 =	vadd.f32 v11, v6  }
0x1de: {  	v1 =	vld [tilespmem:s11+$0x18C40];
	[tilespmem:s8+$0xBC50] =	vst v0;
	v7 =	vadd.f32 v10, v7  }
0x1df: {  	v0 =	vld [tilespmem:s11+$0x18C50];
	[tilespmem:s8+$0xBC60] =	vst v6  }
0x1e0: {  	v6 =	vld [tilespmem:s11+$0xBC00];
	[tilespmem:s8+$0xBC70] =	vst v7;
	s8 =	smov.u32 s11  }
0x1e1: {  	v11 =	vld [tilespmem:s8+$0xBC10]  }
.Ltmp10:
0x1e2: {  	v10 =	vld [tilespmem:s8+$0xBC20];
	(pc) =	sbr.rel @p0 .LBB2_22-.Ltmp10, $4  }
0x1e3: {  	v9 =	vld [tilespmem:s8+$0xBC30]  }
0x1e4: {  	v8 =	vld [tilespmem:s8+$0xBC40]  }
0x1e5: {  	v12 =	vmul.f32 $1.131370830e+01, v6;
	v7 =	vld [tilespmem:s8+$0xBC50]  }
0x1e6: {  	s10 =	sadd.s32 $0x200, s10;
	v11 =	vmul.f32 $1.131370830e+01, v11;
	v6 =	vld [tilespmem:s8+$0xBC60]  }
0x1e7: {  	v5 =	vadd.f32 v5, v12;
	v56 =	vld [tilespmem:s8+$0xBC70];
	v10 =	vmul.f32 $1.131370830e+01, v10  }
0x1e8: {  	v13 =	vld [tilespmem:s8+$0x18C60];
	v4 =	vadd.f32 v4, v11;
	v9 =	vmul.f32 $1.131370830e+01, v9  }
0x1e9: {  	v58 =	vld [tilespmem:s8+$0x18C70];
	[tilespmem:s8+$0xBC00] =	vst v5;
	v3 =	vadd.f32 v3, v10;
	v57 =	vmul.f32 $1.131370830e+01, v8  }
0x1ea: {  	[tilespmem:s8+$0xBC10] =	vst v4;
	v2 =	vadd.f32 v2, v9;
	v59 =	vmul.f32 $1.131370830e+01, v7  }
0x1eb: {  	[tilespmem:s8+$0xBC20] =	vst v3;
	v1 =	vadd.f32 v1, v57;
	v60 =	vmul.f32 $1.131370830e+01, v6  }
0x1ec: {  	[tilespmem:s8+$0xBC30] =	vst v2;
	v0 =	vadd.f32 v0, v59;
	v61 =	vmul.f32 $1.131370830e+01, v56  }
0x1ed: {  	[tilespmem:s8+$0xBC40] =	vst v1;
	v62 =	vadd.f32 v13, v60  }
0x1ee: {  	[tilespmem:s8+$0xBC50] =	vst v0;
	v63 =	vadd.f32 v58, v61  }
0x1ef: {  	[tilespmem:s8+$0xBC60] =	vst v62  }
0x1f0: {  	s13 =	rddreg [dreg:$0xa];
	s14 =	simm.s32 $0xB;
	[tilespmem:s8+$0xBC70] =	vst v63  }
0x1f1: {  	[hbm4b:s13+s5] =	stream.linear.scatter [tilespmem:s24], [sflag:$0xA], $0x3000, $0x38;
	[tilespmem:$0x1BC00] =	vst v63  }
0x1f2: {  	_ =	swait.ge [sflag:s14], $0x3400  }
0x1f3: {  	[sflag:s14] =	ssyncset.done $0x0  }
0x1f4: {  	s15 =	simm.s32 $0xC;
	[sflag:s14] =	ssyncadd.s32 $0xFFFFCC00  }
0x1f5: {  	_ =	swait.ge [sflag:s15], $0x3000  }
0x1f6: {  	[sflag:s15] =	ssyncset.done $0x0  }
0x1f7: {  	[sflag:s15] =	ssyncadd.s32 $0xFFFFD000  }
0x1f8: {  	_ =	swait.ge [sflag:s0], $0x3400  }
0x1f9: {  	[sflag:s0] =	ssyncset.done $0x0  }
0x1fa: {  	[sflag:s0] =	ssyncadd.s32 $0xFFFFCC00  }
0x1fb: {  	_ =	swait.ge [sflag:s21], $0x3000  }
0x1fc: {  	[sflag:s21] =	ssyncset.done $0x0  }
0x1fd: {  	[sflag:s21] =	ssyncadd.s32 $0xFFFFD000  }
0x1fe: {  	_ =	swait.ge [sflag:s25], $0x3400  }
0x1ff: {  	[sflag:s25] =	ssyncset.done $0x0  }
0x200: {  	[sflag:s25] =	ssyncadd.s32 $0xFFFFCC00  }
0x201: {  	_ =	swait.ge [sflag:s7], $0x3000  }
0x202: {  	s10 =	rddreg [dreg:$0xc]  }
0x203: {  	s26 =	rddreg [dreg:$0xb];
	s10 =	sadd.s32 $0x1, s10  }
0x204: {  	p0 =	sne.s32 s10, s26  }
.Ltmp11:
0x205: {  	_ = 	snop;
	(pc) =	sbr.rel @p0 .LBB2_1-.Ltmp11, $3  }
0x206: {  	_ =	sdelay $0x1  }
0x207: {  	[sflag:s7] =	ssyncset.done $0x0  }
0x208: {  	[sflag:s7] =	ssyncadd.s32 $0xFFFFD000  }
0x209: {  	_ =	sfence.sel $0x180000  }
0x20a: {  	[bflag:$0x0] =	sbarrier.arrive $0xFFFF  }
0x20b: {  	_ =	strace $0x90000047  }
0x20c: {  	s0 =	stileid.u32;
	[bflag:$0x2] =	sbarrier.arrive $0xFFFF  }
0x20d: {  	p0 =	sne.s32 s0, $0x0;
	s0 =	rddreg [dreg:$0x4]  }
0x20e: {  	s0 =	sadd.s32 @!p0 $0x100000, s0  }
0x20f: {  	[sflag:s0] =	ssyncadd.tile.s32 @!p0 $0x1;
	_ =	shalt  }
.Lfunc_end2:
_tile_overlayer_lowered:
.L_overlay_start_2:
0x210: {  	(tag) =	ssettag $0x2  }
0x211: {  	s0 =	rddreg [dreg:$0x0];
	s2 =	stileid.u32  }
0x212: {  	s1 =	rddreg [dreg:$0x1];
	p0 =	sne.s32 s2, $0x0  }
0x213: {  	s3 =	rddreg [dreg:$0x2];
	[bflag:$0x3] =	sbarrier.arrive $0xFFFF;
	s2 =	simm.s32 @!p0 $0x1C0E  }
0x214: {  	[timem:s3], [sflag:s2] =	dma.local @!p0 [hbm:s0], s1  }
0x215: {  	s0 =	simm.s32 @!p0 $0xE  }
0x216: {  	_ =	swait.ge @!p0 [sflag:s0], s1  }
0x217: {  	s1 =	ssub.s32 @!p0 $0x0, s1;
	[sflag:s0] =	ssyncset.done @!p0 $0x0  }
0x218: {  	[sflag:s0] =	ssyncadd.s32 @!p0 s1  }
0x219: {  	[bflag:$0x3] =	sbarrier.arrive $0xFFFF  }
0x21a: {  	_ =	shalt  }

</sc_bundles>
